<compile_context>
chip_gen: v7x
topology: tpu7x:2x2x1
jax: 0.10.2.dev20260603
libtpu: 0.0.44.dev20260713+nightly
codegen_flags: <defaults>
</compile_context>

<pallas_src>
import jax
import jax.numpy as jnp
from jax import lax
from jax.experimental import pallas as pl
from jax.experimental.pallas import tpu as pltpu
from jax.experimental.pallas import tpu_sc as plsc

NC = 2
NS = 16
LANES = 16


def _tc_pred(pred5, gtb3, barr, labarr, icarr, jcarr, *, C, H, W, P):
    def body(b_s, lab_s, ic_s, jc_s, pred_ref, gtb_ref, l1g_ref):
        p = pl.program_id(0)
        blk = pred_ref[0, 0]
        rmask = lax.broadcasted_iota(jnp.int32, (8, W * 4), 0) == ic_s[p] % 8
        cols = lax.broadcasted_iota(jnp.int32, (8, W * 4), 1)

        def sel(k):
            return jnp.sum(jnp.where(rmask & (cols == jc_s[p] * 4 + k), blk, 0.0))

        px1, py1, px2, py2 = sel(0), sel(1), sel(2), sel(3)
        gx1 = gtb_ref[0, 0, 0]
        gy1 = gtb_ref[0, 0, 1]
        gx2 = gtb_ref[0, 0, 2]
        gy2 = gtb_ref[0, 0, 3]

        l1 = (jnp.abs(px1 - gx1) + jnp.abs(py1 - gy1)
              + jnp.abs(px2 - gx2) + jnp.abs(py2 - gy2))
        inter = (jnp.maximum(jnp.minimum(px2, gx2) - jnp.maximum(px1, gx1), 0.0)
                 * jnp.maximum(jnp.minimum(py2, gy2) - jnp.maximum(py1, gy1), 0.0))
        a1 = (px2 - px1) * (py2 - py1)
        a2 = (gx2 - gx1) * (gy2 - gy1)
        union = a1 + a2 - inter
        iou = inter / (union + 1e-7)
        area = ((jnp.maximum(px2, gx2) - jnp.minimum(px1, gx1))
                * (jnp.maximum(py2, gy2) - jnp.minimum(py1, gy1)))
        giou = iou - (area - union) / (area + 1e-7)
        contrib = l1 * (1.0 / (P * 4)) + (1.0 - giou) * (1.0 / P)

        @pl.when(p == 0)
        def _():
            l1g_ref[...] = jnp.zeros((8, 128), jnp.float32)

        l1g_ref[...] = l1g_ref[...] + jnp.full((8, 128), contrib, jnp.float32)

    grid_spec = pltpu.PrefetchScalarGridSpec(
        num_scalar_prefetch=4,
        grid=(P,),
        in_specs=[
            pl.BlockSpec((1, 1, 8, W * 4),
                         lambda p, b_s, lab_s, ic_s, jc_s:
                         (b_s[p], lab_s[p], ic_s[p] // 8, 0)),
            pl.BlockSpec((1, 1, 4),
                         lambda p, b_s, lab_s, ic_s, jc_s: (p, 0, 0)),
        ],
        out_specs=pl.BlockSpec((8, 128),
                               lambda p, b_s, lab_s, ic_s, jc_s: (0, 0)),
    )
    return pl.pallas_call(
        body,
        grid_spec=grid_spec,
        out_shape=jax.ShapeDtypeStruct((8, 128), jnp.float32),
    )(barr, labarr, icarr, jcarr, pred5, gtb3)


def _sc_loss(cam1, gtb, gtl, *, B, C, H, W, N):
    P = B * N
    NW = NC * NS
    PPW = P // NW
    HW = H * W
    lam_cam = 2.0
    thresh = 0.3

    def body(cam_hbm, gtb_hbm, gtl_hbm, out_hbm,
             gtb_v, gtl_v, planes_v,
             contrib_v, big_v, idx0_v, shared, sem1):
        cid = lax.axis_index("c")
        sid = lax.axis_index("s")
        base_pair = (cid * NS + sid) * PPW

        pltpu.sync_copy(gtb_hbm, gtb_v)
        pltpu.sync_copy(gtl_hbm, gtl_v)

        lane = lax.broadcasted_iota(jnp.int32, (LANES,), 0)
        plsc.store_scatter(idx0_v, [lane], jnp.zeros((LANES,), jnp.int32),
                           mask=lane == 0)

        @pl.when(sid == 0)
        def _():
            big_v[0, :] = jnp.zeros((LANES,), jnp.float32)
            pltpu.sync_copy(big_v.at[pl.ds(0, 1)], shared)

        pair_lane = jnp.minimum(lane, PPW - 1)
        pr = base_pair + pair_lane

        lab = plsc.load_gather(gtl_v, [pr])
        xmin = plsc.load_gather(gtb_v, [pr * 4 + 0])
        ymin = plsc.load_gather(gtb_v, [pr * 4 + 1])
        xmax = plsc.load_gather(gtb_v, [pr * 4 + 2])
        ymax = plsc.load_gather(gtb_v, [pr * 4 + 3])
        bvec = pr // N

        i_min = jnp.clip((ymin * H).astype(jnp.int32), 0, H - 1)
        i_max = jnp.maximum(jnp.clip((ymax * H).astype(jnp.int32), 0, H - 1), i_min)
        j_min = jnp.clip((xmin * W).astype(jnp.int32), 0, W - 1)
        j_max = jnp.maximum(jnp.clip((xmax * W).astype(jnp.int32), 0, W - 1), j_min)
        plane = bvec * C + lab
        first_el = plane * HW

        copies = []
        for p in range(PPW):
            sel = lane == p
            fe = pl.multiple_of(jnp.sum(jnp.where(sel, first_el, 0)), W)
            copies.append(pltpu.async_copy(
                cam_hbm.at[pl.ds(fe, HW)], planes_v.at[p], sem1))
        for cp in copies:
            cp.wait()

        extra = jnp.zeros((LANES,), jnp.float32)
        for p in range(PPW):
            sel = lane == p
            imn = jnp.sum(jnp.where(sel, i_min, 0))
            imx = jnp.sum(jnp.where(sel, i_max, 0))
            jmn = jnp.sum(jnp.where(sel, j_min, 0))
            jmx = jnp.sum(jnp.where(sel, j_max, 0))

            def row_all(r, a, _p=p):
                off = r * W
                for k in range(W // LANES):
                    v = planes_v[_p, pl.ds(off + k * LANES, LANES)]
                    a = a + v * v
                return a

            acc = lax.fori_loop(0, H, row_all, jnp.zeros((LANES,), jnp.float32))
            sum_all = jnp.sum(acc)

            jmn_v = jnp.broadcast_to(jmn, (LANES,))
            jmx_v = jnp.broadcast_to(jmx, (LANES,))
            c0 = jmn // LANES
            c1 = jmx // LANES

            def row_rect(r, carry, _p=p):
                def col_rect(c, carry2):
                    mx2, sq2 = carry2
                    v = planes_v[_p, pl.ds(r * W + c * LANES, LANES)]
                    col = lane + c * LANES
                    mm = (col >= jmn_v) & (col <= jmx_v)
                    mx2 = jnp.maximum(mx2, jnp.where(mm, v, -1e9))
                    sq2 = sq2 + jnp.where(mm, v * v, 0.0)
                    return (mx2, sq2)
                return lax.fori_loop(c0, c1 + 1, col_rect, carry)

            mxv, sqv = lax.fori_loop(
                imn, imx + 1, row_rect,
                (jnp.full((LANES,), -1e9, jnp.float32),
                 jnp.zeros((LANES,), jnp.float32)))

            max_in = jnp.max(mxv)
            sum_in = jnp.sum(sqv)
            in_cnt = ((imx - imn + 1) * (jmx - jmn + 1)).astype(jnp.float32)
            out_cnt = jnp.float32(HW) - in_cnt
            num_v = jnp.broadcast_to(sum_all - sum_in, (LANES,))
            den_v = jnp.broadcast_to(out_cnt + 1e-7, (LANES,))
            relu_v = jnp.broadcast_to(jnp.maximum(thresh - max_in, 0.0), (LANES,))
            extra = extra + jnp.where(lane == 0,
                                      (num_v / den_v + relu_v) * (lam_cam / P),
                                      0.0)

        contrib_v[0, :] = extra

        plsc.subcore_barrier()
        pltpu.sync_copy(contrib_v, shared.at[idx0_v], add=True)
        plsc.subcore_barrier()

        @pl.when(sid == 0)
        def _():
            pltpu.sync_copy(shared, big_v.at[pl.ds(0, 1)])
            total = jnp.sum(big_v[0, :])
            big_v[0, :] = jnp.where(lane == 0, total, 0.0)
            pltpu.sync_copy(big_v.at[pl.ds(0, 1)], out_hbm.at[pl.ds(cid, 1)])

    mesh = plsc.VectorSubcoreMesh(
        core_axis_name="c", subcore_axis_name="s",
        num_cores=NC, num_subcores=NS)
    f = pl.kernel(
        body,
        out_type=jax.ShapeDtypeStruct((NC, LANES), jnp.float32),
        mesh=mesh,
        compiler_params=pltpu.CompilerParams(needs_layout_passes=False),
        scratch_types=[
            pltpu.VMEM((P * 4,), jnp.float32),
            pltpu.VMEM((P,), jnp.int32),
            pltpu.VMEM((PPW, HW), jnp.float32),
            pltpu.VMEM((1, LANES), jnp.float32),
            pltpu.VMEM((1, LANES), jnp.float32),
            pltpu.VMEM((1,), jnp.int32),
            pltpu.VMEM_SHARED((1, LANES), jnp.float32),
            pltpu.SemaphoreType.DMA,
        ],
    )
    return f(cam1, gtb, gtl)


@jax.jit
def kernel(cam, pred_boxes, gt_boxes, gt_labels):
    B, C, H, W, _ = pred_boxes.shape
    N = gt_labels.shape[1]
    P = B * N

    labarr = gt_labels.reshape(P).astype(jnp.int32)
    barr = jnp.broadcast_to(jnp.arange(B, dtype=jnp.int32)[:, None],
                            (B, N)).reshape(P)
    gtbf = gt_boxes.reshape(P, 4)
    icarr = jnp.clip(((gtbf[:, 1] + gtbf[:, 3]) * (0.5 * H)).astype(jnp.int32),
                     0, H - 1)
    jcarr = jnp.clip(((gtbf[:, 0] + gtbf[:, 2]) * (0.5 * W)).astype(jnp.int32),
                     0, W - 1)

    gtb3 = gt_boxes.reshape(P, 1, 4)
    pred4 = pred_boxes.reshape(B, C, H, W * 4)
    l1g = _tc_pred(pred4, gtb3, barr, labarr, icarr, jcarr,
                   C=C, H=H, W=W, P=P)

    cam1 = cam.reshape(B * C * H * W)
    gtb = gt_boxes.reshape(P * 4)
    out = _sc_loss(cam1, gtb, labarr, B=B, C=C, H=H, W=W, N=N)
    return out[0, 0] + out[1, 0] + l1g[0, 0]

# --- scband reference (transcript-rebuilt; emitter-appended) ---
"""Pipeline reference for scband-combined-improved-detection-loss-16973710754156 (READ-ONLY COPY).

The authoritative reference and input builder live on the scoring server;
editing this copy changes nothing except your own understanding.
"""

import jax, jax.numpy as jnp
import numpy as np


def _giou(b1, b2):
    x1 = jnp.maximum(b1[..., 0], b2[..., 0])
    y1 = jnp.maximum(b1[..., 1], b2[..., 1])
    x2 = jnp.minimum(b1[..., 2], b2[..., 2])
    y2 = jnp.minimum(b1[..., 3], b2[..., 3])
    inter = jnp.clip(x2 - x1, 0.0) * jnp.clip(y2 - y1, 0.0)
    a1 = (b1[..., 2] - b1[..., 0]) * (b1[..., 3] - b1[..., 1])
    a2 = (b2[..., 2] - b2[..., 0]) * (b2[..., 3] - b2[..., 1])
    union = a1 + a2 - inter
    iou = inter / (union + 1e-7)
    ex1 = jnp.minimum(b1[..., 0], b2[..., 0])
    ey1 = jnp.minimum(b1[..., 1], b2[..., 1])
    ex2 = jnp.maximum(b1[..., 2], b2[..., 2])
    ey2 = jnp.maximum(b1[..., 3], b2[..., 3])
    area = (ex2 - ex1) * (ey2 - ey1)
    return iou - (area - union) / (area + 1e-7)


def setup_inputs(seed: int = 0) -> dict:
    key = jax.random.key(seed)
    k1, k2, k3, k4 = jax.random.split(key, 4)
    B, C, H, W, N = 4, 80, 128, 128, 32
    cam = jax.random.uniform(k1, (B, C, H, W), dtype=jnp.float32)
    pr = jax.random.uniform(k2, (B, C, H, W, 4), dtype=jnp.float32)
    pcx = 0.1 + 0.8 * pr[..., 0]
    pcy = 0.1 + 0.8 * pr[..., 1]
    pw = 0.05 + 0.25 * pr[..., 2]
    ph = 0.05 + 0.25 * pr[..., 3]
    pred_boxes = jnp.stack([pcx - pw / 2, pcy - ph / 2, pcx + pw / 2, pcy + ph / 2], axis=-1)
    gr = jax.random.uniform(k3, (B, N, 4), dtype=jnp.float32)
    gcx = 0.15 + 0.7 * gr[..., 0]
    gcy = 0.15 + 0.7 * gr[..., 1]
    gw = 0.05 + 0.2 * gr[..., 2]
    gh = 0.05 + 0.2 * gr[..., 3]
    gt_boxes = jnp.stack([gcx - gw / 2, gcy - gh / 2, gcx + gw / 2, gcy + gh / 2], axis=-1)
    gt_labels = jax.random.randint(k4, (B, N), 0, C, dtype=jnp.int32)
    return {"cam": cam, "pred_boxes": pred_boxes, "gt_boxes": gt_boxes, "gt_labels": gt_labels}


def reference(cam, pred_boxes, gt_boxes, gt_labels):
    B, C, H, W, _ = pred_boxes.shape
    lambda_l1, lambda_giou, lambda_cam = 1.0, 1.0, 2.0
    cam_peak_threshold = 0.3
    xmin, ymin, xmax, ymax = gt_boxes[..., 0], gt_boxes[..., 1], gt_boxes[..., 2], gt_boxes[..., 3]
    i_c = jnp.clip(((ymin + ymax) / 2 * H).astype(jnp.int32), 0, H - 1)
    j_c = jnp.clip(((xmin + xmax) / 2 * W).astype(jnp.int32), 0, W - 1)
    b_idx = jnp.broadcast_to(jnp.arange(B)[:, None], i_c.shape)
    pred_sel = pred_boxes[b_idx, gt_labels, i_c, j_c]
    loss_l1 = jnp.mean(jnp.abs(pred_sel - gt_boxes))
    loss_giou = jnp.mean(1.0 - _giou(pred_sel, gt_boxes))
    cam_sel = cam[b_idx, gt_labels]
    ii = jnp.arange(H)[:, None]
    jj = jnp.arange(W)[None, :]
    i_min = jnp.clip((ymin * H).astype(jnp.int32), 0, H - 1)
    i_max = jnp.maximum(jnp.clip((ymax * H).astype(jnp.int32), 0, H - 1), i_min)
    j_min = jnp.clip((xmin * W).astype(jnp.int32), 0, W - 1)
    j_max = jnp.maximum(jnp.clip((xmax * W).astype(jnp.int32), 0, W - 1), j_min)
    mask_in = ((ii >= i_min[..., None, None]) & (ii <= i_max[..., None, None]) & (jj >= j_min[..., None, None]) & (jj <= j_max[..., None, None]))
    mask_f = mask_in.astype(cam.dtype)
    max_in = jnp.max(jnp.where(mask_in, cam_sel, -1e9), axis=(-2, -1))
    loss_cam = jnp.mean(jax.nn.relu(cam_peak_threshold - max_in))
    out_w = 1.0 - mask_f
    loss_cam_peak = jnp.mean(jnp.sum(cam_sel ** 2 * out_w, axis=(-2, -1)) / (jnp.sum(out_w, axis=(-2, -1)) + 1e-7))
    total = lambda_l1 * loss_l1 + lambda_giou * loss_giou + lambda_cam * (loss_cam + loss_cam_peak)
    return total

if __name__ == "__main__":
    import jax
    _d = setup_inputs()
    print(jax.jit(kernel)(*tuple(_d.values())))

</pallas_src>

<mosaic_0001>
#map = affine_map<(d0, d1) -> (0)>
#map1 = affine_map<(d0, d1) -> (0, 0)>
module attributes {stable_mosaic.version = 14 : i64} {
  func.func @body(%arg0: i32, %arg1: i32, %arg2: memref<5242880xf32, #tpu.memory_space<hbm>>, %arg3: memref<512xf32, #tpu.memory_space<hbm>>, %arg4: memref<128xi32, #tpu.memory_space<hbm>>, %arg5: memref<2x16xf32, #tpu.memory_space<hbm>>, %arg6: memref<512xf32, #tpu.memory_space<vmem>>, %arg7: memref<128xi32, #tpu.memory_space<vmem>>, %arg8: memref<4x16384xf32, #tpu.memory_space<vmem>>, %arg9: memref<1x16xf32, #tpu.memory_space<vmem>>, %arg10: memref<1x16xf32, #tpu.memory_space<vmem>>, %arg11: memref<1xi32, #tpu.memory_space<vmem>>, %arg12: memref<1x16xf32, #tpu.memory_space<vmem_shared>>, %arg13: memref<!tpu.dma_semaphore, #tpu.memory_space<semaphore_mem>>) attributes {dimension_semantics = [#tpu.dimension_semantics<core_parallel>, #tpu.dimension_semantics<subcore_parallel>], iteration_bounds = array<i64: 2, 16>, scalar_prefetch = 0 : i64, scratch_operands = 8 : i64, tpu.core_type = #tpu.core_type<sc_vector_subcore>, window_params = [{transform_indices = #map}, {transform_indices = #map}, {transform_indices = #map}, {transform_indices = #map1}]} {
    %mul3A = arith.constant 16 : i32
    %mul3A_0 = arith.muli %arg0, %mul3A : i32
    %add3A = arith.addi %mul3A_0, %arg1 : i32
    %mul3A_1 = arith.constant 4 : i32
    %mul3A_2 = arith.muli %add3A, %mul3A_1 : i32
    "tpu.region"() ({
      %run_scoped3A = tpu.sem_alloc : memref<!tpu.dma_semaphore, #tpu.memory_space<semaphore_mem>>
      tpu.enqueue_dma source(%arg3 : memref<512xf32, #tpu.memory_space<hbm>>) target(%arg6 : memref<512xf32, #tpu.memory_space<vmem>>) target_semaphore(%run_scoped3A : memref<!tpu.dma_semaphore, #tpu.memory_space<semaphore_mem>>)
      tpu.wait_dma2 semaphore(%run_scoped3A : memref<!tpu.dma_semaphore, #tpu.memory_space<semaphore_mem>>) src(%arg3 : memref<512xf32, #tpu.memory_space<hbm>>) dst(%arg6 : memref<512xf32, #tpu.memory_space<vmem>>)
      tpu.yield
    }) : () -> ()
    "tpu.region"() ({
      %run_scoped3A = tpu.sem_alloc : memref<!tpu.dma_semaphore, #tpu.memory_space<semaphore_mem>>
      tpu.enqueue_dma source(%arg4 : memref<128xi32, #tpu.memory_space<hbm>>) target(%arg7 : memref<128xi32, #tpu.memory_space<vmem>>) target_semaphore(%run_scoped3A : memref<!tpu.dma_semaphore, #tpu.memory_space<semaphore_mem>>)
      tpu.wait_dma2 semaphore(%run_scoped3A : memref<!tpu.dma_semaphore, #tpu.memory_space<semaphore_mem>>) src(%arg4 : memref<128xi32, #tpu.memory_space<hbm>>) dst(%arg7 : memref<128xi32, #tpu.memory_space<vmem>>)
      tpu.yield
    }) : () -> ()
    %iota3A = tpu.iota {dimensions = array<i32: 0>} : vector<16xi32>
    %broadcast_in_dim3A = arith.constant 0 : i32
    %broadcast_in_dim3A_3 = vector.broadcast %broadcast_in_dim3A : i32 to vector<16xi32>
    %eq3A = arith.constant 0 : i32
    %eq3A_4 = vector.broadcast %eq3A : i32 to vector<16xi32>
    %eq3A_5 = arith.cmpi eq, %iota3A, %eq3A_4 : vector<16xi32>
    tpu.vector_store_idx %arg11[%iota3A], %broadcast_in_dim3A_3 masked %eq3A_5 : memref<1xi32, #tpu.memory_space<vmem>>[vector<16xi32>], vector<16xi32>, vector<16xi1>
    %eq3A_6 = arith.constant 0 : i32
    %eq3A_7 = arith.cmpi eq, %arg1, %eq3A_6 : i32
    %convert_element_type3A = arith.extui %eq3A_7 : i1 to i32
    %cond3A = arith.constant 0 : i32
    %cond3A_8 = arith.cmpi ne, %convert_element_type3A, %cond3A : i32
    scf.if %cond3A_8 {
      %broadcast_in_dim3A_828 = arith.constant 0.000000e+00 : f32
      %broadcast_in_dim3A_829 = vector.broadcast %broadcast_in_dim3A_828 : f32 to vector<16xf32>
      %swap3A_830 = arith.constant 0 : i32
      %swap3A_831 = arith.index_cast %swap3A_830 : i32 to index
      %swap3A_832 = arith.constant 0 : index
      %swap3A_833 = tpu.vector_load %arg10[%swap3A_831, %swap3A_832] {strides = array<i32>} : memref<1x16xf32, #tpu.memory_space<vmem>>, vector<16xf32>,
      tpu.vector_store %arg10[%swap3A_831, %swap3A_832], %broadcast_in_dim3A_829 {strides = array<i32>} : memref<1x16xf32, #tpu.memory_space<vmem>>, vector<16xf32>,
      "tpu.region"() ({
        %run_scoped3A = tpu.sem_alloc : memref<!tpu.dma_semaphore, #tpu.memory_space<semaphore_mem>>
        %dma_start3A_834 = arith.constant 0 : i32
        %dma_start3A_835 = arith.constant 0 : i32
        %dma_start3A_836 = tpu.memref_slice %arg10[%dma_start3A_834, %dma_start3A_835] : memref<1x16xf32, #tpu.memory_space<vmem>> -> memref<1x16xf32, #tpu.memory_space<vmem>>
        %dma_start3A_837 = arith.constant 0 : i32
        %dma_start3A_838 = arith.constant 0 : i32
        %dma_start3A_839 = tpu.memref_slice %arg10[%dma_start3A_837, %dma_start3A_838] : memref<1x16xf32, #tpu.memory_space<vmem>> -> memref<1x16xf32, #tpu.memory_space<vmem>>
        tpu.enqueue_dma source(%dma_start3A_839 : memref<1x16xf32, #tpu.memory_space<vmem>>) target(%arg12 : memref<1x16xf32, #tpu.memory_space<vmem_shared>>) target_semaphore(%run_scoped3A : memref<!tpu.dma_semaphore, #tpu.memory_space<semaphore_mem>>)
        %dma_wait3A_840 = arith.constant 0 : i32
        %dma_wait3A_841 = arith.constant 0 : i32
        %dma_wait3A_842 = tpu.memref_slice %arg10[%dma_wait3A_840, %dma_wait3A_841] : memref<1x16xf32, #tpu.memory_space<vmem>> -> memref<1x16xf32, #tpu.memory_space<vmem>>
        %dma_wait3A_843 = arith.constant 0 : i32
        %dma_wait3A_844 = arith.constant 0 : i32
        %dma_wait3A_845 = tpu.memref_slice %arg10[%dma_wait3A_843, %dma_wait3A_844] : memref<1x16xf32, #tpu.memory_space<vmem>> -> memref<1x16xf32, #tpu.memory_space<vmem>>
        tpu.wait_dma2 semaphore(%run_scoped3A : memref<!tpu.dma_semaphore, #tpu.memory_space<semaphore_mem>>) src(%dma_wait3A_845 : memref<1x16xf32, #tpu.memory_space<vmem>>) dst(%arg12 : memref<1x16xf32, #tpu.memory_space<vmem_shared>>)
        tpu.yield
      }) : () -> ()
    } else {
    }
    %min3A = arith.constant 3 : i32
    %min3A_9 = vector.broadcast %min3A : i32 to vector<16xi32>
    %min3A_10 = arith.minsi %iota3A, %min3A_9 : vector<16xi32>
    %add3A_11 = vector.broadcast %mul3A_2 : i32 to vector<16xi32>
    %add3A_12 = arith.addi %add3A_11, %min3A_10 : vector<16xi32>
    %gather3A = tpu.vector_load_idx %arg7[%add3A_12] : memref<128xi32, #tpu.memory_space<vmem>>[vector<16xi32>], vector<16xi32>,
    %mul3A_13 = arith.constant 4 : i32
    %mul3A_14 = vector.broadcast %mul3A_13 : i32 to vector<16xi32>
    %mul3A_15 = arith.muli %add3A_12, %mul3A_14 : vector<16xi32>
    %add3A_16 = arith.constant 0 : i32
    %add3A_17 = vector.broadcast %add3A_16 : i32 to vector<16xi32>
    %add3A_18 = arith.addi %mul3A_15, %add3A_17 : vector<16xi32>
    %gather3A_19 = tpu.vector_load_idx %arg6[%add3A_18] : memref<512xf32, #tpu.memory_space<vmem>>[vector<16xi32>], vector<16xf32>,
    %mul3A_20 = arith.constant 4 : i32
    %mul3A_21 = vector.broadcast %mul3A_20 : i32 to vector<16xi32>
    %mul3A_22 = arith.muli %add3A_12, %mul3A_21 : vector<16xi32>
    %add3A_23 = arith.constant 1 : i32
    %add3A_24 = vector.broadcast %add3A_23 : i32 to vector<16xi32>
    %add3A_25 = arith.addi %mul3A_22, %add3A_24 : vector<16xi32>
    %gather3A_26 = tpu.vector_load_idx %arg6[%add3A_25] : memref<512xf32, #tpu.memory_space<vmem>>[vector<16xi32>], vector<16xf32>,
    %mul3A_27 = arith.constant 4 : i32
    %mul3A_28 = vector.broadcast %mul3A_27 : i32 to vector<16xi32>
    %mul3A_29 = arith.muli %add3A_12, %mul3A_28 : vector<16xi32>
    %add3A_30 = arith.constant 2 : i32
    %add3A_31 = vector.broadcast %add3A_30 : i32 to vector<16xi32>
    %add3A_32 = arith.addi %mul3A_29, %add3A_31 : vector<16xi32>
    %gather3A_33 = tpu.vector_load_idx %arg6[%add3A_32] : memref<512xf32, #tpu.memory_space<vmem>>[vector<16xi32>], vector<16xf32>,
    %mul3A_34 = arith.constant 4 : i32
    %mul3A_35 = vector.broadcast %mul3A_34 : i32 to vector<16xi32>
    %mul3A_36 = arith.muli %add3A_12, %mul3A_35 : vector<16xi32>
    %add3A_37 = arith.constant 3 : i32
    %add3A_38 = vector.broadcast %add3A_37 : i32 to vector<16xi32>
    %add3A_39 = arith.addi %mul3A_36, %add3A_38 : vector<16xi32>
    %gather3A_40 = tpu.vector_load_idx %arg6[%add3A_39] : memref<512xf32, #tpu.memory_space<vmem>>[vector<16xi32>], vector<16xf32>,
    %jit3A = arith.constant 32 : i32
    %div3A = vector.broadcast %jit3A : i32 to vector<16xi32>
    %div3A_41 = arith.divsi %add3A_12, %div3A : vector<16xi32>
    %sign3A = arith.constant 0 : i32
    %sign3A_42 = vector.broadcast %sign3A : i32 to vector<16xi32>
    %sign3A_43 = arith.cmpi sgt, %add3A_12, %sign3A_42 : vector<16xi32>
    %sign3A_44 = arith.extui %sign3A_43 : vector<16xi1> to vector<16xi32>
    %sign3A_45 = arith.constant 0 : i32
    %sign3A_46 = vector.broadcast %sign3A_45 : i32 to vector<16xi32>
    %sign3A_47 = arith.cmpi slt, %add3A_12, %sign3A_46 : vector<16xi32>
    %sign3A_48 = arith.extui %sign3A_47 : vector<16xi1> to vector<16xi32>
    %sign3A_49 = arith.subi %sign3A_44, %sign3A_48 : vector<16xi32>
    %sign3A_50 = arith.constant 0 : i32
    %sign3A_51 = arith.cmpi sgt, %jit3A, %sign3A_50 : i32
    %sign3A_52 = arith.extui %sign3A_51 : i1 to i32
    %sign3A_53 = arith.constant 0 : i32
    %sign3A_54 = arith.cmpi slt, %jit3A, %sign3A_53 : i32
    %sign3A_55 = arith.extui %sign3A_54 : i1 to i32
    %sign3A_56 = arith.subi %sign3A_52, %sign3A_55 : i32
    %ne3A = vector.broadcast %sign3A_56 : i32 to vector<16xi32>
    %ne3A_57 = arith.cmpi ne, %sign3A_49, %ne3A : vector<16xi32>
    %rem3A = vector.broadcast %jit3A : i32 to vector<16xi32>
    %rem3A_58 = arith.remsi %add3A_12, %rem3A : vector<16xi32>
    %ne3A_59 = arith.constant 0 : i32
    %ne3A_60 = vector.broadcast %ne3A_59 : i32 to vector<16xi32>
    %ne3A_61 = arith.cmpi ne, %rem3A_58, %ne3A_60 : vector<16xi32>
    %and3A = arith.andi %ne3A_57, %ne3A_61 : vector<16xi1>
    %sub3A = arith.constant 1 : i32
    %sub3A_62 = vector.broadcast %sub3A : i32 to vector<16xi32>
    %sub3A_63 = arith.subi %div3A_41, %sub3A_62 : vector<16xi32>
    %select_n3A = arith.select %and3A, %sub3A_63, %div3A_41 : vector<16xi1>, vector<16xi32>
    %mul3A_64 = arith.constant 1.280000e+02 : f32
    %mul3A_65 = vector.broadcast %mul3A_64 : f32 to vector<16xf32>
    %mul3A_66 = arith.mulf %gather3A_26, %mul3A_65 : vector<16xf32>
    %convert_element_type3A_67 = arith.fptosi %mul3A_66 : vector<16xf32> to vector<16xi32>
    %jit3A_68 = arith.constant 0 : i32
    %jit3A_69 = arith.constant 127 : i32
    %max3A = vector.broadcast %jit3A_68 : i32 to vector<16xi32>
    %max3A_70 = arith.maxsi %max3A, %convert_element_type3A_67 : vector<16xi32>
    %min3A_71 = vector.broadcast %jit3A_69 : i32 to vector<16xi32>
    %min3A_72 = arith.minsi %min3A_71, %max3A_70 : vector<16xi32>
    %mul3A_73 = arith.constant 1.280000e+02 : f32
    %mul3A_74 = vector.broadcast %mul3A_73 : f32 to vector<16xf32>
    %mul3A_75 = arith.mulf %gather3A_40, %mul3A_74 : vector<16xf32>
    %convert_element_type3A_76 = arith.fptosi %mul3A_75 : vector<16xf32> to vector<16xi32>
    %jit3A_77 = arith.constant 0 : i32
    %jit3A_78 = arith.constant 127 : i32
    %max3A_79 = vector.broadcast %jit3A_77 : i32 to vector<16xi32>
    %max3A_80 = arith.maxsi %max3A_79, %convert_element_type3A_76 : vector<16xi32>
    %min3A_81 = vector.broadcast %jit3A_78 : i32 to vector<16xi32>
    %min3A_82 = arith.minsi %min3A_81, %max3A_80 : vector<16xi32>
    %max3A_83 = arith.maxsi %min3A_82, %min3A_72 : vector<16xi32>
    %mul3A_84 = arith.constant 1.280000e+02 : f32
    %mul3A_85 = vector.broadcast %mul3A_84 : f32 to vector<16xf32>
    %mul3A_86 = arith.mulf %gather3A_19, %mul3A_85 : vector<16xf32>
    %convert_element_type3A_87 = arith.fptosi %mul3A_86 : vector<16xf32> to vector<16xi32>
    %jit3A_88 = arith.constant 0 : i32
    %jit3A_89 = arith.constant 127 : i32
    %max3A_90 = vector.broadcast %jit3A_88 : i32 to vector<16xi32>
    %max3A_91 = arith.maxsi %max3A_90, %convert_element_type3A_87 : vector<16xi32>
    %min3A_92 = vector.broadcast %jit3A_89 : i32 to vector<16xi32>
    %min3A_93 = arith.minsi %min3A_92, %max3A_91 : vector<16xi32>
    %mul3A_94 = arith.constant 1.280000e+02 : f32
    %mul3A_95 = vector.broadcast %mul3A_94 : f32 to vector<16xf32>
    %mul3A_96 = arith.mulf %gather3A_33, %mul3A_95 : vector<16xf32>
    %convert_element_type3A_97 = arith.fptosi %mul3A_96 : vector<16xf32> to vector<16xi32>
    %jit3A_98 = arith.constant 0 : i32
    %jit3A_99 = arith.constant 127 : i32
    %max3A_100 = vector.broadcast %jit3A_98 : i32 to vector<16xi32>
    %max3A_101 = arith.maxsi %max3A_100, %convert_element_type3A_97 : vector<16xi32>
    %min3A_102 = vector.broadcast %jit3A_99 : i32 to vector<16xi32>
    %min3A_103 = arith.minsi %min3A_102, %max3A_101 : vector<16xi32>
    %max3A_104 = arith.maxsi %min3A_103, %min3A_93 : vector<16xi32>
    %mul3A_105 = arith.constant 80 : i32
    %mul3A_106 = vector.broadcast %mul3A_105 : i32 to vector<16xi32>
    %mul3A_107 = arith.muli %select_n3A, %mul3A_106 : vector<16xi32>
    %add3A_108 = arith.addi %mul3A_107, %gather3A : vector<16xi32>
    %mul3A_109 = arith.constant 16384 : i32
    %mul3A_110 = vector.broadcast %mul3A_109 : i32 to vector<16xi32>
    %mul3A_111 = arith.muli %add3A_108, %mul3A_110 : vector<16xi32>
    %eq3A_112 = arith.constant 0 : i32
    %eq3A_113 = vector.broadcast %eq3A_112 : i32 to vector<16xi32>
    %eq3A_114 = arith.cmpi eq, %iota3A, %eq3A_113 : vector<16xi32>
    %jit3A_115 = arith.constant 0 : i32
    %broadcast_in_dim3A_116 = vector.broadcast %jit3A_115 : i32 to vector<16xi32>
    %select_n3A_117 = arith.select %eq3A_114, %mul3A_111, %broadcast_in_dim3A_116 : vector<16xi1>, vector<16xi32>
    %reduce_sum3A = arith.constant true
    %reduce_sum3A_118 = vector.broadcast %reduce_sum3A : i1 to vector<16xi1>
    %reduce_sum3A_119 = tpu.scan <sum>, %select_n3A_117 masked %reduce_sum3A_118 : vector<16xi32>, vector<16xi1> -> vector<16xi32>
    %reduce_sum3A_120 = vector.extract %reduce_sum3A_119[15] : i32 from vector<16xi32>
    %multiple_of3A = tpu.assume_multiple %reduce_sum3A_120, 128 : i32
    %dma_start3A = arith.constant 0 : i32
    %dma_start3A_121 = arith.constant 0 : i32
    %dma_start3A_122 = tpu.memref_slice %arg8[%dma_start3A, %dma_start3A_121] : memref<4x16384xf32, #tpu.memory_space<vmem>> -> memref<1x16384xf32, #tpu.memory_space<vmem>>
    %dma_start3A_123 = tpu.memref_squeeze %dma_start3A_122 : memref<1x16384xf32, #tpu.memory_space<vmem>> -> memref<16384xf32, #tpu.memory_space<vmem>>
    %dma_start3A_124 = tpu.memref_slice %arg2[%multiple_of3A] : memref<5242880xf32, #tpu.memory_space<hbm>> -> memref<16384xf32, #tpu.memory_space<hbm>>
    %dma_start3A_125 = arith.constant 0 : i32
    %dma_start3A_126 = tpu.memref_slice %arg8[%dma_start3A, %dma_start3A_125] : memref<4x16384xf32, #tpu.memory_space<vmem>> -> memref<1x16384xf32, #tpu.memory_space<vmem>>
    %dma_start3A_127 = tpu.memref_squeeze %dma_start3A_126 : memref<1x16384xf32, #tpu.memory_space<vmem>> -> memref<16384xf32, #tpu.memory_space<vmem>>
    %dma_start3A_128 = tpu.memref_slice %arg2[%multiple_of3A] : memref<5242880xf32, #tpu.memory_space<hbm>> -> memref<16384xf32, #tpu.memory_space<hbm>>
    tpu.enqueue_dma source(%dma_start3A_128 : memref<16384xf32, #tpu.memory_space<hbm>>) target(%dma_start3A_127 : memref<16384xf32, #tpu.memory_space<vmem>>) target_semaphore(%arg13 : memref<!tpu.dma_semaphore, #tpu.memory_space<semaphore_mem>>)
    %eq3A_129 = arith.constant 1 : i32
    %eq3A_130 = vector.broadcast %eq3A_129 : i32 to vector<16xi32>
    %eq3A_131 = arith.cmpi eq, %iota3A, %eq3A_130 : vector<16xi32>
    %jit3A_132 = arith.constant 0 : i32
    %broadcast_in_dim3A_133 = vector.broadcast %jit3A_132 : i32 to vector<16xi32>
    %select_n3A_134 = arith.select %eq3A_131, %mul3A_111, %broadcast_in_dim3A_133 : vector<16xi1>, vector<16xi32>
    %reduce_sum3A_135 = arith.constant true
    %reduce_sum3A_136 = vector.broadcast %reduce_sum3A_135 : i1 to vector<16xi1>
    %reduce_sum3A_137 = tpu.scan <sum>, %select_n3A_134 masked %reduce_sum3A_136 : vector<16xi32>, vector<16xi1> -> vector<16xi32>
    %reduce_sum3A_138 = vector.extract %reduce_sum3A_137[15] : i32 from vector<16xi32>
    %multiple_of3A_139 = tpu.assume_multiple %reduce_sum3A_138, 128 : i32
    %dma_start3A_140 = arith.constant 1 : i32
    %dma_start3A_141 = arith.constant 0 : i32
    %dma_start3A_142 = tpu.memref_slice %arg8[%dma_start3A_140, %dma_start3A_141] : memref<4x16384xf32, #tpu.memory_space<vmem>> -> memref<1x16384xf32, #tpu.memory_space<vmem>>
    %dma_start3A_143 = tpu.memref_squeeze %dma_start3A_142 : memref<1x16384xf32, #tpu.memory_space<vmem>> -> memref<16384xf32, #tpu.memory_space<vmem>>
    %dma_start3A_144 = tpu.memref_slice %arg2[%multiple_of3A_139] : memref<5242880xf32, #tpu.memory_space<hbm>> -> memref<16384xf32, #tpu.memory_space<hbm>>
    %dma_start3A_145 = arith.constant 0 : i32
    %dma_start3A_146 = tpu.memref_slice %arg8[%dma_start3A_140, %dma_start3A_145] : memref<4x16384xf32, #tpu.memory_space<vmem>> -> memref<1x16384xf32, #tpu.memory_space<vmem>>
    %dma_start3A_147 = tpu.memref_squeeze %dma_start3A_146 : memref<1x16384xf32, #tpu.memory_space<vmem>> -> memref<16384xf32, #tpu.memory_space<vmem>>
    %dma_start3A_148 = tpu.memref_slice %arg2[%multiple_of3A_139] : memref<5242880xf32, #tpu.memory_space<hbm>> -> memref<16384xf32, #tpu.memory_space<hbm>>
    tpu.enqueue_dma source(%dma_start3A_148 : memref<16384xf32, #tpu.memory_space<hbm>>) target(%dma_start3A_147 : memref<16384xf32, #tpu.memory_space<vmem>>) target_semaphore(%arg13 : memref<!tpu.dma_semaphore, #tpu.memory_space<semaphore_mem>>)
    %eq3A_149 = arith.constant 2 : i32
    %eq3A_150 = vector.broadcast %eq3A_149 : i32 to vector<16xi32>
    %eq3A_151 = arith.cmpi eq, %iota3A, %eq3A_150 : vector<16xi32>
    %jit3A_152 = arith.constant 0 : i32
    %broadcast_in_dim3A_153 = vector.broadcast %jit3A_152 : i32 to vector<16xi32>
    %select_n3A_154 = arith.select %eq3A_151, %mul3A_111, %broadcast_in_dim3A_153 : vector<16xi1>, vector<16xi32>
    %reduce_sum3A_155 = arith.constant true
    %reduce_sum3A_156 = vector.broadcast %reduce_sum3A_155 : i1 to vector<16xi1>
    %reduce_sum3A_157 = tpu.scan <sum>, %select_n3A_154 masked %reduce_sum3A_156 : vector<16xi32>, vector<16xi1> -> vector<16xi32>
    %reduce_sum3A_158 = vector.extract %reduce_sum3A_157[15] : i32 from vector<16xi32>
    %multiple_of3A_159 = tpu.assume_multiple %reduce_sum3A_158, 128 : i32
    %dma_start3A_160 = arith.constant 2 : i32
    %dma_start3A_161 = arith.constant 0 : i32
    %dma_start3A_162 = tpu.memref_slice %arg8[%dma_start3A_160, %dma_start3A_161] : memref<4x16384xf32, #tpu.memory_space<vmem>> -> memref<1x16384xf32, #tpu.memory_space<vmem>>
    %dma_start3A_163 = tpu.memref_squeeze %dma_start3A_162 : memref<1x16384xf32, #tpu.memory_space<vmem>> -> memref<16384xf32, #tpu.memory_space<vmem>>
    %dma_start3A_164 = tpu.memref_slice %arg2[%multiple_of3A_159] : memref<5242880xf32, #tpu.memory_space<hbm>> -> memref<16384xf32, #tpu.memory_space<hbm>>
    %dma_start3A_165 = arith.constant 0 : i32
    %dma_start3A_166 = tpu.memref_slice %arg8[%dma_start3A_160, %dma_start3A_165] : memref<4x16384xf32, #tpu.memory_space<vmem>> -> memref<1x16384xf32, #tpu.memory_space<vmem>>
    %dma_start3A_167 = tpu.memref_squeeze %dma_start3A_166 : memref<1x16384xf32, #tpu.memory_space<vmem>> -> memref<16384xf32, #tpu.memory_space<vmem>>
    %dma_start3A_168 = tpu.memref_slice %arg2[%multiple_of3A_159] : memref<5242880xf32, #tpu.memory_space<hbm>> -> memref<16384xf32, #tpu.memory_space<hbm>>
    tpu.enqueue_dma source(%dma_start3A_168 : memref<16384xf32, #tpu.memory_space<hbm>>) target(%dma_start3A_167 : memref<16384xf32, #tpu.memory_space<vmem>>) target_semaphore(%arg13 : memref<!tpu.dma_semaphore, #tpu.memory_space<semaphore_mem>>)
    %eq3A_169 = arith.constant 3 : i32
    %eq3A_170 = vector.broadcast %eq3A_169 : i32 to vector<16xi32>
    %eq3A_171 = arith.cmpi eq, %iota3A, %eq3A_170 : vector<16xi32>
    %jit3A_172 = arith.constant 0 : i32
    %broadcast_in_dim3A_173 = vector.broadcast %jit3A_172 : i32 to vector<16xi32>
    %select_n3A_174 = arith.select %eq3A_171, %mul3A_111, %broadcast_in_dim3A_173 : vector<16xi1>, vector<16xi32>
    %reduce_sum3A_175 = arith.constant true
    %reduce_sum3A_176 = vector.broadcast %reduce_sum3A_175 : i1 to vector<16xi1>
    %reduce_sum3A_177 = tpu.scan <sum>, %select_n3A_174 masked %reduce_sum3A_176 : vector<16xi32>, vector<16xi1> -> vector<16xi32>
    %reduce_sum3A_178 = vector.extract %reduce_sum3A_177[15] : i32 from vector<16xi32>
    %multiple_of3A_179 = tpu.assume_multiple %reduce_sum3A_178, 128 : i32
    %dma_start3A_180 = arith.constant 3 : i32
    %dma_start3A_181 = arith.constant 0 : i32
    %dma_start3A_182 = tpu.memref_slice %arg8[%dma_start3A_180, %dma_start3A_181] : memref<4x16384xf32, #tpu.memory_space<vmem>> -> memref<1x16384xf32, #tpu.memory_space<vmem>>
    %dma_start3A_183 = tpu.memref_squeeze %dma_start3A_182 : memref<1x16384xf32, #tpu.memory_space<vmem>> -> memref<16384xf32, #tpu.memory_space<vmem>>
    %dma_start3A_184 = tpu.memref_slice %arg2[%multiple_of3A_179] : memref<5242880xf32, #tpu.memory_space<hbm>> -> memref<16384xf32, #tpu.memory_space<hbm>>
    %dma_start3A_185 = arith.constant 0 : i32
    %dma_start3A_186 = tpu.memref_slice %arg8[%dma_start3A_180, %dma_start3A_185] : memref<4x16384xf32, #tpu.memory_space<vmem>> -> memref<1x16384xf32, #tpu.memory_space<vmem>>
    %dma_start3A_187 = tpu.memref_squeeze %dma_start3A_186 : memref<1x16384xf32, #tpu.memory_space<vmem>> -> memref<16384xf32, #tpu.memory_space<vmem>>
    %dma_start3A_188 = tpu.memref_slice %arg2[%multiple_of3A_179] : memref<5242880xf32, #tpu.memory_space<hbm>> -> memref<16384xf32, #tpu.memory_space<hbm>>
    tpu.enqueue_dma source(%dma_start3A_188 : memref<16384xf32, #tpu.memory_space<hbm>>) target(%dma_start3A_187 : memref<16384xf32, #tpu.memory_space<vmem>>) target_semaphore(%arg13 : memref<!tpu.dma_semaphore, #tpu.memory_space<semaphore_mem>>)
    %dma_wait3A = arith.constant 0 : i32
    %dma_wait3A_189 = arith.constant 0 : i32
    %dma_wait3A_190 = tpu.memref_slice %arg8[%dma_wait3A, %dma_wait3A_189] : memref<4x16384xf32, #tpu.memory_space<vmem>> -> memref<1x16384xf32, #tpu.memory_space<vmem>>
    %dma_wait3A_191 = tpu.memref_squeeze %dma_wait3A_190 : memref<1x16384xf32, #tpu.memory_space<vmem>> -> memref<16384xf32, #tpu.memory_space<vmem>>
    %dma_wait3A_192 = tpu.memref_slice %arg2[%multiple_of3A] : memref<5242880xf32, #tpu.memory_space<hbm>> -> memref<16384xf32, #tpu.memory_space<hbm>>
    %dma_wait3A_193 = arith.constant 0 : i32
    %dma_wait3A_194 = tpu.memref_slice %arg8[%dma_wait3A, %dma_wait3A_193] : memref<4x16384xf32, #tpu.memory_space<vmem>> -> memref<1x16384xf32, #tpu.memory_space<vmem>>
    %dma_wait3A_195 = tpu.memref_squeeze %dma_wait3A_194 : memref<1x16384xf32, #tpu.memory_space<vmem>> -> memref<16384xf32, #tpu.memory_space<vmem>>
    %dma_wait3A_196 = tpu.memref_slice %arg2[%multiple_of3A] : memref<5242880xf32, #tpu.memory_space<hbm>> -> memref<16384xf32, #tpu.memory_space<hbm>>
    tpu.wait_dma2 semaphore(%arg13 : memref<!tpu.dma_semaphore, #tpu.memory_space<semaphore_mem>>) src(%dma_wait3A_196 : memref<16384xf32, #tpu.memory_space<hbm>>) dst(%dma_wait3A_195 : memref<16384xf32, #tpu.memory_space<vmem>>)
    %dma_wait3A_197 = arith.constant 1 : i32
    %dma_wait3A_198 = arith.constant 0 : i32
    %dma_wait3A_199 = tpu.memref_slice %arg8[%dma_wait3A_197, %dma_wait3A_198] : memref<4x16384xf32, #tpu.memory_space<vmem>> -> memref<1x16384xf32, #tpu.memory_space<vmem>>
    %dma_wait3A_200 = tpu.memref_squeeze %dma_wait3A_199 : memref<1x16384xf32, #tpu.memory_space<vmem>> -> memref<16384xf32, #tpu.memory_space<vmem>>
    %dma_wait3A_201 = tpu.memref_slice %arg2[%multiple_of3A_139] : memref<5242880xf32, #tpu.memory_space<hbm>> -> memref<16384xf32, #tpu.memory_space<hbm>>
    %dma_wait3A_202 = arith.constant 0 : i32
    %dma_wait3A_203 = tpu.memref_slice %arg8[%dma_wait3A_197, %dma_wait3A_202] : memref<4x16384xf32, #tpu.memory_space<vmem>> -> memref<1x16384xf32, #tpu.memory_space<vmem>>
    %dma_wait3A_204 = tpu.memref_squeeze %dma_wait3A_203 : memref<1x16384xf32, #tpu.memory_space<vmem>> -> memref<16384xf32, #tpu.memory_space<vmem>>
    %dma_wait3A_205 = tpu.memref_slice %arg2[%multiple_of3A_139] : memref<5242880xf32, #tpu.memory_space<hbm>> -> memref<16384xf32, #tpu.memory_space<hbm>>
    tpu.wait_dma2 semaphore(%arg13 : memref<!tpu.dma_semaphore, #tpu.memory_space<semaphore_mem>>) src(%dma_wait3A_205 : memref<16384xf32, #tpu.memory_space<hbm>>) dst(%dma_wait3A_204 : memref<16384xf32, #tpu.memory_space<vmem>>)
    %dma_wait3A_206 = arith.constant 2 : i32
    %dma_wait3A_207 = arith.constant 0 : i32
    %dma_wait3A_208 = tpu.memref_slice %arg8[%dma_wait3A_206, %dma_wait3A_207] : memref<4x16384xf32, #tpu.memory_space<vmem>> -> memref<1x16384xf32, #tpu.memory_space<vmem>>
    %dma_wait3A_209 = tpu.memref_squeeze %dma_wait3A_208 : memref<1x16384xf32, #tpu.memory_space<vmem>> -> memref<16384xf32, #tpu.memory_space<vmem>>
    %dma_wait3A_210 = tpu.memref_slice %arg2[%multiple_of3A_159] : memref<5242880xf32, #tpu.memory_space<hbm>> -> memref<16384xf32, #tpu.memory_space<hbm>>
    %dma_wait3A_211 = arith.constant 0 : i32
    %dma_wait3A_212 = tpu.memref_slice %arg8[%dma_wait3A_206, %dma_wait3A_211] : memref<4x16384xf32, #tpu.memory_space<vmem>> -> memref<1x16384xf32, #tpu.memory_space<vmem>>
    %dma_wait3A_213 = tpu.memref_squeeze %dma_wait3A_212 : memref<1x16384xf32, #tpu.memory_space<vmem>> -> memref<16384xf32, #tpu.memory_space<vmem>>
    %dma_wait3A_214 = tpu.memref_slice %arg2[%multiple_of3A_159] : memref<5242880xf32, #tpu.memory_space<hbm>> -> memref<16384xf32, #tpu.memory_space<hbm>>
    tpu.wait_dma2 semaphore(%arg13 : memref<!tpu.dma_semaphore, #tpu.memory_space<semaphore_mem>>) src(%dma_wait3A_214 : memref<16384xf32, #tpu.memory_space<hbm>>) dst(%dma_wait3A_213 : memref<16384xf32, #tpu.memory_space<vmem>>)
    %dma_wait3A_215 = arith.constant 3 : i32
    %dma_wait3A_216 = arith.constant 0 : i32
    %dma_wait3A_217 = tpu.memref_slice %arg8[%dma_wait3A_215, %dma_wait3A_216] : memref<4x16384xf32, #tpu.memory_space<vmem>> -> memref<1x16384xf32, #tpu.memory_space<vmem>>
    %dma_wait3A_218 = tpu.memref_squeeze %dma_wait3A_217 : memref<1x16384xf32, #tpu.memory_space<vmem>> -> memref<16384xf32, #tpu.memory_space<vmem>>
    %dma_wait3A_219 = tpu.memref_slice %arg2[%multiple_of3A_179] : memref<5242880xf32, #tpu.memory_space<hbm>> -> memref<16384xf32, #tpu.memory_space<hbm>>
    %dma_wait3A_220 = arith.constant 0 : i32
    %dma_wait3A_221 = tpu.memref_slice %arg8[%dma_wait3A_215, %dma_wait3A_220] : memref<4x16384xf32, #tpu.memory_space<vmem>> -> memref<1x16384xf32, #tpu.memory_space<vmem>>
    %dma_wait3A_222 = tpu.memref_squeeze %dma_wait3A_221 : memref<1x16384xf32, #tpu.memory_space<vmem>> -> memref<16384xf32, #tpu.memory_space<vmem>>
    %dma_wait3A_223 = tpu.memref_slice %arg2[%multiple_of3A_179] : memref<5242880xf32, #tpu.memory_space<hbm>> -> memref<16384xf32, #tpu.memory_space<hbm>>
    tpu.wait_dma2 semaphore(%arg13 : memref<!tpu.dma_semaphore, #tpu.memory_space<semaphore_mem>>) src(%dma_wait3A_223 : memref<16384xf32, #tpu.memory_space<hbm>>) dst(%dma_wait3A_222 : memref<16384xf32, #tpu.memory_space<vmem>>)
    %broadcast_in_dim3A_224 = arith.constant 0.000000e+00 : f32
    %broadcast_in_dim3A_225 = vector.broadcast %broadcast_in_dim3A_224 : f32 to vector<16xf32>
    %eq3A_226 = arith.constant 0 : i32
    %eq3A_227 = vector.broadcast %eq3A_226 : i32 to vector<16xi32>
    %eq3A_228 = arith.cmpi eq, %iota3A, %eq3A_227 : vector<16xi32>
    %jit3A_229 = arith.constant 0 : i32
    %broadcast_in_dim3A_230 = vector.broadcast %jit3A_229 : i32 to vector<16xi32>
    %select_n3A_231 = arith.select %eq3A_228, %min3A_72, %broadcast_in_dim3A_230 : vector<16xi1>, vector<16xi32>
    %reduce_sum3A_232 = arith.constant true
    %reduce_sum3A_233 = vector.broadcast %reduce_sum3A_232 : i1 to vector<16xi1>
    %reduce_sum3A_234 = tpu.scan <sum>, %select_n3A_231 masked %reduce_sum3A_233 : vector<16xi32>, vector<16xi1> -> vector<16xi32>
    %reduce_sum3A_235 = vector.extract %reduce_sum3A_234[15] : i32 from vector<16xi32>
    %jit3A_236 = arith.constant 0 : i32
    %broadcast_in_dim3A_237 = vector.broadcast %jit3A_236 : i32 to vector<16xi32>
    %select_n3A_238 = arith.select %eq3A_228, %max3A_83, %broadcast_in_dim3A_237 : vector<16xi1>, vector<16xi32>
    %reduce_sum3A_239 = arith.constant true
    %reduce_sum3A_240 = vector.broadcast %reduce_sum3A_239 : i1 to vector<16xi1>
    %reduce_sum3A_241 = tpu.scan <sum>, %select_n3A_238 masked %reduce_sum3A_240 : vector<16xi32>, vector<16xi1> -> vector<16xi32>
    %reduce_sum3A_242 = vector.extract %reduce_sum3A_241[15] : i32 from vector<16xi32>
    %jit3A_243 = arith.constant 0 : i32
    %broadcast_in_dim3A_244 = vector.broadcast %jit3A_243 : i32 to vector<16xi32>
    %select_n3A_245 = arith.select %eq3A_228, %min3A_93, %broadcast_in_dim3A_244 : vector<16xi1>, vector<16xi32>
    %reduce_sum3A_246 = arith.constant true
    %reduce_sum3A_247 = vector.broadcast %reduce_sum3A_246 : i1 to vector<16xi1>
    %reduce_sum3A_248 = tpu.scan <sum>, %select_n3A_245 masked %reduce_sum3A_247 : vector<16xi32>, vector<16xi1> -> vector<16xi32>
    %reduce_sum3A_249 = vector.extract %reduce_sum3A_248[15] : i32 from vector<16xi32>
    %jit3A_250 = arith.constant 0 : i32
    %broadcast_in_dim3A_251 = vector.broadcast %jit3A_250 : i32 to vector<16xi32>
    %select_n3A_252 = arith.select %eq3A_228, %max3A_104, %broadcast_in_dim3A_251 : vector<16xi1>, vector<16xi32>
    %reduce_sum3A_253 = arith.constant true
    %reduce_sum3A_254 = vector.broadcast %reduce_sum3A_253 : i1 to vector<16xi1>
    %reduce_sum3A_255 = tpu.scan <sum>, %select_n3A_252 masked %reduce_sum3A_254 : vector<16xi32>, vector<16xi1> -> vector<16xi32>
    %reduce_sum3A_256 = vector.extract %reduce_sum3A_255[15] : i32 from vector<16xi32>
    %broadcast_in_dim3A_257 = arith.constant 0.000000e+00 : f32
    %broadcast_in_dim3A_258 = vector.broadcast %broadcast_in_dim3A_257 : f32 to vector<16xf32>
    %scan3A = arith.constant 0 : i32
    %scan3A_259 = arith.constant 128 : i32
    %scan3A_260 = arith.addi %scan3A, %scan3A_259 : i32
    %scan3A_261 = arith.constant 1 : i32
    %scan3A_262 = scf.for %scan3A_828 = %scan3A to %scan3A_260 step %scan3A_261 iter_args(%scan3A_829 = %broadcast_in_dim3A_258) -> (vector<16xf32>)  : i32 {
      %mul3A_830 = arith.constant 128 : i32
      %mul3A_831 = arith.muli %scan3A_828, %mul3A_830 : i32
      %add3A_832 = arith.constant 0 : i32
      %add3A_833 = arith.addi %mul3A_831, %add3A_832 : i32
      %get3A = arith.constant 0 : i32
      %get3A_834 = arith.index_cast %get3A : i32 to index
      %get3A_835 = arith.index_cast %add3A_833 : i32 to index
      %get3A_836 = tpu.vector_load %arg8[%get3A_834, %get3A_835] {strides = array<i32>} : memref<4x16384xf32, #tpu.memory_space<vmem>>, vector<16xf32>,
      %mul3A_837 = arith.mulf %get3A_836, %get3A_836 : vector<16xf32>
      %add3A_838 = arith.addf %scan3A_829, %mul3A_837 : vector<16xf32>
      %add3A_839 = arith.constant 16 : i32
      %add3A_840 = arith.addi %mul3A_831, %add3A_839 : i32
      %get3A_841 = arith.constant 0 : i32
      %get3A_842 = arith.index_cast %get3A_841 : i32 to index
      %get3A_843 = arith.index_cast %add3A_840 : i32 to index
      %get3A_844 = tpu.vector_load %arg8[%get3A_842, %get3A_843] {strides = array<i32>} : memref<4x16384xf32, #tpu.memory_space<vmem>>, vector<16xf32>,
      %mul3A_845 = arith.mulf %get3A_844, %get3A_844 : vector<16xf32>
      %add3A_846 = arith.addf %add3A_838, %mul3A_845 : vector<16xf32>
      %add3A_847 = arith.constant 32 : i32
      %add3A_848 = arith.addi %mul3A_831, %add3A_847 : i32
      %get3A_849 = arith.constant 0 : i32
      %get3A_850 = arith.index_cast %get3A_849 : i32 to index
      %get3A_851 = arith.index_cast %add3A_848 : i32 to index
      %get3A_852 = tpu.vector_load %arg8[%get3A_850, %get3A_851] {strides = array<i32>} : memref<4x16384xf32, #tpu.memory_space<vmem>>, vector<16xf32>,
      %mul3A_853 = arith.mulf %get3A_852, %get3A_852 : vector<16xf32>
      %add3A_854 = arith.addf %add3A_846, %mul3A_853 : vector<16xf32>
      %add3A_855 = arith.constant 48 : i32
      %add3A_856 = arith.addi %mul3A_831, %add3A_855 : i32
      %get3A_857 = arith.constant 0 : i32
      %get3A_858 = arith.index_cast %get3A_857 : i32 to index
      %get3A_859 = arith.index_cast %add3A_856 : i32 to index
      %get3A_860 = tpu.vector_load %arg8[%get3A_858, %get3A_859] {strides = array<i32>} : memref<4x16384xf32, #tpu.memory_space<vmem>>, vector<16xf32>,
      %mul3A_861 = arith.mulf %get3A_860, %get3A_860 : vector<16xf32>
      %add3A_862 = arith.addf %add3A_854, %mul3A_861 : vector<16xf32>
      %add3A_863 = arith.constant 64 : i32
      %add3A_864 = arith.addi %mul3A_831, %add3A_863 : i32
      %get3A_865 = arith.constant 0 : i32
      %get3A_866 = arith.index_cast %get3A_865 : i32 to index
      %get3A_867 = arith.index_cast %add3A_864 : i32 to index
      %get3A_868 = tpu.vector_load %arg8[%get3A_866, %get3A_867] {strides = array<i32>} : memref<4x16384xf32, #tpu.memory_space<vmem>>, vector<16xf32>,
      %mul3A_869 = arith.mulf %get3A_868, %get3A_868 : vector<16xf32>
      %add3A_870 = arith.addf %add3A_862, %mul3A_869 : vector<16xf32>
      %add3A_871 = arith.constant 80 : i32
      %add3A_872 = arith.addi %mul3A_831, %add3A_871 : i32
      %get3A_873 = arith.constant 0 : i32
      %get3A_874 = arith.index_cast %get3A_873 : i32 to index
      %get3A_875 = arith.index_cast %add3A_872 : i32 to index
      %get3A_876 = tpu.vector_load %arg8[%get3A_874, %get3A_875] {strides = array<i32>} : memref<4x16384xf32, #tpu.memory_space<vmem>>, vector<16xf32>,
      %mul3A_877 = arith.mulf %get3A_876, %get3A_876 : vector<16xf32>
      %add3A_878 = arith.addf %add3A_870, %mul3A_877 : vector<16xf32>
      %add3A_879 = arith.constant 96 : i32
      %add3A_880 = arith.addi %mul3A_831, %add3A_879 : i32
      %get3A_881 = arith.constant 0 : i32
      %get3A_882 = arith.index_cast %get3A_881 : i32 to index
      %get3A_883 = arith.index_cast %add3A_880 : i32 to index
      %get3A_884 = tpu.vector_load %arg8[%get3A_882, %get3A_883] {strides = array<i32>} : memref<4x16384xf32, #tpu.memory_space<vmem>>, vector<16xf32>,
      %mul3A_885 = arith.mulf %get3A_884, %get3A_884 : vector<16xf32>
      %add3A_886 = arith.addf %add3A_878, %mul3A_885 : vector<16xf32>
      %add3A_887 = arith.constant 112 : i32
      %add3A_888 = arith.addi %mul3A_831, %add3A_887 : i32
      %get3A_889 = arith.constant 0 : i32
      %get3A_890 = arith.index_cast %get3A_889 : i32 to index
      %get3A_891 = arith.index_cast %add3A_888 : i32 to index
      %get3A_892 = tpu.vector_load %arg8[%get3A_890, %get3A_891] {strides = array<i32>} : memref<4x16384xf32, #tpu.memory_space<vmem>>, vector<16xf32>,
      %mul3A_893 = arith.mulf %get3A_892, %get3A_892 : vector<16xf32>
      %add3A_894 = arith.addf %add3A_886, %mul3A_893 : vector<16xf32>
      scf.yield %add3A_894 : vector<16xf32>
    }
    %scan3A_263 = arith.constant 128 : i32
    %reduce_sum3A_264 = arith.constant true
    %reduce_sum3A_265 = vector.broadcast %reduce_sum3A_264 : i1 to vector<16xi1>
    %reduce_sum3A_266 = tpu.scan <sum>, %scan3A_262 masked %reduce_sum3A_265 : vector<16xf32>, vector<16xi1> -> vector<16xf32>
    %reduce_sum3A_267 = vector.extract %reduce_sum3A_266[15] : f32 from vector<16xf32>
    %broadcast_in_dim3A_268 = vector.broadcast %reduce_sum3A_249 : i32 to vector<16xi32>
    %broadcast_in_dim3A_269 = vector.broadcast %reduce_sum3A_256 : i32 to vector<16xi32>
    %jit3A_270 = arith.constant 16 : i32
    %div3A_271 = arith.divsi %reduce_sum3A_249, %jit3A_270 : i32
    %sign3A_272 = arith.constant 0 : i32
    %sign3A_273 = arith.cmpi sgt, %reduce_sum3A_249, %sign3A_272 : i32
    %sign3A_274 = arith.extui %sign3A_273 : i1 to i32
    %sign3A_275 = arith.constant 0 : i32
    %sign3A_276 = arith.cmpi slt, %reduce_sum3A_249, %sign3A_275 : i32
    %sign3A_277 = arith.extui %sign3A_276 : i1 to i32
    %sign3A_278 = arith.subi %sign3A_274, %sign3A_277 : i32
    %sign3A_279 = arith.constant 0 : i32
    %sign3A_280 = arith.cmpi sgt, %jit3A_270, %sign3A_279 : i32
    %sign3A_281 = arith.extui %sign3A_280 : i1 to i32
    %sign3A_282 = arith.constant 0 : i32
    %sign3A_283 = arith.cmpi slt, %jit3A_270, %sign3A_282 : i32
    %sign3A_284 = arith.extui %sign3A_283 : i1 to i32
    %sign3A_285 = arith.subi %sign3A_281, %sign3A_284 : i32
    %ne3A_286 = arith.cmpi ne, %sign3A_278, %sign3A_285 : i32
    %rem3A_287 = arith.remsi %reduce_sum3A_249, %jit3A_270 : i32
    %ne3A_288 = arith.constant 0 : i32
    %ne3A_289 = arith.cmpi ne, %rem3A_287, %ne3A_288 : i32
    %and3A_290 = arith.andi %ne3A_286, %ne3A_289 : i1
    %sub3A_291 = arith.constant 1 : i32
    %sub3A_292 = arith.subi %div3A_271, %sub3A_291 : i32
    %select_n3A_293 = arith.select %and3A_290, %sub3A_292, %div3A_271 : i32
    %jit3A_294 = arith.constant 16 : i32
    %div3A_295 = arith.divsi %reduce_sum3A_256, %jit3A_294 : i32
    %sign3A_296 = arith.constant 0 : i32
    %sign3A_297 = arith.cmpi sgt, %reduce_sum3A_256, %sign3A_296 : i32
    %sign3A_298 = arith.extui %sign3A_297 : i1 to i32
    %sign3A_299 = arith.constant 0 : i32
    %sign3A_300 = arith.cmpi slt, %reduce_sum3A_256, %sign3A_299 : i32
    %sign3A_301 = arith.extui %sign3A_300 : i1 to i32
    %sign3A_302 = arith.subi %sign3A_298, %sign3A_301 : i32
    %sign3A_303 = arith.constant 0 : i32
    %sign3A_304 = arith.cmpi sgt, %jit3A_294, %sign3A_303 : i32
    %sign3A_305 = arith.extui %sign3A_304 : i1 to i32
    %sign3A_306 = arith.constant 0 : i32
    %sign3A_307 = arith.cmpi slt, %jit3A_294, %sign3A_306 : i32
    %sign3A_308 = arith.extui %sign3A_307 : i1 to i32
    %sign3A_309 = arith.subi %sign3A_305, %sign3A_308 : i32
    %ne3A_310 = arith.cmpi ne, %sign3A_302, %sign3A_309 : i32
    %rem3A_311 = arith.remsi %reduce_sum3A_256, %jit3A_294 : i32
    %ne3A_312 = arith.constant 0 : i32
    %ne3A_313 = arith.cmpi ne, %rem3A_311, %ne3A_312 : i32
    %and3A_314 = arith.andi %ne3A_310, %ne3A_313 : i1
    %sub3A_315 = arith.constant 1 : i32
    %sub3A_316 = arith.subi %div3A_295, %sub3A_315 : i32
    %select_n3A_317 = arith.select %and3A_314, %sub3A_316, %div3A_295 : i32
    %add3A_318 = arith.constant 1 : i32
    %add3A_319 = arith.addi %reduce_sum3A_242, %add3A_318 : i32
    %broadcast_in_dim3A_320 = arith.constant -1.000000e+09 : f32
    %broadcast_in_dim3A_321 = vector.broadcast %broadcast_in_dim3A_320 : f32 to vector<16xf32>
    %broadcast_in_dim3A_322 = arith.constant 0.000000e+00 : f32
    %broadcast_in_dim3A_323 = vector.broadcast %broadcast_in_dim3A_322 : f32 to vector<16xf32>
    %while3A = arith.subi %add3A_319, %reduce_sum3A_235 : i32
    %while3A_324 = arith.addi %reduce_sum3A_235, %while3A : i32
    %while3A_325 = arith.constant 1 : i32
    %while3A_326 = arith.divsi %while3A, %while3A_325 : i32
    %while3A_327 = arith.muli %while3A_326, %while3A_325 : i32
    %while3A_328 = arith.addi %reduce_sum3A_235, %while3A_327 : i32
    %while3A_329 = arith.constant 1 : i32
    %while3A_330:2 = scf.for %while3A_828 = %reduce_sum3A_235 to %while3A_328 step %while3A_329 iter_args(%while3A_829 = %broadcast_in_dim3A_321, %while3A_830 = %broadcast_in_dim3A_323) -> (vector<16xf32>, vector<16xf32>)  : i32 {
      %add3A_831 = arith.constant 1 : i32
      %add3A_832 = arith.addi %select_n3A_317, %add3A_831 : i32
      %while3A_833 = arith.subi %add3A_832, %select_n3A_293 : i32
      %while3A_834 = arith.addi %select_n3A_293, %while3A_833 : i32
      %while3A_835 = arith.constant 1 : i32
      %while3A_836 = arith.divsi %while3A_833, %while3A_835 : i32
      %while3A_837 = arith.muli %while3A_836, %while3A_835 : i32
      %while3A_838 = arith.addi %select_n3A_293, %while3A_837 : i32
      %while3A_839 = arith.constant 1 : i32
      %while3A_840:2 = scf.for %while3A_843 = %select_n3A_293 to %while3A_838 step %while3A_839 iter_args(%while3A_844 = %while3A_829, %while3A_845 = %while3A_830) -> (vector<16xf32>, vector<16xf32>)  : i32 {
        %mul3A_846 = arith.constant 128 : i32
        %mul3A_847 = arith.muli %while3A_828, %mul3A_846 : i32
        %mul3A_848 = arith.constant 16 : i32
        %mul3A_849 = arith.muli %while3A_843, %mul3A_848 : i32
        %add3A_850 = arith.addi %mul3A_847, %mul3A_849 : i32
        %get3A = arith.constant 0 : i32
        %get3A_851 = arith.index_cast %get3A : i32 to index
        %get3A_852 = arith.index_cast %add3A_850 : i32 to index
        %get3A_853 = tpu.vector_load %arg8[%get3A_851, %get3A_852] {strides = array<i32>} : memref<4x16384xf32, #tpu.memory_space<vmem>>, vector<16xf32>,
        %mul3A_854 = arith.constant 16 : i32
        %mul3A_855 = arith.muli %while3A_843, %mul3A_854 : i32
        %add3A_856 = vector.broadcast %mul3A_855 : i32 to vector<16xi32>
        %add3A_857 = arith.addi %iota3A, %add3A_856 : vector<16xi32>
        %ge3A = arith.cmpi sge, %add3A_857, %broadcast_in_dim3A_268 : vector<16xi32>
        %le3A = arith.cmpi sle, %add3A_857, %broadcast_in_dim3A_269 : vector<16xi32>
        %and3A_858 = arith.andi %ge3A, %le3A : vector<16xi1>
        %jit3A_859 = arith.constant -1.000000e+09 : f32
        %broadcast_in_dim3A_860 = vector.broadcast %jit3A_859 : f32 to vector<16xf32>
        %select_n3A_861 = arith.select %and3A_858, %get3A_853, %broadcast_in_dim3A_860 : vector<16xi1>, vector<16xf32>
        %max3A_862 = arith.maximumf %while3A_844, %select_n3A_861 : vector<16xf32>
        %mul3A_863 = arith.mulf %get3A_853, %get3A_853 : vector<16xf32>
        %jit3A_864 = arith.constant 0.000000e+00 : f32
        %broadcast_in_dim3A_865 = vector.broadcast %jit3A_864 : f32 to vector<16xf32>
        %select_n3A_866 = arith.select %and3A_858, %mul3A_863, %broadcast_in_dim3A_865 : vector<16xi1>, vector<16xf32>
        %add3A_867 = arith.addf %while3A_845, %select_n3A_866 : vector<16xf32>
        scf.yield %max3A_862, %add3A_867 : vector<16xf32>, vector<16xf32>
      }
      %while3A_841 = arith.constant 1 : i32
      %while3A_842:2 = scf.for %while3A_843 = %while3A_838 to %while3A_834 step %while3A_841 iter_args(%while3A_844 = %while3A_840#0, %while3A_845 = %while3A_840#1) -> (vector<16xf32>, vector<16xf32>)  : i32 {
        %mul3A_846 = arith.constant 128 : i32
        %mul3A_847 = arith.muli %while3A_828, %mul3A_846 : i32
        %mul3A_848 = arith.constant 16 : i32
        %mul3A_849 = arith.muli %while3A_843, %mul3A_848 : i32
        %add3A_850 = arith.addi %mul3A_847, %mul3A_849 : i32
        %get3A = arith.constant 0 : i32
        %get3A_851 = arith.index_cast %get3A : i32 to index
        %get3A_852 = arith.index_cast %add3A_850 : i32 to index
        %get3A_853 = tpu.vector_load %arg8[%get3A_851, %get3A_852] {strides = array<i32>} : memref<4x16384xf32, #tpu.memory_space<vmem>>, vector<16xf32>,
        %mul3A_854 = arith.constant 16 : i32
        %mul3A_855 = arith.muli %while3A_843, %mul3A_854 : i32
        %add3A_856 = vector.broadcast %mul3A_855 : i32 to vector<16xi32>
        %add3A_857 = arith.addi %iota3A, %add3A_856 : vector<16xi32>
        %ge3A = arith.cmpi sge, %add3A_857, %broadcast_in_dim3A_268 : vector<16xi32>
        %le3A = arith.cmpi sle, %add3A_857, %broadcast_in_dim3A_269 : vector<16xi32>
        %and3A_858 = arith.andi %ge3A, %le3A : vector<16xi1>
        %jit3A_859 = arith.constant -1.000000e+09 : f32
        %broadcast_in_dim3A_860 = vector.broadcast %jit3A_859 : f32 to vector<16xf32>
        %select_n3A_861 = arith.select %and3A_858, %get3A_853, %broadcast_in_dim3A_860 : vector<16xi1>, vector<16xf32>
        %max3A_862 = arith.maximumf %while3A_844, %select_n3A_861 : vector<16xf32>
        %mul3A_863 = arith.mulf %get3A_853, %get3A_853 : vector<16xf32>
        %jit3A_864 = arith.constant 0.000000e+00 : f32
        %broadcast_in_dim3A_865 = vector.broadcast %jit3A_864 : f32 to vector<16xf32>
        %select_n3A_866 = arith.select %and3A_858, %mul3A_863, %broadcast_in_dim3A_865 : vector<16xi1>, vector<16xf32>
        %add3A_867 = arith.addf %while3A_845, %select_n3A_866 : vector<16xf32>
        scf.yield %max3A_862, %add3A_867 : vector<16xf32>, vector<16xf32>
      }
      scf.yield %while3A_842#0, %while3A_842#1 : vector<16xf32>, vector<16xf32>
    }
    %while3A_331 = arith.constant 1 : i32
    %while3A_332:2 = scf.for %while3A_828 = %while3A_328 to %while3A_324 step %while3A_331 iter_args(%while3A_829 = %while3A_330#0, %while3A_830 = %while3A_330#1) -> (vector<16xf32>, vector<16xf32>)  : i32 {
      %add3A_831 = arith.constant 1 : i32
      %add3A_832 = arith.addi %select_n3A_317, %add3A_831 : i32
      %while3A_833 = arith.subi %add3A_832, %select_n3A_293 : i32
      %while3A_834 = arith.addi %select_n3A_293, %while3A_833 : i32
      %while3A_835 = arith.constant 1 : i32
      %while3A_836 = arith.divsi %while3A_833, %while3A_835 : i32
      %while3A_837 = arith.muli %while3A_836, %while3A_835 : i32
      %while3A_838 = arith.addi %select_n3A_293, %while3A_837 : i32
      %while3A_839 = arith.constant 1 : i32
      %while3A_840:2 = scf.for %while3A_843 = %select_n3A_293 to %while3A_838 step %while3A_839 iter_args(%while3A_844 = %while3A_829, %while3A_845 = %while3A_830) -> (vector<16xf32>, vector<16xf32>)  : i32 {
        %mul3A_846 = arith.constant 128 : i32
        %mul3A_847 = arith.muli %while3A_828, %mul3A_846 : i32
        %mul3A_848 = arith.constant 16 : i32
        %mul3A_849 = arith.muli %while3A_843, %mul3A_848 : i32
        %add3A_850 = arith.addi %mul3A_847, %mul3A_849 : i32
        %get3A = arith.constant 0 : i32
        %get3A_851 = arith.index_cast %get3A : i32 to index
        %get3A_852 = arith.index_cast %add3A_850 : i32 to index
        %get3A_853 = tpu.vector_load %arg8[%get3A_851, %get3A_852] {strides = array<i32>} : memref<4x16384xf32, #tpu.memory_space<vmem>>, vector<16xf32>,
        %mul3A_854 = arith.constant 16 : i32
        %mul3A_855 = arith.muli %while3A_843, %mul3A_854 : i32
        %add3A_856 = vector.broadcast %mul3A_855 : i32 to vector<16xi32>
        %add3A_857 = arith.addi %iota3A, %add3A_856 : vector<16xi32>
        %ge3A = arith.cmpi sge, %add3A_857, %broadcast_in_dim3A_268 : vector<16xi32>
        %le3A = arith.cmpi sle, %add3A_857, %broadcast_in_dim3A_269 : vector<16xi32>
        %and3A_858 = arith.andi %ge3A, %le3A : vector<16xi1>
        %jit3A_859 = arith.constant -1.000000e+09 : f32
        %broadcast_in_dim3A_860 = vector.broadcast %jit3A_859 : f32 to vector<16xf32>
        %select_n3A_861 = arith.select %and3A_858, %get3A_853, %broadcast_in_dim3A_860 : vector<16xi1>, vector<16xf32>
        %max3A_862 = arith.maximumf %while3A_844, %select_n3A_861 : vector<16xf32>
        %mul3A_863 = arith.mulf %get3A_853, %get3A_853 : vector<16xf32>
        %jit3A_864 = arith.constant 0.000000e+00 : f32
        %broadcast_in_dim3A_865 = vector.broadcast %jit3A_864 : f32 to vector<16xf32>
        %select_n3A_866 = arith.select %and3A_858, %mul3A_863, %broadcast_in_dim3A_865 : vector<16xi1>, vector<16xf32>
        %add3A_867 = arith.addf %while3A_845, %select_n3A_866 : vector<16xf32>
        scf.yield %max3A_862, %add3A_867 : vector<16xf32>, vector<16xf32>
      }
      %while3A_841 = arith.constant 1 : i32
      %while3A_842:2 = scf.for %while3A_843 = %while3A_838 to %while3A_834 step %while3A_841 iter_args(%while3A_844 = %while3A_840#0, %while3A_845 = %while3A_840#1) -> (vector<16xf32>, vector<16xf32>)  : i32 {
        %mul3A_846 = arith.constant 128 : i32
        %mul3A_847 = arith.muli %while3A_828, %mul3A_846 : i32
        %mul3A_848 = arith.constant 16 : i32
        %mul3A_849 = arith.muli %while3A_843, %mul3A_848 : i32
        %add3A_850 = arith.addi %mul3A_847, %mul3A_849 : i32
        %get3A = arith.constant 0 : i32
        %get3A_851 = arith.index_cast %get3A : i32 to index
        %get3A_852 = arith.index_cast %add3A_850 : i32 to index
        %get3A_853 = tpu.vector_load %arg8[%get3A_851, %get3A_852] {strides = array<i32>} : memref<4x16384xf32, #tpu.memory_space<vmem>>, vector<16xf32>,
        %mul3A_854 = arith.constant 16 : i32
        %mul3A_855 = arith.muli %while3A_843, %mul3A_854 : i32
        %add3A_856 = vector.broadcast %mul3A_855 : i32 to vector<16xi32>
        %add3A_857 = arith.addi %iota3A, %add3A_856 : vector<16xi32>
        %ge3A = arith.cmpi sge, %add3A_857, %broadcast_in_dim3A_268 : vector<16xi32>
        %le3A = arith.cmpi sle, %add3A_857, %broadcast_in_dim3A_269 : vector<16xi32>
        %and3A_858 = arith.andi %ge3A, %le3A : vector<16xi1>
        %jit3A_859 = arith.constant -1.000000e+09 : f32
        %broadcast_in_dim3A_860 = vector.broadcast %jit3A_859 : f32 to vector<16xf32>
        %select_n3A_861 = arith.select %and3A_858, %get3A_853, %broadcast_in_dim3A_860 : vector<16xi1>, vector<16xf32>
        %max3A_862 = arith.maximumf %while3A_844, %select_n3A_861 : vector<16xf32>
        %mul3A_863 = arith.mulf %get3A_853, %get3A_853 : vector<16xf32>
        %jit3A_864 = arith.constant 0.000000e+00 : f32
        %broadcast_in_dim3A_865 = vector.broadcast %jit3A_864 : f32 to vector<16xf32>
        %select_n3A_866 = arith.select %and3A_858, %mul3A_863, %broadcast_in_dim3A_865 : vector<16xi1>, vector<16xf32>
        %add3A_867 = arith.addf %while3A_845, %select_n3A_866 : vector<16xf32>
        scf.yield %max3A_862, %add3A_867 : vector<16xf32>, vector<16xf32>
      }
      scf.yield %while3A_842#0, %while3A_842#1 : vector<16xf32>, vector<16xf32>
    }
    %reduce_max3A = arith.constant true
    %reduce_max3A_333 = vector.broadcast %reduce_max3A : i1 to vector<16xi1>
    %reduce_max3A_334 = tpu.scan <max>, %while3A_332#0 masked %reduce_max3A_333 : vector<16xf32>, vector<16xi1> -> vector<16xf32>
    %reduce_max3A_335 = vector.extract %reduce_max3A_334[15] : f32 from vector<16xf32>
    %reduce_sum3A_336 = arith.constant true
    %reduce_sum3A_337 = vector.broadcast %reduce_sum3A_336 : i1 to vector<16xi1>
    %reduce_sum3A_338 = tpu.scan <sum>, %while3A_332#1 masked %reduce_sum3A_337 : vector<16xf32>, vector<16xi1> -> vector<16xf32>
    %reduce_sum3A_339 = vector.extract %reduce_sum3A_338[15] : f32 from vector<16xf32>
    %sub3A_340 = arith.subi %reduce_sum3A_242, %reduce_sum3A_235 : i32
    %add3A_341 = arith.constant 1 : i32
    %add3A_342 = arith.addi %sub3A_340, %add3A_341 : i32
    %sub3A_343 = arith.subi %reduce_sum3A_256, %reduce_sum3A_249 : i32
    %add3A_344 = arith.constant 1 : i32
    %add3A_345 = arith.addi %sub3A_343, %add3A_344 : i32
    %mul3A_346 = arith.muli %add3A_342, %add3A_345 : i32
    %convert_element_type3A_347 = arith.sitofp %mul3A_346 : i32 to f32
    %sub3A_348 = arith.constant 1.638400e+04 : f32
    %sub3A_349 = arith.subf %sub3A_348, %convert_element_type3A_347 : f32
    %sub3A_350 = arith.subf %reduce_sum3A_267, %reduce_sum3A_339 : f32
    %broadcast_in_dim3A_351 = vector.broadcast %sub3A_350 : f32 to vector<16xf32>
    %add3A_352 = arith.constant 1.000000e-07 : f32
    %add3A_353 = arith.addf %sub3A_349, %add3A_352 : f32
    %broadcast_in_dim3A_354 = vector.broadcast %add3A_353 : f32 to vector<16xf32>
    %sub3A_355 = arith.constant 3.000000e-01 : f32
    %sub3A_356 = arith.subf %sub3A_355, %reduce_max3A_335 : f32
    %max3A_357 = arith.constant 0.000000e+00 : f32
    %max3A_358 = arith.maximumf %sub3A_356, %max3A_357 : f32
    %broadcast_in_dim3A_359 = vector.broadcast %max3A_358 : f32 to vector<16xf32>
    %eq3A_360 = arith.constant 0 : i32
    %eq3A_361 = vector.broadcast %eq3A_360 : i32 to vector<16xi32>
    %eq3A_362 = arith.cmpi eq, %iota3A, %eq3A_361 : vector<16xi32>
    %div3A_363 = arith.divf %broadcast_in_dim3A_351, %broadcast_in_dim3A_354 : vector<16xf32>
    %add3A_364 = arith.addf %div3A_363, %broadcast_in_dim3A_359 : vector<16xf32>
    %mul3A_365 = arith.constant 1.562500e-02 : f32
    %mul3A_366 = vector.broadcast %mul3A_365 : f32 to vector<16xf32>
    %mul3A_367 = arith.mulf %add3A_364, %mul3A_366 : vector<16xf32>
    %jit3A_368 = arith.constant 0.000000e+00 : f32
    %broadcast_in_dim3A_369 = vector.broadcast %jit3A_368 : f32 to vector<16xf32>
    %select_n3A_370 = arith.select %eq3A_362, %mul3A_367, %broadcast_in_dim3A_369 : vector<16xi1>, vector<16xf32>
    %add3A_371 = arith.addf %broadcast_in_dim3A_225, %select_n3A_370 : vector<16xf32>
    %eq3A_372 = arith.constant 1 : i32
    %eq3A_373 = vector.broadcast %eq3A_372 : i32 to vector<16xi32>
    %eq3A_374 = arith.cmpi eq, %iota3A, %eq3A_373 : vector<16xi32>
    %jit3A_375 = arith.constant 0 : i32
    %broadcast_in_dim3A_376 = vector.broadcast %jit3A_375 : i32 to vector<16xi32>
    %select_n3A_377 = arith.select %eq3A_374, %min3A_72, %broadcast_in_dim3A_376 : vector<16xi1>, vector<16xi32>
    %reduce_sum3A_378 = arith.constant true
    %reduce_sum3A_379 = vector.broadcast %reduce_sum3A_378 : i1 to vector<16xi1>
    %reduce_sum3A_380 = tpu.scan <sum>, %select_n3A_377 masked %reduce_sum3A_379 : vector<16xi32>, vector<16xi1> -> vector<16xi32>
    %reduce_sum3A_381 = vector.extract %reduce_sum3A_380[15] : i32 from vector<16xi32>
    %jit3A_382 = arith.constant 0 : i32
    %broadcast_in_dim3A_383 = vector.broadcast %jit3A_382 : i32 to vector<16xi32>
    %select_n3A_384 = arith.select %eq3A_374, %max3A_83, %broadcast_in_dim3A_383 : vector<16xi1>, vector<16xi32>
    %reduce_sum3A_385 = arith.constant true
    %reduce_sum3A_386 = vector.broadcast %reduce_sum3A_385 : i1 to vector<16xi1>
    %reduce_sum3A_387 = tpu.scan <sum>, %select_n3A_384 masked %reduce_sum3A_386 : vector<16xi32>, vector<16xi1> -> vector<16xi32>
    %reduce_sum3A_388 = vector.extract %reduce_sum3A_387[15] : i32 from vector<16xi32>
    %jit3A_389 = arith.constant 0 : i32
    %broadcast_in_dim3A_390 = vector.broadcast %jit3A_389 : i32 to vector<16xi32>
    %select_n3A_391 = arith.select %eq3A_374, %min3A_93, %broadcast_in_dim3A_390 : vector<16xi1>, vector<16xi32>
    %reduce_sum3A_392 = arith.constant true
    %reduce_sum3A_393 = vector.broadcast %reduce_sum3A_392 : i1 to vector<16xi1>
    %reduce_sum3A_394 = tpu.scan <sum>, %select_n3A_391 masked %reduce_sum3A_393 : vector<16xi32>, vector<16xi1> -> vector<16xi32>
    %reduce_sum3A_395 = vector.extract %reduce_sum3A_394[15] : i32 from vector<16xi32>
    %jit3A_396 = arith.constant 0 : i32
    %broadcast_in_dim3A_397 = vector.broadcast %jit3A_396 : i32 to vector<16xi32>
    %select_n3A_398 = arith.select %eq3A_374, %max3A_104, %broadcast_in_dim3A_397 : vector<16xi1>, vector<16xi32>
    %reduce_sum3A_399 = arith.constant true
    %reduce_sum3A_400 = vector.broadcast %reduce_sum3A_399 : i1 to vector<16xi1>
    %reduce_sum3A_401 = tpu.scan <sum>, %select_n3A_398 masked %reduce_sum3A_400 : vector<16xi32>, vector<16xi1> -> vector<16xi32>
    %reduce_sum3A_402 = vector.extract %reduce_sum3A_401[15] : i32 from vector<16xi32>
    %broadcast_in_dim3A_403 = arith.constant 0.000000e+00 : f32
    %broadcast_in_dim3A_404 = vector.broadcast %broadcast_in_dim3A_403 : f32 to vector<16xf32>
    %scan3A_405 = arith.constant 0 : i32
    %scan3A_406 = arith.constant 128 : i32
    %scan3A_407 = arith.addi %scan3A_405, %scan3A_406 : i32
    %scan3A_408 = arith.constant 1 : i32
    %scan3A_409 = scf.for %scan3A_828 = %scan3A_405 to %scan3A_407 step %scan3A_408 iter_args(%scan3A_829 = %broadcast_in_dim3A_404) -> (vector<16xf32>)  : i32 {
      %mul3A_830 = arith.constant 128 : i32
      %mul3A_831 = arith.muli %scan3A_828, %mul3A_830 : i32
      %add3A_832 = arith.constant 0 : i32
      %add3A_833 = arith.addi %mul3A_831, %add3A_832 : i32
      %get3A = arith.constant 1 : i32
      %get3A_834 = arith.index_cast %get3A : i32 to index
      %get3A_835 = arith.index_cast %add3A_833 : i32 to index
      %get3A_836 = tpu.vector_load %arg8[%get3A_834, %get3A_835] {strides = array<i32>} : memref<4x16384xf32, #tpu.memory_space<vmem>>, vector<16xf32>,
      %mul3A_837 = arith.mulf %get3A_836, %get3A_836 : vector<16xf32>
      %add3A_838 = arith.addf %scan3A_829, %mul3A_837 : vector<16xf32>
      %add3A_839 = arith.constant 16 : i32
      %add3A_840 = arith.addi %mul3A_831, %add3A_839 : i32
      %get3A_841 = arith.constant 1 : i32
      %get3A_842 = arith.index_cast %get3A_841 : i32 to index
      %get3A_843 = arith.index_cast %add3A_840 : i32 to index
      %get3A_844 = tpu.vector_load %arg8[%get3A_842, %get3A_843] {strides = array<i32>} : memref<4x16384xf32, #tpu.memory_space<vmem>>, vector<16xf32>,
      %mul3A_845 = arith.mulf %get3A_844, %get3A_844 : vector<16xf32>
      %add3A_846 = arith.addf %add3A_838, %mul3A_845 : vector<16xf32>
      %add3A_847 = arith.constant 32 : i32
      %add3A_848 = arith.addi %mul3A_831, %add3A_847 : i32
      %get3A_849 = arith.constant 1 : i32
      %get3A_850 = arith.index_cast %get3A_849 : i32 to index
      %get3A_851 = arith.index_cast %add3A_848 : i32 to index
      %get3A_852 = tpu.vector_load %arg8[%get3A_850, %get3A_851] {strides = array<i32>} : memref<4x16384xf32, #tpu.memory_space<vmem>>, vector<16xf32>,
      %mul3A_853 = arith.mulf %get3A_852, %get3A_852 : vector<16xf32>
      %add3A_854 = arith.addf %add3A_846, %mul3A_853 : vector<16xf32>
      %add3A_855 = arith.constant 48 : i32
      %add3A_856 = arith.addi %mul3A_831, %add3A_855 : i32
      %get3A_857 = arith.constant 1 : i32
      %get3A_858 = arith.index_cast %get3A_857 : i32 to index
      %get3A_859 = arith.index_cast %add3A_856 : i32 to index
      %get3A_860 = tpu.vector_load %arg8[%get3A_858, %get3A_859] {strides = array<i32>} : memref<4x16384xf32, #tpu.memory_space<vmem>>, vector<16xf32>,
      %mul3A_861 = arith.mulf %get3A_860, %get3A_860 : vector<16xf32>
      %add3A_862 = arith.addf %add3A_854, %mul3A_861 : vector<16xf32>
      %add3A_863 = arith.constant 64 : i32
      %add3A_864 = arith.addi %mul3A_831, %add3A_863 : i32
      %get3A_865 = arith.constant 1 : i32
      %get3A_866 = arith.index_cast %get3A_865 : i32 to index
      %get3A_867 = arith.index_cast %add3A_864 : i32 to index
      %get3A_868 = tpu.vector_load %arg8[%get3A_866, %get3A_867] {strides = array<i32>} : memref<4x16384xf32, #tpu.memory_space<vmem>>, vector<16xf32>,
      %mul3A_869 = arith.mulf %get3A_868, %get3A_868 : vector<16xf32>
      %add3A_870 = arith.addf %add3A_862, %mul3A_869 : vector<16xf32>
      %add3A_871 = arith.constant 80 : i32
      %add3A_872 = arith.addi %mul3A_831, %add3A_871 : i32
      %get3A_873 = arith.constant 1 : i32
      %get3A_874 = arith.index_cast %get3A_873 : i32 to index
      %get3A_875 = arith.index_cast %add3A_872 : i32 to index
      %get3A_876 = tpu.vector_load %arg8[%get3A_874, %get3A_875] {strides = array<i32>} : memref<4x16384xf32, #tpu.memory_space<vmem>>, vector<16xf32>,
      %mul3A_877 = arith.mulf %get3A_876, %get3A_876 : vector<16xf32>
      %add3A_878 = arith.addf %add3A_870, %mul3A_877 : vector<16xf32>
      %add3A_879 = arith.constant 96 : i32
      %add3A_880 = arith.addi %mul3A_831, %add3A_879 : i32
      %get3A_881 = arith.constant 1 : i32
      %get3A_882 = arith.index_cast %get3A_881 : i32 to index
      %get3A_883 = arith.index_cast %add3A_880 : i32 to index
      %get3A_884 = tpu.vector_load %arg8[%get3A_882, %get3A_883] {strides = array<i32>} : memref<4x16384xf32, #tpu.memory_space<vmem>>, vector<16xf32>,
      %mul3A_885 = arith.mulf %get3A_884, %get3A_884 : vector<16xf32>
      %add3A_886 = arith.addf %add3A_878, %mul3A_885 : vector<16xf32>
      %add3A_887 = arith.constant 112 : i32
      %add3A_888 = arith.addi %mul3A_831, %add3A_887 : i32
      %get3A_889 = arith.constant 1 : i32
      %get3A_890 = arith.index_cast %get3A_889 : i32 to index
      %get3A_891 = arith.index_cast %add3A_888 : i32 to index
      %get3A_892 = tpu.vector_load %arg8[%get3A_890, %get3A_891] {strides = array<i32>} : memref<4x16384xf32, #tpu.memory_space<vmem>>, vector<16xf32>,
      %mul3A_893 = arith.mulf %get3A_892, %get3A_892 : vector<16xf32>
      %add3A_894 = arith.addf %add3A_886, %mul3A_893 : vector<16xf32>
      scf.yield %add3A_894 : vector<16xf32>
    }
    %scan3A_410 = arith.constant 128 : i32
    %reduce_sum3A_411 = arith.constant true
    %reduce_sum3A_412 = vector.broadcast %reduce_sum3A_411 : i1 to vector<16xi1>
    %reduce_sum3A_413 = tpu.scan <sum>, %scan3A_409 masked %reduce_sum3A_412 : vector<16xf32>, vector<16xi1> -> vector<16xf32>
    %reduce_sum3A_414 = vector.extract %reduce_sum3A_413[15] : f32 from vector<16xf32>
    %broadcast_in_dim3A_415 = vector.broadcast %reduce_sum3A_395 : i32 to vector<16xi32>
    %broadcast_in_dim3A_416 = vector.broadcast %reduce_sum3A_402 : i32 to vector<16xi32>
    %jit3A_417 = arith.constant 16 : i32
    %div3A_418 = arith.divsi %reduce_sum3A_395, %jit3A_417 : i32
    %sign3A_419 = arith.constant 0 : i32
    %sign3A_420 = arith.cmpi sgt, %reduce_sum3A_395, %sign3A_419 : i32
    %sign3A_421 = arith.extui %sign3A_420 : i1 to i32
    %sign3A_422 = arith.constant 0 : i32
    %sign3A_423 = arith.cmpi slt, %reduce_sum3A_395, %sign3A_422 : i32
    %sign3A_424 = arith.extui %sign3A_423 : i1 to i32
    %sign3A_425 = arith.subi %sign3A_421, %sign3A_424 : i32
    %sign3A_426 = arith.constant 0 : i32
    %sign3A_427 = arith.cmpi sgt, %jit3A_417, %sign3A_426 : i32
    %sign3A_428 = arith.extui %sign3A_427 : i1 to i32
    %sign3A_429 = arith.constant 0 : i32
    %sign3A_430 = arith.cmpi slt, %jit3A_417, %sign3A_429 : i32
    %sign3A_431 = arith.extui %sign3A_430 : i1 to i32
    %sign3A_432 = arith.subi %sign3A_428, %sign3A_431 : i32
    %ne3A_433 = arith.cmpi ne, %sign3A_425, %sign3A_432 : i32
    %rem3A_434 = arith.remsi %reduce_sum3A_395, %jit3A_417 : i32
    %ne3A_435 = arith.constant 0 : i32
    %ne3A_436 = arith.cmpi ne, %rem3A_434, %ne3A_435 : i32
    %and3A_437 = arith.andi %ne3A_433, %ne3A_436 : i1
    %sub3A_438 = arith.constant 1 : i32
    %sub3A_439 = arith.subi %div3A_418, %sub3A_438 : i32
    %select_n3A_440 = arith.select %and3A_437, %sub3A_439, %div3A_418 : i32
    %jit3A_441 = arith.constant 16 : i32
    %div3A_442 = arith.divsi %reduce_sum3A_402, %jit3A_441 : i32
    %sign3A_443 = arith.constant 0 : i32
    %sign3A_444 = arith.cmpi sgt, %reduce_sum3A_402, %sign3A_443 : i32
    %sign3A_445 = arith.extui %sign3A_444 : i1 to i32
    %sign3A_446 = arith.constant 0 : i32
    %sign3A_447 = arith.cmpi slt, %reduce_sum3A_402, %sign3A_446 : i32
    %sign3A_448 = arith.extui %sign3A_447 : i1 to i32
    %sign3A_449 = arith.subi %sign3A_445, %sign3A_448 : i32
    %sign3A_450 = arith.constant 0 : i32
    %sign3A_451 = arith.cmpi sgt, %jit3A_441, %sign3A_450 : i32
    %sign3A_452 = arith.extui %sign3A_451 : i1 to i32
    %sign3A_453 = arith.constant 0 : i32
    %sign3A_454 = arith.cmpi slt, %jit3A_441, %sign3A_453 : i32
    %sign3A_455 = arith.extui %sign3A_454 : i1 to i32
    %sign3A_456 = arith.subi %sign3A_452, %sign3A_455 : i32
    %ne3A_457 = arith.cmpi ne, %sign3A_449, %sign3A_456 : i32
    %rem3A_458 = arith.remsi %reduce_sum3A_402, %jit3A_441 : i32
    %ne3A_459 = arith.constant 0 : i32
    %ne3A_460 = arith.cmpi ne, %rem3A_458, %ne3A_459 : i32
    %and3A_461 = arith.andi %ne3A_457, %ne3A_460 : i1
    %sub3A_462 = arith.constant 1 : i32
    %sub3A_463 = arith.subi %div3A_442, %sub3A_462 : i32
    %select_n3A_464 = arith.select %and3A_461, %sub3A_463, %div3A_442 : i32
    %add3A_465 = arith.constant 1 : i32
    %add3A_466 = arith.addi %reduce_sum3A_388, %add3A_465 : i32
    %broadcast_in_dim3A_467 = arith.constant -1.000000e+09 : f32
    %broadcast_in_dim3A_468 = vector.broadcast %broadcast_in_dim3A_467 : f32 to vector<16xf32>
    %broadcast_in_dim3A_469 = arith.constant 0.000000e+00 : f32
    %broadcast_in_dim3A_470 = vector.broadcast %broadcast_in_dim3A_469 : f32 to vector<16xf32>
    %while3A_471 = arith.subi %add3A_466, %reduce_sum3A_381 : i32
    %while3A_472 = arith.addi %reduce_sum3A_381, %while3A_471 : i32
    %while3A_473 = arith.constant 1 : i32
    %while3A_474 = arith.divsi %while3A_471, %while3A_473 : i32
    %while3A_475 = arith.muli %while3A_474, %while3A_473 : i32
    %while3A_476 = arith.addi %reduce_sum3A_381, %while3A_475 : i32
    %while3A_477 = arith.constant 1 : i32
    %while3A_478:2 = scf.for %while3A_828 = %reduce_sum3A_381 to %while3A_476 step %while3A_477 iter_args(%while3A_829 = %broadcast_in_dim3A_468, %while3A_830 = %broadcast_in_dim3A_470) -> (vector<16xf32>, vector<16xf32>)  : i32 {
      %add3A_831 = arith.constant 1 : i32
      %add3A_832 = arith.addi %select_n3A_464, %add3A_831 : i32
      %while3A_833 = arith.subi %add3A_832, %select_n3A_440 : i32
      %while3A_834 = arith.addi %select_n3A_440, %while3A_833 : i32
      %while3A_835 = arith.constant 1 : i32
      %while3A_836 = arith.divsi %while3A_833, %while3A_835 : i32
      %while3A_837 = arith.muli %while3A_836, %while3A_835 : i32
      %while3A_838 = arith.addi %select_n3A_440, %while3A_837 : i32
      %while3A_839 = arith.constant 1 : i32
      %while3A_840:2 = scf.for %while3A_843 = %select_n3A_440 to %while3A_838 step %while3A_839 iter_args(%while3A_844 = %while3A_829, %while3A_845 = %while3A_830) -> (vector<16xf32>, vector<16xf32>)  : i32 {
        %mul3A_846 = arith.constant 128 : i32
        %mul3A_847 = arith.muli %while3A_828, %mul3A_846 : i32
        %mul3A_848 = arith.constant 16 : i32
        %mul3A_849 = arith.muli %while3A_843, %mul3A_848 : i32
        %add3A_850 = arith.addi %mul3A_847, %mul3A_849 : i32
        %get3A = arith.constant 1 : i32
        %get3A_851 = arith.index_cast %get3A : i32 to index
        %get3A_852 = arith.index_cast %add3A_850 : i32 to index
        %get3A_853 = tpu.vector_load %arg8[%get3A_851, %get3A_852] {strides = array<i32>} : memref<4x16384xf32, #tpu.memory_space<vmem>>, vector<16xf32>,
        %mul3A_854 = arith.constant 16 : i32
        %mul3A_855 = arith.muli %while3A_843, %mul3A_854 : i32
        %add3A_856 = vector.broadcast %mul3A_855 : i32 to vector<16xi32>
        %add3A_857 = arith.addi %iota3A, %add3A_856 : vector<16xi32>
        %ge3A = arith.cmpi sge, %add3A_857, %broadcast_in_dim3A_415 : vector<16xi32>
        %le3A = arith.cmpi sle, %add3A_857, %broadcast_in_dim3A_416 : vector<16xi32>
        %and3A_858 = arith.andi %ge3A, %le3A : vector<16xi1>
        %jit3A_859 = arith.constant -1.000000e+09 : f32
        %broadcast_in_dim3A_860 = vector.broadcast %jit3A_859 : f32 to vector<16xf32>
        %select_n3A_861 = arith.select %and3A_858, %get3A_853, %broadcast_in_dim3A_860 : vector<16xi1>, vector<16xf32>
        %max3A_862 = arith.maximumf %while3A_844, %select_n3A_861 : vector<16xf32>
        %mul3A_863 = arith.mulf %get3A_853, %get3A_853 : vector<16xf32>
        %jit3A_864 = arith.constant 0.000000e+00 : f32
        %broadcast_in_dim3A_865 = vector.broadcast %jit3A_864 : f32 to vector<16xf32>
        %select_n3A_866 = arith.select %and3A_858, %mul3A_863, %broadcast_in_dim3A_865 : vector<16xi1>, vector<16xf32>
        %add3A_867 = arith.addf %while3A_845, %select_n3A_866 : vector<16xf32>
        scf.yield %max3A_862, %add3A_867 : vector<16xf32>, vector<16xf32>
      }
      %while3A_841 = arith.constant 1 : i32
      %while3A_842:2 = scf.for %while3A_843 = %while3A_838 to %while3A_834 step %while3A_841 iter_args(%while3A_844 = %while3A_840#0, %while3A_845 = %while3A_840#1) -> (vector<16xf32>, vector<16xf32>)  : i32 {
        %mul3A_846 = arith.constant 128 : i32
        %mul3A_847 = arith.muli %while3A_828, %mul3A_846 : i32
        %mul3A_848 = arith.constant 16 : i32
        %mul3A_849 = arith.muli %while3A_843, %mul3A_848 : i32
        %add3A_850 = arith.addi %mul3A_847, %mul3A_849 : i32
        %get3A = arith.constant 1 : i32
        %get3A_851 = arith.index_cast %get3A : i32 to index
        %get3A_852 = arith.index_cast %add3A_850 : i32 to index
        %get3A_853 = tpu.vector_load %arg8[%get3A_851, %get3A_852] {strides = array<i32>} : memref<4x16384xf32, #tpu.memory_space<vmem>>, vector<16xf32>,
        %mul3A_854 = arith.constant 16 : i32
        %mul3A_855 = arith.muli %while3A_843, %mul3A_854 : i32
        %add3A_856 = vector.broadcast %mul3A_855 : i32 to vector<16xi32>
        %add3A_857 = arith.addi %iota3A, %add3A_856 : vector<16xi32>
        %ge3A = arith.cmpi sge, %add3A_857, %broadcast_in_dim3A_415 : vector<16xi32>
        %le3A = arith.cmpi sle, %add3A_857, %broadcast_in_dim3A_416 : vector<16xi32>
        %and3A_858 = arith.andi %ge3A, %le3A : vector<16xi1>
        %jit3A_859 = arith.constant -1.000000e+09 : f32
        %broadcast_in_dim3A_860 = vector.broadcast %jit3A_859 : f32 to vector<16xf32>
        %select_n3A_861 = arith.select %and3A_858, %get3A_853, %broadcast_in_dim3A_860 : vector<16xi1>, vector<16xf32>
        %max3A_862 = arith.maximumf %while3A_844, %select_n3A_861 : vector<16xf32>
        %mul3A_863 = arith.mulf %get3A_853, %get3A_853 : vector<16xf32>
        %jit3A_864 = arith.constant 0.000000e+00 : f32
        %broadcast_in_dim3A_865 = vector.broadcast %jit3A_864 : f32 to vector<16xf32>
        %select_n3A_866 = arith.select %and3A_858, %mul3A_863, %broadcast_in_dim3A_865 : vector<16xi1>, vector<16xf32>
        %add3A_867 = arith.addf %while3A_845, %select_n3A_866 : vector<16xf32>
        scf.yield %max3A_862, %add3A_867 : vector<16xf32>, vector<16xf32>
      }
      scf.yield %while3A_842#0, %while3A_842#1 : vector<16xf32>, vector<16xf32>
    }
    %while3A_479 = arith.constant 1 : i32
    %while3A_480:2 = scf.for %while3A_828 = %while3A_476 to %while3A_472 step %while3A_479 iter_args(%while3A_829 = %while3A_478#0, %while3A_830 = %while3A_478#1) -> (vector<16xf32>, vector<16xf32>)  : i32 {
      %add3A_831 = arith.constant 1 : i32
      %add3A_832 = arith.addi %select_n3A_464, %add3A_831 : i32
      %while3A_833 = arith.subi %add3A_832, %select_n3A_440 : i32
      %while3A_834 = arith.addi %select_n3A_440, %while3A_833 : i32
      %while3A_835 = arith.constant 1 : i32
      %while3A_836 = arith.divsi %while3A_833, %while3A_835 : i32
      %while3A_837 = arith.muli %while3A_836, %while3A_835 : i32
      %while3A_838 = arith.addi %select_n3A_440, %while3A_837 : i32
      %while3A_839 = arith.constant 1 : i32
      %while3A_840:2 = scf.for %while3A_843 = %select_n3A_440 to %while3A_838 step %while3A_839 iter_args(%while3A_844 = %while3A_829, %while3A_845 = %while3A_830) -> (vector<16xf32>, vector<16xf32>)  : i32 {
        %mul3A_846 = arith.constant 128 : i32
        %mul3A_847 = arith.muli %while3A_828, %mul3A_846 : i32
        %mul3A_848 = arith.constant 16 : i32
        %mul3A_849 = arith.muli %while3A_843, %mul3A_848 : i32
        %add3A_850 = arith.addi %mul3A_847, %mul3A_849 : i32
        %get3A = arith.constant 1 : i32
        %get3A_851 = arith.index_cast %get3A : i32 to index
        %get3A_852 = arith.index_cast %add3A_850 : i32 to index
        %get3A_853 = tpu.vector_load %arg8[%get3A_851, %get3A_852] {strides = array<i32>} : memref<4x16384xf32, #tpu.memory_space<vmem>>, vector<16xf32>,
        %mul3A_854 = arith.constant 16 : i32
        %mul3A_855 = arith.muli %while3A_843, %mul3A_854 : i32
        %add3A_856 = vector.broadcast %mul3A_855 : i32 to vector<16xi32>
        %add3A_857 = arith.addi %iota3A, %add3A_856 : vector<16xi32>
        %ge3A = arith.cmpi sge, %add3A_857, %broadcast_in_dim3A_415 : vector<16xi32>
        %le3A = arith.cmpi sle, %add3A_857, %broadcast_in_dim3A_416 : vector<16xi32>
        %and3A_858 = arith.andi %ge3A, %le3A : vector<16xi1>
        %jit3A_859 = arith.constant -1.000000e+09 : f32
        %broadcast_in_dim3A_860 = vector.broadcast %jit3A_859 : f32 to vector<16xf32>
        %select_n3A_861 = arith.select %and3A_858, %get3A_853, %broadcast_in_dim3A_860 : vector<16xi1>, vector<16xf32>
        %max3A_862 = arith.maximumf %while3A_844, %select_n3A_861 : vector<16xf32>
        %mul3A_863 = arith.mulf %get3A_853, %get3A_853 : vector<16xf32>
        %jit3A_864 = arith.constant 0.000000e+00 : f32
        %broadcast_in_dim3A_865 = vector.broadcast %jit3A_864 : f32 to vector<16xf32>
        %select_n3A_866 = arith.select %and3A_858, %mul3A_863, %broadcast_in_dim3A_865 : vector<16xi1>, vector<16xf32>
        %add3A_867 = arith.addf %while3A_845, %select_n3A_866 : vector<16xf32>
        scf.yield %max3A_862, %add3A_867 : vector<16xf32>, vector<16xf32>
      }
      %while3A_841 = arith.constant 1 : i32
      %while3A_842:2 = scf.for %while3A_843 = %while3A_838 to %while3A_834 step %while3A_841 iter_args(%while3A_844 = %while3A_840#0, %while3A_845 = %while3A_840#1) -> (vector<16xf32>, vector<16xf32>)  : i32 {
        %mul3A_846 = arith.constant 128 : i32
        %mul3A_847 = arith.muli %while3A_828, %mul3A_846 : i32
        %mul3A_848 = arith.constant 16 : i32
        %mul3A_849 = arith.muli %while3A_843, %mul3A_848 : i32
        %add3A_850 = arith.addi %mul3A_847, %mul3A_849 : i32
        %get3A = arith.constant 1 : i32
        %get3A_851 = arith.index_cast %get3A : i32 to index
        %get3A_852 = arith.index_cast %add3A_850 : i32 to index
        %get3A_853 = tpu.vector_load %arg8[%get3A_851, %get3A_852] {strides = array<i32>} : memref<4x16384xf32, #tpu.memory_space<vmem>>, vector<16xf32>,
        %mul3A_854 = arith.constant 16 : i32
        %mul3A_855 = arith.muli %while3A_843, %mul3A_854 : i32
        %add3A_856 = vector.broadcast %mul3A_855 : i32 to vector<16xi32>
        %add3A_857 = arith.addi %iota3A, %add3A_856 : vector<16xi32>
        %ge3A = arith.cmpi sge, %add3A_857, %broadcast_in_dim3A_415 : vector<16xi32>
        %le3A = arith.cmpi sle, %add3A_857, %broadcast_in_dim3A_416 : vector<16xi32>
        %and3A_858 = arith.andi %ge3A, %le3A : vector<16xi1>
        %jit3A_859 = arith.constant -1.000000e+09 : f32
        %broadcast_in_dim3A_860 = vector.broadcast %jit3A_859 : f32 to vector<16xf32>
        %select_n3A_861 = arith.select %and3A_858, %get3A_853, %broadcast_in_dim3A_860 : vector<16xi1>, vector<16xf32>
        %max3A_862 = arith.maximumf %while3A_844, %select_n3A_861 : vector<16xf32>
        %mul3A_863 = arith.mulf %get3A_853, %get3A_853 : vector<16xf32>
        %jit3A_864 = arith.constant 0.000000e+00 : f32
        %broadcast_in_dim3A_865 = vector.broadcast %jit3A_864 : f32 to vector<16xf32>
        %select_n3A_866 = arith.select %and3A_858, %mul3A_863, %broadcast_in_dim3A_865 : vector<16xi1>, vector<16xf32>
        %add3A_867 = arith.addf %while3A_845, %select_n3A_866 : vector<16xf32>
        scf.yield %max3A_862, %add3A_867 : vector<16xf32>, vector<16xf32>
      }
      scf.yield %while3A_842#0, %while3A_842#1 : vector<16xf32>, vector<16xf32>
    }
    %reduce_max3A_481 = arith.constant true
    %reduce_max3A_482 = vector.broadcast %reduce_max3A_481 : i1 to vector<16xi1>
    %reduce_max3A_483 = tpu.scan <max>, %while3A_480#0 masked %reduce_max3A_482 : vector<16xf32>, vector<16xi1> -> vector<16xf32>
    %reduce_max3A_484 = vector.extract %reduce_max3A_483[15] : f32 from vector<16xf32>
    %reduce_sum3A_485 = arith.constant true
    %reduce_sum3A_486 = vector.broadcast %reduce_sum3A_485 : i1 to vector<16xi1>
    %reduce_sum3A_487 = tpu.scan <sum>, %while3A_480#1 masked %reduce_sum3A_486 : vector<16xf32>, vector<16xi1> -> vector<16xf32>
    %reduce_sum3A_488 = vector.extract %reduce_sum3A_487[15] : f32 from vector<16xf32>
    %sub3A_489 = arith.subi %reduce_sum3A_388, %reduce_sum3A_381 : i32
    %add3A_490 = arith.constant 1 : i32
    %add3A_491 = arith.addi %sub3A_489, %add3A_490 : i32
    %sub3A_492 = arith.subi %reduce_sum3A_402, %reduce_sum3A_395 : i32
    %add3A_493 = arith.constant 1 : i32
    %add3A_494 = arith.addi %sub3A_492, %add3A_493 : i32
    %mul3A_495 = arith.muli %add3A_491, %add3A_494 : i32
    %convert_element_type3A_496 = arith.sitofp %mul3A_495 : i32 to f32
    %sub3A_497 = arith.constant 1.638400e+04 : f32
    %sub3A_498 = arith.subf %sub3A_497, %convert_element_type3A_496 : f32
    %sub3A_499 = arith.subf %reduce_sum3A_414, %reduce_sum3A_488 : f32
    %broadcast_in_dim3A_500 = vector.broadcast %sub3A_499 : f32 to vector<16xf32>
    %add3A_501 = arith.constant 1.000000e-07 : f32
    %add3A_502 = arith.addf %sub3A_498, %add3A_501 : f32
    %broadcast_in_dim3A_503 = vector.broadcast %add3A_502 : f32 to vector<16xf32>
    %sub3A_504 = arith.constant 3.000000e-01 : f32
    %sub3A_505 = arith.subf %sub3A_504, %reduce_max3A_484 : f32
    %max3A_506 = arith.constant 0.000000e+00 : f32
    %max3A_507 = arith.maximumf %sub3A_505, %max3A_506 : f32
    %broadcast_in_dim3A_508 = vector.broadcast %max3A_507 : f32 to vector<16xf32>
    %eq3A_509 = arith.constant 0 : i32
    %eq3A_510 = vector.broadcast %eq3A_509 : i32 to vector<16xi32>
    %eq3A_511 = arith.cmpi eq, %iota3A, %eq3A_510 : vector<16xi32>
    %div3A_512 = arith.divf %broadcast_in_dim3A_500, %broadcast_in_dim3A_503 : vector<16xf32>
    %add3A_513 = arith.addf %div3A_512, %broadcast_in_dim3A_508 : vector<16xf32>
    %mul3A_514 = arith.constant 1.562500e-02 : f32
    %mul3A_515 = vector.broadcast %mul3A_514 : f32 to vector<16xf32>
    %mul3A_516 = arith.mulf %add3A_513, %mul3A_515 : vector<16xf32>
    %jit3A_517 = arith.constant 0.000000e+00 : f32
    %broadcast_in_dim3A_518 = vector.broadcast %jit3A_517 : f32 to vector<16xf32>
    %select_n3A_519 = arith.select %eq3A_511, %mul3A_516, %broadcast_in_dim3A_518 : vector<16xi1>, vector<16xf32>
    %add3A_520 = arith.addf %add3A_371, %select_n3A_519 : vector<16xf32>
    %eq3A_521 = arith.constant 2 : i32
    %eq3A_522 = vector.broadcast %eq3A_521 : i32 to vector<16xi32>
    %eq3A_523 = arith.cmpi eq, %iota3A, %eq3A_522 : vector<16xi32>
    %jit3A_524 = arith.constant 0 : i32
    %broadcast_in_dim3A_525 = vector.broadcast %jit3A_524 : i32 to vector<16xi32>
    %select_n3A_526 = arith.select %eq3A_523, %min3A_72, %broadcast_in_dim3A_525 : vector<16xi1>, vector<16xi32>
    %reduce_sum3A_527 = arith.constant true
    %reduce_sum3A_528 = vector.broadcast %reduce_sum3A_527 : i1 to vector<16xi1>
    %reduce_sum3A_529 = tpu.scan <sum>, %select_n3A_526 masked %reduce_sum3A_528 : vector<16xi32>, vector<16xi1> -> vector<16xi32>
    %reduce_sum3A_530 = vector.extract %reduce_sum3A_529[15] : i32 from vector<16xi32>
    %jit3A_531 = arith.constant 0 : i32
    %broadcast_in_dim3A_532 = vector.broadcast %jit3A_531 : i32 to vector<16xi32>
    %select_n3A_533 = arith.select %eq3A_523, %max3A_83, %broadcast_in_dim3A_532 : vector<16xi1>, vector<16xi32>
    %reduce_sum3A_534 = arith.constant true
    %reduce_sum3A_535 = vector.broadcast %reduce_sum3A_534 : i1 to vector<16xi1>
    %reduce_sum3A_536 = tpu.scan <sum>, %select_n3A_533 masked %reduce_sum3A_535 : vector<16xi32>, vector<16xi1> -> vector<16xi32>
    %reduce_sum3A_537 = vector.extract %reduce_sum3A_536[15] : i32 from vector<16xi32>
    %jit3A_538 = arith.constant 0 : i32
    %broadcast_in_dim3A_539 = vector.broadcast %jit3A_538 : i32 to vector<16xi32>
    %select_n3A_540 = arith.select %eq3A_523, %min3A_93, %broadcast_in_dim3A_539 : vector<16xi1>, vector<16xi32>
    %reduce_sum3A_541 = arith.constant true
    %reduce_sum3A_542 = vector.broadcast %reduce_sum3A_541 : i1 to vector<16xi1>
    %reduce_sum3A_543 = tpu.scan <sum>, %select_n3A_540 masked %reduce_sum3A_542 : vector<16xi32>, vector<16xi1> -> vector<16xi32>
    %reduce_sum3A_544 = vector.extract %reduce_sum3A_543[15] : i32 from vector<16xi32>
    %jit3A_545 = arith.constant 0 : i32
    %broadcast_in_dim3A_546 = vector.broadcast %jit3A_545 : i32 to vector<16xi32>
    %select_n3A_547 = arith.select %eq3A_523, %max3A_104, %broadcast_in_dim3A_546 : vector<16xi1>, vector<16xi32>
    %reduce_sum3A_548 = arith.constant true
    %reduce_sum3A_549 = vector.broadcast %reduce_sum3A_548 : i1 to vector<16xi1>
    %reduce_sum3A_550 = tpu.scan <sum>, %select_n3A_547 masked %reduce_sum3A_549 : vector<16xi32>, vector<16xi1> -> vector<16xi32>
    %reduce_sum3A_551 = vector.extract %reduce_sum3A_550[15] : i32 from vector<16xi32>
    %broadcast_in_dim3A_552 = arith.constant 0.000000e+00 : f32
    %broadcast_in_dim3A_553 = vector.broadcast %broadcast_in_dim3A_552 : f32 to vector<16xf32>
    %scan3A_554 = arith.constant 0 : i32
    %scan3A_555 = arith.constant 128 : i32
    %scan3A_556 = arith.addi %scan3A_554, %scan3A_555 : i32
    %scan3A_557 = arith.constant 1 : i32
    %scan3A_558 = scf.for %scan3A_828 = %scan3A_554 to %scan3A_556 step %scan3A_557 iter_args(%scan3A_829 = %broadcast_in_dim3A_553) -> (vector<16xf32>)  : i32 {
      %mul3A_830 = arith.constant 128 : i32
      %mul3A_831 = arith.muli %scan3A_828, %mul3A_830 : i32
      %add3A_832 = arith.constant 0 : i32
      %add3A_833 = arith.addi %mul3A_831, %add3A_832 : i32
      %get3A = arith.constant 2 : i32
      %get3A_834 = arith.index_cast %get3A : i32 to index
      %get3A_835 = arith.index_cast %add3A_833 : i32 to index
      %get3A_836 = tpu.vector_load %arg8[%get3A_834, %get3A_835] {strides = array<i32>} : memref<4x16384xf32, #tpu.memory_space<vmem>>, vector<16xf32>,
      %mul3A_837 = arith.mulf %get3A_836, %get3A_836 : vector<16xf32>
      %add3A_838 = arith.addf %scan3A_829, %mul3A_837 : vector<16xf32>
      %add3A_839 = arith.constant 16 : i32
      %add3A_840 = arith.addi %mul3A_831, %add3A_839 : i32
      %get3A_841 = arith.constant 2 : i32
      %get3A_842 = arith.index_cast %get3A_841 : i32 to index
      %get3A_843 = arith.index_cast %add3A_840 : i32 to index
      %get3A_844 = tpu.vector_load %arg8[%get3A_842, %get3A_843] {strides = array<i32>} : memref<4x16384xf32, #tpu.memory_space<vmem>>, vector<16xf32>,
      %mul3A_845 = arith.mulf %get3A_844, %get3A_844 : vector<16xf32>
      %add3A_846 = arith.addf %add3A_838, %mul3A_845 : vector<16xf32>
      %add3A_847 = arith.constant 32 : i32
      %add3A_848 = arith.addi %mul3A_831, %add3A_847 : i32
      %get3A_849 = arith.constant 2 : i32
      %get3A_850 = arith.index_cast %get3A_849 : i32 to index
      %get3A_851 = arith.index_cast %add3A_848 : i32 to index
      %get3A_852 = tpu.vector_load %arg8[%get3A_850, %get3A_851] {strides = array<i32>} : memref<4x16384xf32, #tpu.memory_space<vmem>>, vector<16xf32>,
      %mul3A_853 = arith.mulf %get3A_852, %get3A_852 : vector<16xf32>
      %add3A_854 = arith.addf %add3A_846, %mul3A_853 : vector<16xf32>
      %add3A_855 = arith.constant 48 : i32
      %add3A_856 = arith.addi %mul3A_831, %add3A_855 : i32
      %get3A_857 = arith.constant 2 : i32
      %get3A_858 = arith.index_cast %get3A_857 : i32 to index
      %get3A_859 = arith.index_cast %add3A_856 : i32 to index
      %get3A_860 = tpu.vector_load %arg8[%get3A_858, %get3A_859] {strides = array<i32>} : memref<4x16384xf32, #tpu.memory_space<vmem>>, vector<16xf32>,
      %mul3A_861 = arith.mulf %get3A_860, %get3A_860 : vector<16xf32>
      %add3A_862 = arith.addf %add3A_854, %mul3A_861 : vector<16xf32>
      %add3A_863 = arith.constant 64 : i32
      %add3A_864 = arith.addi %mul3A_831, %add3A_863 : i32
      %get3A_865 = arith.constant 2 : i32
      %get3A_866 = arith.index_cast %get3A_865 : i32 to index
      %get3A_867 = arith.index_cast %add3A_864 : i32 to index
      %get3A_868 = tpu.vector_load %arg8[%get3A_866, %get3A_867] {strides = array<i32>} : memref<4x16384xf32, #tpu.memory_space<vmem>>, vector<16xf32>,
      %mul3A_869 = arith.mulf %get3A_868, %get3A_868 : vector<16xf32>
      %add3A_870 = arith.addf %add3A_862, %mul3A_869 : vector<16xf32>
      %add3A_871 = arith.constant 80 : i32
      %add3A_872 = arith.addi %mul3A_831, %add3A_871 : i32
      %get3A_873 = arith.constant 2 : i32
      %get3A_874 = arith.index_cast %get3A_873 : i32 to index
      %get3A_875 = arith.index_cast %add3A_872 : i32 to index
      %get3A_876 = tpu.vector_load %arg8[%get3A_874, %get3A_875] {strides = array<i32>} : memref<4x16384xf32, #tpu.memory_space<vmem>>, vector<16xf32>,
      %mul3A_877 = arith.mulf %get3A_876, %get3A_876 : vector<16xf32>
      %add3A_878 = arith.addf %add3A_870, %mul3A_877 : vector<16xf32>
      %add3A_879 = arith.constant 96 : i32
      %add3A_880 = arith.addi %mul3A_831, %add3A_879 : i32
      %get3A_881 = arith.constant 2 : i32
      %get3A_882 = arith.index_cast %get3A_881 : i32 to index
      %get3A_883 = arith.index_cast %add3A_880 : i32 to index
      %get3A_884 = tpu.vector_load %arg8[%get3A_882, %get3A_883] {strides = array<i32>} : memref<4x16384xf32, #tpu.memory_space<vmem>>, vector<16xf32>,
      %mul3A_885 = arith.mulf %get3A_884, %get3A_884 : vector<16xf32>
      %add3A_886 = arith.addf %add3A_878, %mul3A_885 : vector<16xf32>
      %add3A_887 = arith.constant 112 : i32
      %add3A_888 = arith.addi %mul3A_831, %add3A_887 : i32
      %get3A_889 = arith.constant 2 : i32
      %get3A_890 = arith.index_cast %get3A_889 : i32 to index
      %get3A_891 = arith.index_cast %add3A_888 : i32 to index
      %get3A_892 = tpu.vector_load %arg8[%get3A_890, %get3A_891] {strides = array<i32>} : memref<4x16384xf32, #tpu.memory_space<vmem>>, vector<16xf32>,
      %mul3A_893 = arith.mulf %get3A_892, %get3A_892 : vector<16xf32>
      %add3A_894 = arith.addf %add3A_886, %mul3A_893 : vector<16xf32>
      scf.yield %add3A_894 : vector<16xf32>
    }
    %scan3A_559 = arith.constant 128 : i32
    %reduce_sum3A_560 = arith.constant true
    %reduce_sum3A_561 = vector.broadcast %reduce_sum3A_560 : i1 to vector<16xi1>
    %reduce_sum3A_562 = tpu.scan <sum>, %scan3A_558 masked %reduce_sum3A_561 : vector<16xf32>, vector<16xi1> -> vector<16xf32>
    %reduce_sum3A_563 = vector.extract %reduce_sum3A_562[15] : f32 from vector<16xf32>
    %broadcast_in_dim3A_564 = vector.broadcast %reduce_sum3A_544 : i32 to vector<16xi32>
    %broadcast_in_dim3A_565 = vector.broadcast %reduce_sum3A_551 : i32 to vector<16xi32>
    %jit3A_566 = arith.constant 16 : i32
    %div3A_567 = arith.divsi %reduce_sum3A_544, %jit3A_566 : i32
    %sign3A_568 = arith.constant 0 : i32
    %sign3A_569 = arith.cmpi sgt, %reduce_sum3A_544, %sign3A_568 : i32
    %sign3A_570 = arith.extui %sign3A_569 : i1 to i32
    %sign3A_571 = arith.constant 0 : i32
    %sign3A_572 = arith.cmpi slt, %reduce_sum3A_544, %sign3A_571 : i32
    %sign3A_573 = arith.extui %sign3A_572 : i1 to i32
    %sign3A_574 = arith.subi %sign3A_570, %sign3A_573 : i32
    %sign3A_575 = arith.constant 0 : i32
    %sign3A_576 = arith.cmpi sgt, %jit3A_566, %sign3A_575 : i32
    %sign3A_577 = arith.extui %sign3A_576 : i1 to i32
    %sign3A_578 = arith.constant 0 : i32
    %sign3A_579 = arith.cmpi slt, %jit3A_566, %sign3A_578 : i32
    %sign3A_580 = arith.extui %sign3A_579 : i1 to i32
    %sign3A_581 = arith.subi %sign3A_577, %sign3A_580 : i32
    %ne3A_582 = arith.cmpi ne, %sign3A_574, %sign3A_581 : i32
    %rem3A_583 = arith.remsi %reduce_sum3A_544, %jit3A_566 : i32
    %ne3A_584 = arith.constant 0 : i32
    %ne3A_585 = arith.cmpi ne, %rem3A_583, %ne3A_584 : i32
    %and3A_586 = arith.andi %ne3A_582, %ne3A_585 : i1
    %sub3A_587 = arith.constant 1 : i32
    %sub3A_588 = arith.subi %div3A_567, %sub3A_587 : i32
    %select_n3A_589 = arith.select %and3A_586, %sub3A_588, %div3A_567 : i32
    %jit3A_590 = arith.constant 16 : i32
    %div3A_591 = arith.divsi %reduce_sum3A_551, %jit3A_590 : i32
    %sign3A_592 = arith.constant 0 : i32
    %sign3A_593 = arith.cmpi sgt, %reduce_sum3A_551, %sign3A_592 : i32
    %sign3A_594 = arith.extui %sign3A_593 : i1 to i32
    %sign3A_595 = arith.constant 0 : i32
    %sign3A_596 = arith.cmpi slt, %reduce_sum3A_551, %sign3A_595 : i32
    %sign3A_597 = arith.extui %sign3A_596 : i1 to i32
    %sign3A_598 = arith.subi %sign3A_594, %sign3A_597 : i32
    %sign3A_599 = arith.constant 0 : i32
    %sign3A_600 = arith.cmpi sgt, %jit3A_590, %sign3A_599 : i32
    %sign3A_601 = arith.extui %sign3A_600 : i1 to i32
    %sign3A_602 = arith.constant 0 : i32
    %sign3A_603 = arith.cmpi slt, %jit3A_590, %sign3A_602 : i32
    %sign3A_604 = arith.extui %sign3A_603 : i1 to i32
    %sign3A_605 = arith.subi %sign3A_601, %sign3A_604 : i32
    %ne3A_606 = arith.cmpi ne, %sign3A_598, %sign3A_605 : i32
    %rem3A_607 = arith.remsi %reduce_sum3A_551, %jit3A_590 : i32
    %ne3A_608 = arith.constant 0 : i32
    %ne3A_609 = arith.cmpi ne, %rem3A_607, %ne3A_608 : i32
    %and3A_610 = arith.andi %ne3A_606, %ne3A_609 : i1
    %sub3A_611 = arith.constant 1 : i32
    %sub3A_612 = arith.subi %div3A_591, %sub3A_611 : i32
    %select_n3A_613 = arith.select %and3A_610, %sub3A_612, %div3A_591 : i32
    %add3A_614 = arith.constant 1 : i32
    %add3A_615 = arith.addi %reduce_sum3A_537, %add3A_614 : i32
    %broadcast_in_dim3A_616 = arith.constant -1.000000e+09 : f32
    %broadcast_in_dim3A_617 = vector.broadcast %broadcast_in_dim3A_616 : f32 to vector<16xf32>
    %broadcast_in_dim3A_618 = arith.constant 0.000000e+00 : f32
    %broadcast_in_dim3A_619 = vector.broadcast %broadcast_in_dim3A_618 : f32 to vector<16xf32>
    %while3A_620 = arith.subi %add3A_615, %reduce_sum3A_530 : i32
    %while3A_621 = arith.addi %reduce_sum3A_530, %while3A_620 : i32
    %while3A_622 = arith.constant 1 : i32
    %while3A_623 = arith.divsi %while3A_620, %while3A_622 : i32
    %while3A_624 = arith.muli %while3A_623, %while3A_622 : i32
    %while3A_625 = arith.addi %reduce_sum3A_530, %while3A_624 : i32
    %while3A_626 = arith.constant 1 : i32
    %while3A_627:2 = scf.for %while3A_828 = %reduce_sum3A_530 to %while3A_625 step %while3A_626 iter_args(%while3A_829 = %broadcast_in_dim3A_617, %while3A_830 = %broadcast_in_dim3A_619) -> (vector<16xf32>, vector<16xf32>)  : i32 {
      %add3A_831 = arith.constant 1 : i32
      %add3A_832 = arith.addi %select_n3A_613, %add3A_831 : i32
      %while3A_833 = arith.subi %add3A_832, %select_n3A_589 : i32
      %while3A_834 = arith.addi %select_n3A_589, %while3A_833 : i32
      %while3A_835 = arith.constant 1 : i32
      %while3A_836 = arith.divsi %while3A_833, %while3A_835 : i32
      %while3A_837 = arith.muli %while3A_836, %while3A_835 : i32
      %while3A_838 = arith.addi %select_n3A_589, %while3A_837 : i32
      %while3A_839 = arith.constant 1 : i32
      %while3A_840:2 = scf.for %while3A_843 = %select_n3A_589 to %while3A_838 step %while3A_839 iter_args(%while3A_844 = %while3A_829, %while3A_845 = %while3A_830) -> (vector<16xf32>, vector<16xf32>)  : i32 {
        %mul3A_846 = arith.constant 128 : i32
        %mul3A_847 = arith.muli %while3A_828, %mul3A_846 : i32
        %mul3A_848 = arith.constant 16 : i32
        %mul3A_849 = arith.muli %while3A_843, %mul3A_848 : i32
        %add3A_850 = arith.addi %mul3A_847, %mul3A_849 : i32
        %get3A = arith.constant 2 : i32
        %get3A_851 = arith.index_cast %get3A : i32 to index
        %get3A_852 = arith.index_cast %add3A_850 : i32 to index
        %get3A_853 = tpu.vector_load %arg8[%get3A_851, %get3A_852] {strides = array<i32>} : memref<4x16384xf32, #tpu.memory_space<vmem>>, vector<16xf32>,
        %mul3A_854 = arith.constant 16 : i32
        %mul3A_855 = arith.muli %while3A_843, %mul3A_854 : i32
        %add3A_856 = vector.broadcast %mul3A_855 : i32 to vector<16xi32>
        %add3A_857 = arith.addi %iota3A, %add3A_856 : vector<16xi32>
        %ge3A = arith.cmpi sge, %add3A_857, %broadcast_in_dim3A_564 : vector<16xi32>
        %le3A = arith.cmpi sle, %add3A_857, %broadcast_in_dim3A_565 : vector<16xi32>
        %and3A_858 = arith.andi %ge3A, %le3A : vector<16xi1>
        %jit3A_859 = arith.constant -1.000000e+09 : f32
        %broadcast_in_dim3A_860 = vector.broadcast %jit3A_859 : f32 to vector<16xf32>
        %select_n3A_861 = arith.select %and3A_858, %get3A_853, %broadcast_in_dim3A_860 : vector<16xi1>, vector<16xf32>
        %max3A_862 = arith.maximumf %while3A_844, %select_n3A_861 : vector<16xf32>
        %mul3A_863 = arith.mulf %get3A_853, %get3A_853 : vector<16xf32>
        %jit3A_864 = arith.constant 0.000000e+00 : f32
        %broadcast_in_dim3A_865 = vector.broadcast %jit3A_864 : f32 to vector<16xf32>
        %select_n3A_866 = arith.select %and3A_858, %mul3A_863, %broadcast_in_dim3A_865 : vector<16xi1>, vector<16xf32>
        %add3A_867 = arith.addf %while3A_845, %select_n3A_866 : vector<16xf32>
        scf.yield %max3A_862, %add3A_867 : vector<16xf32>, vector<16xf32>
      }
      %while3A_841 = arith.constant 1 : i32
      %while3A_842:2 = scf.for %while3A_843 = %while3A_838 to %while3A_834 step %while3A_841 iter_args(%while3A_844 = %while3A_840#0, %while3A_845 = %while3A_840#1) -> (vector<16xf32>, vector<16xf32>)  : i32 {
        %mul3A_846 = arith.constant 128 : i32
        %mul3A_847 = arith.muli %while3A_828, %mul3A_846 : i32
        %mul3A_848 = arith.constant 16 : i32
        %mul3A_849 = arith.muli %while3A_843, %mul3A_848 : i32
        %add3A_850 = arith.addi %mul3A_847, %mul3A_849 : i32
        %get3A = arith.constant 2 : i32
        %get3A_851 = arith.index_cast %get3A : i32 to index
        %get3A_852 = arith.index_cast %add3A_850 : i32 to index
        %get3A_853 = tpu.vector_load %arg8[%get3A_851, %get3A_852] {strides = array<i32>} : memref<4x16384xf32, #tpu.memory_space<vmem>>, vector<16xf32>,
        %mul3A_854 = arith.constant 16 : i32
        %mul3A_855 = arith.muli %while3A_843, %mul3A_854 : i32
        %add3A_856 = vector.broadcast %mul3A_855 : i32 to vector<16xi32>
        %add3A_857 = arith.addi %iota3A, %add3A_856 : vector<16xi32>
        %ge3A = arith.cmpi sge, %add3A_857, %broadcast_in_dim3A_564 : vector<16xi32>
        %le3A = arith.cmpi sle, %add3A_857, %broadcast_in_dim3A_565 : vector<16xi32>
        %and3A_858 = arith.andi %ge3A, %le3A : vector<16xi1>
        %jit3A_859 = arith.constant -1.000000e+09 : f32
        %broadcast_in_dim3A_860 = vector.broadcast %jit3A_859 : f32 to vector<16xf32>
        %select_n3A_861 = arith.select %and3A_858, %get3A_853, %broadcast_in_dim3A_860 : vector<16xi1>, vector<16xf32>
        %max3A_862 = arith.maximumf %while3A_844, %select_n3A_861 : vector<16xf32>
        %mul3A_863 = arith.mulf %get3A_853, %get3A_853 : vector<16xf32>
        %jit3A_864 = arith.constant 0.000000e+00 : f32
        %broadcast_in_dim3A_865 = vector.broadcast %jit3A_864 : f32 to vector<16xf32>
        %select_n3A_866 = arith.select %and3A_858, %mul3A_863, %broadcast_in_dim3A_865 : vector<16xi1>, vector<16xf32>
        %add3A_867 = arith.addf %while3A_845, %select_n3A_866 : vector<16xf32>
        scf.yield %max3A_862, %add3A_867 : vector<16xf32>, vector<16xf32>
      }
      scf.yield %while3A_842#0, %while3A_842#1 : vector<16xf32>, vector<16xf32>
    }
    %while3A_628 = arith.constant 1 : i32
    %while3A_629:2 = scf.for %while3A_828 = %while3A_625 to %while3A_621 step %while3A_628 iter_args(%while3A_829 = %while3A_627#0, %while3A_830 = %while3A_627#1) -> (vector<16xf32>, vector<16xf32>)  : i32 {
      %add3A_831 = arith.constant 1 : i32
      %add3A_832 = arith.addi %select_n3A_613, %add3A_831 : i32
      %while3A_833 = arith.subi %add3A_832, %select_n3A_589 : i32
      %while3A_834 = arith.addi %select_n3A_589, %while3A_833 : i32
      %while3A_835 = arith.constant 1 : i32
      %while3A_836 = arith.divsi %while3A_833, %while3A_835 : i32
      %while3A_837 = arith.muli %while3A_836, %while3A_835 : i32
      %while3A_838 = arith.addi %select_n3A_589, %while3A_837 : i32
      %while3A_839 = arith.constant 1 : i32
      %while3A_840:2 = scf.for %while3A_843 = %select_n3A_589 to %while3A_838 step %while3A_839 iter_args(%while3A_844 = %while3A_829, %while3A_845 = %while3A_830) -> (vector<16xf32>, vector<16xf32>)  : i32 {
        %mul3A_846 = arith.constant 128 : i32
        %mul3A_847 = arith.muli %while3A_828, %mul3A_846 : i32
        %mul3A_848 = arith.constant 16 : i32
        %mul3A_849 = arith.muli %while3A_843, %mul3A_848 : i32
        %add3A_850 = arith.addi %mul3A_847, %mul3A_849 : i32
        %get3A = arith.constant 2 : i32
        %get3A_851 = arith.index_cast %get3A : i32 to index
        %get3A_852 = arith.index_cast %add3A_850 : i32 to index
        %get3A_853 = tpu.vector_load %arg8[%get3A_851, %get3A_852] {strides = array<i32>} : memref<4x16384xf32, #tpu.memory_space<vmem>>, vector<16xf32>,
        %mul3A_854 = arith.constant 16 : i32
        %mul3A_855 = arith.muli %while3A_843, %mul3A_854 : i32
        %add3A_856 = vector.broadcast %mul3A_855 : i32 to vector<16xi32>
        %add3A_857 = arith.addi %iota3A, %add3A_856 : vector<16xi32>
        %ge3A = arith.cmpi sge, %add3A_857, %broadcast_in_dim3A_564 : vector<16xi32>
        %le3A = arith.cmpi sle, %add3A_857, %broadcast_in_dim3A_565 : vector<16xi32>
        %and3A_858 = arith.andi %ge3A, %le3A : vector<16xi1>
        %jit3A_859 = arith.constant -1.000000e+09 : f32
        %broadcast_in_dim3A_860 = vector.broadcast %jit3A_859 : f32 to vector<16xf32>
        %select_n3A_861 = arith.select %and3A_858, %get3A_853, %broadcast_in_dim3A_860 : vector<16xi1>, vector<16xf32>
        %max3A_862 = arith.maximumf %while3A_844, %select_n3A_861 : vector<16xf32>
        %mul3A_863 = arith.mulf %get3A_853, %get3A_853 : vector<16xf32>
        %jit3A_864 = arith.constant 0.000000e+00 : f32
        %broadcast_in_dim3A_865 = vector.broadcast %jit3A_864 : f32 to vector<16xf32>
        %select_n3A_866 = arith.select %and3A_858, %mul3A_863, %broadcast_in_dim3A_865 : vector<16xi1>, vector<16xf32>
        %add3A_867 = arith.addf %while3A_845, %select_n3A_866 : vector<16xf32>
        scf.yield %max3A_862, %add3A_867 : vector<16xf32>, vector<16xf32>
      }
      %while3A_841 = arith.constant 1 : i32
      %while3A_842:2 = scf.for %while3A_843 = %while3A_838 to %while3A_834 step %while3A_841 iter_args(%while3A_844 = %while3A_840#0, %while3A_845 = %while3A_840#1) -> (vector<16xf32>, vector<16xf32>)  : i32 {
        %mul3A_846 = arith.constant 128 : i32
        %mul3A_847 = arith.muli %while3A_828, %mul3A_846 : i32
        %mul3A_848 = arith.constant 16 : i32
        %mul3A_849 = arith.muli %while3A_843, %mul3A_848 : i32
        %add3A_850 = arith.addi %mul3A_847, %mul3A_849 : i32
        %get3A = arith.constant 2 : i32
        %get3A_851 = arith.index_cast %get3A : i32 to index
        %get3A_852 = arith.index_cast %add3A_850 : i32 to index
        %get3A_853 = tpu.vector_load %arg8[%get3A_851, %get3A_852] {strides = array<i32>} : memref<4x16384xf32, #tpu.memory_space<vmem>>, vector<16xf32>,
        %mul3A_854 = arith.constant 16 : i32
        %mul3A_855 = arith.muli %while3A_843, %mul3A_854 : i32
        %add3A_856 = vector.broadcast %mul3A_855 : i32 to vector<16xi32>
        %add3A_857 = arith.addi %iota3A, %add3A_856 : vector<16xi32>
        %ge3A = arith.cmpi sge, %add3A_857, %broadcast_in_dim3A_564 : vector<16xi32>
        %le3A = arith.cmpi sle, %add3A_857, %broadcast_in_dim3A_565 : vector<16xi32>
        %and3A_858 = arith.andi %ge3A, %le3A : vector<16xi1>
        %jit3A_859 = arith.constant -1.000000e+09 : f32
        %broadcast_in_dim3A_860 = vector.broadcast %jit3A_859 : f32 to vector<16xf32>
        %select_n3A_861 = arith.select %and3A_858, %get3A_853, %broadcast_in_dim3A_860 : vector<16xi1>, vector<16xf32>
        %max3A_862 = arith.maximumf %while3A_844, %select_n3A_861 : vector<16xf32>
        %mul3A_863 = arith.mulf %get3A_853, %get3A_853 : vector<16xf32>
        %jit3A_864 = arith.constant 0.000000e+00 : f32
        %broadcast_in_dim3A_865 = vector.broadcast %jit3A_864 : f32 to vector<16xf32>
        %select_n3A_866 = arith.select %and3A_858, %mul3A_863, %broadcast_in_dim3A_865 : vector<16xi1>, vector<16xf32>
        %add3A_867 = arith.addf %while3A_845, %select_n3A_866 : vector<16xf32>
        scf.yield %max3A_862, %add3A_867 : vector<16xf32>, vector<16xf32>
      }
      scf.yield %while3A_842#0, %while3A_842#1 : vector<16xf32>, vector<16xf32>
    }
    %reduce_max3A_630 = arith.constant true
    %reduce_max3A_631 = vector.broadcast %reduce_max3A_630 : i1 to vector<16xi1>
    %reduce_max3A_632 = tpu.scan <max>, %while3A_629#0 masked %reduce_max3A_631 : vector<16xf32>, vector<16xi1> -> vector<16xf32>
    %reduce_max3A_633 = vector.extract %reduce_max3A_632[15] : f32 from vector<16xf32>
    %reduce_sum3A_634 = arith.constant true
    %reduce_sum3A_635 = vector.broadcast %reduce_sum3A_634 : i1 to vector<16xi1>
    %reduce_sum3A_636 = tpu.scan <sum>, %while3A_629#1 masked %reduce_sum3A_635 : vector<16xf32>, vector<16xi1> -> vector<16xf32>
    %reduce_sum3A_637 = vector.extract %reduce_sum3A_636[15] : f32 from vector<16xf32>
    %sub3A_638 = arith.subi %reduce_sum3A_537, %reduce_sum3A_530 : i32
    %add3A_639 = arith.constant 1 : i32
    %add3A_640 = arith.addi %sub3A_638, %add3A_639 : i32
    %sub3A_641 = arith.subi %reduce_sum3A_551, %reduce_sum3A_544 : i32
    %add3A_642 = arith.constant 1 : i32
    %add3A_643 = arith.addi %sub3A_641, %add3A_642 : i32
    %mul3A_644 = arith.muli %add3A_640, %add3A_643 : i32
    %convert_element_type3A_645 = arith.sitofp %mul3A_644 : i32 to f32
    %sub3A_646 = arith.constant 1.638400e+04 : f32
    %sub3A_647 = arith.subf %sub3A_646, %convert_element_type3A_645 : f32
    %sub3A_648 = arith.subf %reduce_sum3A_563, %reduce_sum3A_637 : f32
    %broadcast_in_dim3A_649 = vector.broadcast %sub3A_648 : f32 to vector<16xf32>
    %add3A_650 = arith.constant 1.000000e-07 : f32
    %add3A_651 = arith.addf %sub3A_647, %add3A_650 : f32
    %broadcast_in_dim3A_652 = vector.broadcast %add3A_651 : f32 to vector<16xf32>
    %sub3A_653 = arith.constant 3.000000e-01 : f32
    %sub3A_654 = arith.subf %sub3A_653, %reduce_max3A_633 : f32
    %max3A_655 = arith.constant 0.000000e+00 : f32
    %max3A_656 = arith.maximumf %sub3A_654, %max3A_655 : f32
    %broadcast_in_dim3A_657 = vector.broadcast %max3A_656 : f32 to vector<16xf32>
    %eq3A_658 = arith.constant 0 : i32
    %eq3A_659 = vector.broadcast %eq3A_658 : i32 to vector<16xi32>
    %eq3A_660 = arith.cmpi eq, %iota3A, %eq3A_659 : vector<16xi32>
    %div3A_661 = arith.divf %broadcast_in_dim3A_649, %broadcast_in_dim3A_652 : vector<16xf32>
    %add3A_662 = arith.addf %div3A_661, %broadcast_in_dim3A_657 : vector<16xf32>
    %mul3A_663 = arith.constant 1.562500e-02 : f32
    %mul3A_664 = vector.broadcast %mul3A_663 : f32 to vector<16xf32>
    %mul3A_665 = arith.mulf %add3A_662, %mul3A_664 : vector<16xf32>
    %jit3A_666 = arith.constant 0.000000e+00 : f32
    %broadcast_in_dim3A_667 = vector.broadcast %jit3A_666 : f32 to vector<16xf32>
    %select_n3A_668 = arith.select %eq3A_660, %mul3A_665, %broadcast_in_dim3A_667 : vector<16xi1>, vector<16xf32>
    %add3A_669 = arith.addf %add3A_520, %select_n3A_668 : vector<16xf32>
    %eq3A_670 = arith.constant 3 : i32
    %eq3A_671 = vector.broadcast %eq3A_670 : i32 to vector<16xi32>
    %eq3A_672 = arith.cmpi eq, %iota3A, %eq3A_671 : vector<16xi32>
    %jit3A_673 = arith.constant 0 : i32
    %broadcast_in_dim3A_674 = vector.broadcast %jit3A_673 : i32 to vector<16xi32>
    %select_n3A_675 = arith.select %eq3A_672, %min3A_72, %broadcast_in_dim3A_674 : vector<16xi1>, vector<16xi32>
    %reduce_sum3A_676 = arith.constant true
    %reduce_sum3A_677 = vector.broadcast %reduce_sum3A_676 : i1 to vector<16xi1>
    %reduce_sum3A_678 = tpu.scan <sum>, %select_n3A_675 masked %reduce_sum3A_677 : vector<16xi32>, vector<16xi1> -> vector<16xi32>
    %reduce_sum3A_679 = vector.extract %reduce_sum3A_678[15] : i32 from vector<16xi32>
    %jit3A_680 = arith.constant 0 : i32
    %broadcast_in_dim3A_681 = vector.broadcast %jit3A_680 : i32 to vector<16xi32>
    %select_n3A_682 = arith.select %eq3A_672, %max3A_83, %broadcast_in_dim3A_681 : vector<16xi1>, vector<16xi32>
    %reduce_sum3A_683 = arith.constant true
    %reduce_sum3A_684 = vector.broadcast %reduce_sum3A_683 : i1 to vector<16xi1>
    %reduce_sum3A_685 = tpu.scan <sum>, %select_n3A_682 masked %reduce_sum3A_684 : vector<16xi32>, vector<16xi1> -> vector<16xi32>
    %reduce_sum3A_686 = vector.extract %reduce_sum3A_685[15] : i32 from vector<16xi32>
    %jit3A_687 = arith.constant 0 : i32
    %broadcast_in_dim3A_688 = vector.broadcast %jit3A_687 : i32 to vector<16xi32>
    %select_n3A_689 = arith.select %eq3A_672, %min3A_93, %broadcast_in_dim3A_688 : vector<16xi1>, vector<16xi32>
    %reduce_sum3A_690 = arith.constant true
    %reduce_sum3A_691 = vector.broadcast %reduce_sum3A_690 : i1 to vector<16xi1>
    %reduce_sum3A_692 = tpu.scan <sum>, %select_n3A_689 masked %reduce_sum3A_691 : vector<16xi32>, vector<16xi1> -> vector<16xi32>
    %reduce_sum3A_693 = vector.extract %reduce_sum3A_692[15] : i32 from vector<16xi32>
    %jit3A_694 = arith.constant 0 : i32
    %broadcast_in_dim3A_695 = vector.broadcast %jit3A_694 : i32 to vector<16xi32>
    %select_n3A_696 = arith.select %eq3A_672, %max3A_104, %broadcast_in_dim3A_695 : vector<16xi1>, vector<16xi32>
    %reduce_sum3A_697 = arith.constant true
    %reduce_sum3A_698 = vector.broadcast %reduce_sum3A_697 : i1 to vector<16xi1>
    %reduce_sum3A_699 = tpu.scan <sum>, %select_n3A_696 masked %reduce_sum3A_698 : vector<16xi32>, vector<16xi1> -> vector<16xi32>
    %reduce_sum3A_700 = vector.extract %reduce_sum3A_699[15] : i32 from vector<16xi32>
    %broadcast_in_dim3A_701 = arith.constant 0.000000e+00 : f32
    %broadcast_in_dim3A_702 = vector.broadcast %broadcast_in_dim3A_701 : f32 to vector<16xf32>
    %scan3A_703 = arith.constant 0 : i32
    %scan3A_704 = arith.constant 128 : i32
    %scan3A_705 = arith.addi %scan3A_703, %scan3A_704 : i32
    %scan3A_706 = arith.constant 1 : i32
    %scan3A_707 = scf.for %scan3A_828 = %scan3A_703 to %scan3A_705 step %scan3A_706 iter_args(%scan3A_829 = %broadcast_in_dim3A_702) -> (vector<16xf32>)  : i32 {
      %mul3A_830 = arith.constant 128 : i32
      %mul3A_831 = arith.muli %scan3A_828, %mul3A_830 : i32
      %add3A_832 = arith.constant 0 : i32
      %add3A_833 = arith.addi %mul3A_831, %add3A_832 : i32
      %get3A = arith.constant 3 : i32
      %get3A_834 = arith.index_cast %get3A : i32 to index
      %get3A_835 = arith.index_cast %add3A_833 : i32 to index
      %get3A_836 = tpu.vector_load %arg8[%get3A_834, %get3A_835] {strides = array<i32>} : memref<4x16384xf32, #tpu.memory_space<vmem>>, vector<16xf32>,
      %mul3A_837 = arith.mulf %get3A_836, %get3A_836 : vector<16xf32>
      %add3A_838 = arith.addf %scan3A_829, %mul3A_837 : vector<16xf32>
      %add3A_839 = arith.constant 16 : i32
      %add3A_840 = arith.addi %mul3A_831, %add3A_839 : i32
      %get3A_841 = arith.constant 3 : i32
      %get3A_842 = arith.index_cast %get3A_841 : i32 to index
      %get3A_843 = arith.index_cast %add3A_840 : i32 to index
      %get3A_844 = tpu.vector_load %arg8[%get3A_842, %get3A_843] {strides = array<i32>} : memref<4x16384xf32, #tpu.memory_space<vmem>>, vector<16xf32>,
      %mul3A_845 = arith.mulf %get3A_844, %get3A_844 : vector<16xf32>
      %add3A_846 = arith.addf %add3A_838, %mul3A_845 : vector<16xf32>
      %add3A_847 = arith.constant 32 : i32
      %add3A_848 = arith.addi %mul3A_831, %add3A_847 : i32
      %get3A_849 = arith.constant 3 : i32
      %get3A_850 = arith.index_cast %get3A_849 : i32 to index
      %get3A_851 = arith.index_cast %add3A_848 : i32 to index
      %get3A_852 = tpu.vector_load %arg8[%get3A_850, %get3A_851] {strides = array<i32>} : memref<4x16384xf32, #tpu.memory_space<vmem>>, vector<16xf32>,
      %mul3A_853 = arith.mulf %get3A_852, %get3A_852 : vector<16xf32>
      %add3A_854 = arith.addf %add3A_846, %mul3A_853 : vector<16xf32>
      %add3A_855 = arith.constant 48 : i32
      %add3A_856 = arith.addi %mul3A_831, %add3A_855 : i32
      %get3A_857 = arith.constant 3 : i32
      %get3A_858 = arith.index_cast %get3A_857 : i32 to index
      %get3A_859 = arith.index_cast %add3A_856 : i32 to index
      %get3A_860 = tpu.vector_load %arg8[%get3A_858, %get3A_859] {strides = array<i32>} : memref<4x16384xf32, #tpu.memory_space<vmem>>, vector<16xf32>,
      %mul3A_861 = arith.mulf %get3A_860, %get3A_860 : vector<16xf32>
      %add3A_862 = arith.addf %add3A_854, %mul3A_861 : vector<16xf32>
      %add3A_863 = arith.constant 64 : i32
      %add3A_864 = arith.addi %mul3A_831, %add3A_863 : i32
      %get3A_865 = arith.constant 3 : i32
      %get3A_866 = arith.index_cast %get3A_865 : i32 to index
      %get3A_867 = arith.index_cast %add3A_864 : i32 to index
      %get3A_868 = tpu.vector_load %arg8[%get3A_866, %get3A_867] {strides = array<i32>} : memref<4x16384xf32, #tpu.memory_space<vmem>>, vector<16xf32>,
      %mul3A_869 = arith.mulf %get3A_868, %get3A_868 : vector<16xf32>
      %add3A_870 = arith.addf %add3A_862, %mul3A_869 : vector<16xf32>
      %add3A_871 = arith.constant 80 : i32
      %add3A_872 = arith.addi %mul3A_831, %add3A_871 : i32
      %get3A_873 = arith.constant 3 : i32
      %get3A_874 = arith.index_cast %get3A_873 : i32 to index
      %get3A_875 = arith.index_cast %add3A_872 : i32 to index
      %get3A_876 = tpu.vector_load %arg8[%get3A_874, %get3A_875] {strides = array<i32>} : memref<4x16384xf32, #tpu.memory_space<vmem>>, vector<16xf32>,
      %mul3A_877 = arith.mulf %get3A_876, %get3A_876 : vector<16xf32>
      %add3A_878 = arith.addf %add3A_870, %mul3A_877 : vector<16xf32>
      %add3A_879 = arith.constant 96 : i32
      %add3A_880 = arith.addi %mul3A_831, %add3A_879 : i32
      %get3A_881 = arith.constant 3 : i32
      %get3A_882 = arith.index_cast %get3A_881 : i32 to index
      %get3A_883 = arith.index_cast %add3A_880 : i32 to index
      %get3A_884 = tpu.vector_load %arg8[%get3A_882, %get3A_883] {strides = array<i32>} : memref<4x16384xf32, #tpu.memory_space<vmem>>, vector<16xf32>,
      %mul3A_885 = arith.mulf %get3A_884, %get3A_884 : vector<16xf32>
      %add3A_886 = arith.addf %add3A_878, %mul3A_885 : vector<16xf32>
      %add3A_887 = arith.constant 112 : i32
      %add3A_888 = arith.addi %mul3A_831, %add3A_887 : i32
      %get3A_889 = arith.constant 3 : i32
      %get3A_890 = arith.index_cast %get3A_889 : i32 to index
      %get3A_891 = arith.index_cast %add3A_888 : i32 to index
      %get3A_892 = tpu.vector_load %arg8[%get3A_890, %get3A_891] {strides = array<i32>} : memref<4x16384xf32, #tpu.memory_space<vmem>>, vector<16xf32>,
      %mul3A_893 = arith.mulf %get3A_892, %get3A_892 : vector<16xf32>
      %add3A_894 = arith.addf %add3A_886, %mul3A_893 : vector<16xf32>
      scf.yield %add3A_894 : vector<16xf32>
    }
    %scan3A_708 = arith.constant 128 : i32
    %reduce_sum3A_709 = arith.constant true
    %reduce_sum3A_710 = vector.broadcast %reduce_sum3A_709 : i1 to vector<16xi1>
    %reduce_sum3A_711 = tpu.scan <sum>, %scan3A_707 masked %reduce_sum3A_710 : vector<16xf32>, vector<16xi1> -> vector<16xf32>
    %reduce_sum3A_712 = vector.extract %reduce_sum3A_711[15] : f32 from vector<16xf32>
    %broadcast_in_dim3A_713 = vector.broadcast %reduce_sum3A_693 : i32 to vector<16xi32>
    %broadcast_in_dim3A_714 = vector.broadcast %reduce_sum3A_700 : i32 to vector<16xi32>
    %jit3A_715 = arith.constant 16 : i32
    %div3A_716 = arith.divsi %reduce_sum3A_693, %jit3A_715 : i32
    %sign3A_717 = arith.constant 0 : i32
    %sign3A_718 = arith.cmpi sgt, %reduce_sum3A_693, %sign3A_717 : i32
    %sign3A_719 = arith.extui %sign3A_718 : i1 to i32
    %sign3A_720 = arith.constant 0 : i32
    %sign3A_721 = arith.cmpi slt, %reduce_sum3A_693, %sign3A_720 : i32
    %sign3A_722 = arith.extui %sign3A_721 : i1 to i32
    %sign3A_723 = arith.subi %sign3A_719, %sign3A_722 : i32
    %sign3A_724 = arith.constant 0 : i32
    %sign3A_725 = arith.cmpi sgt, %jit3A_715, %sign3A_724 : i32
    %sign3A_726 = arith.extui %sign3A_725 : i1 to i32
    %sign3A_727 = arith.constant 0 : i32
    %sign3A_728 = arith.cmpi slt, %jit3A_715, %sign3A_727 : i32
    %sign3A_729 = arith.extui %sign3A_728 : i1 to i32
    %sign3A_730 = arith.subi %sign3A_726, %sign3A_729 : i32
    %ne3A_731 = arith.cmpi ne, %sign3A_723, %sign3A_730 : i32
    %rem3A_732 = arith.remsi %reduce_sum3A_693, %jit3A_715 : i32
    %ne3A_733 = arith.constant 0 : i32
    %ne3A_734 = arith.cmpi ne, %rem3A_732, %ne3A_733 : i32
    %and3A_735 = arith.andi %ne3A_731, %ne3A_734 : i1
    %sub3A_736 = arith.constant 1 : i32
    %sub3A_737 = arith.subi %div3A_716, %sub3A_736 : i32
    %select_n3A_738 = arith.select %and3A_735, %sub3A_737, %div3A_716 : i32
    %jit3A_739 = arith.constant 16 : i32
    %div3A_740 = arith.divsi %reduce_sum3A_700, %jit3A_739 : i32
    %sign3A_741 = arith.constant 0 : i32
    %sign3A_742 = arith.cmpi sgt, %reduce_sum3A_700, %sign3A_741 : i32
    %sign3A_743 = arith.extui %sign3A_742 : i1 to i32
    %sign3A_744 = arith.constant 0 : i32
    %sign3A_745 = arith.cmpi slt, %reduce_sum3A_700, %sign3A_744 : i32
    %sign3A_746 = arith.extui %sign3A_745 : i1 to i32
    %sign3A_747 = arith.subi %sign3A_743, %sign3A_746 : i32
    %sign3A_748 = arith.constant 0 : i32
    %sign3A_749 = arith.cmpi sgt, %jit3A_739, %sign3A_748 : i32
    %sign3A_750 = arith.extui %sign3A_749 : i1 to i32
    %sign3A_751 = arith.constant 0 : i32
    %sign3A_752 = arith.cmpi slt, %jit3A_739, %sign3A_751 : i32
    %sign3A_753 = arith.extui %sign3A_752 : i1 to i32
    %sign3A_754 = arith.subi %sign3A_750, %sign3A_753 : i32
    %ne3A_755 = arith.cmpi ne, %sign3A_747, %sign3A_754 : i32
    %rem3A_756 = arith.remsi %reduce_sum3A_700, %jit3A_739 : i32
    %ne3A_757 = arith.constant 0 : i32
    %ne3A_758 = arith.cmpi ne, %rem3A_756, %ne3A_757 : i32
    %and3A_759 = arith.andi %ne3A_755, %ne3A_758 : i1
    %sub3A_760 = arith.constant 1 : i32
    %sub3A_761 = arith.subi %div3A_740, %sub3A_760 : i32
    %select_n3A_762 = arith.select %and3A_759, %sub3A_761, %div3A_740 : i32
    %add3A_763 = arith.constant 1 : i32
    %add3A_764 = arith.addi %reduce_sum3A_686, %add3A_763 : i32
    %broadcast_in_dim3A_765 = arith.constant -1.000000e+09 : f32
    %broadcast_in_dim3A_766 = vector.broadcast %broadcast_in_dim3A_765 : f32 to vector<16xf32>
    %broadcast_in_dim3A_767 = arith.constant 0.000000e+00 : f32
    %broadcast_in_dim3A_768 = vector.broadcast %broadcast_in_dim3A_767 : f32 to vector<16xf32>
    %while3A_769 = arith.subi %add3A_764, %reduce_sum3A_679 : i32
    %while3A_770 = arith.addi %reduce_sum3A_679, %while3A_769 : i32
    %while3A_771 = arith.constant 1 : i32
    %while3A_772 = arith.divsi %while3A_769, %while3A_771 : i32
    %while3A_773 = arith.muli %while3A_772, %while3A_771 : i32
    %while3A_774 = arith.addi %reduce_sum3A_679, %while3A_773 : i32
    %while3A_775 = arith.constant 1 : i32
    %while3A_776:2 = scf.for %while3A_828 = %reduce_sum3A_679 to %while3A_774 step %while3A_775 iter_args(%while3A_829 = %broadcast_in_dim3A_766, %while3A_830 = %broadcast_in_dim3A_768) -> (vector<16xf32>, vector<16xf32>)  : i32 {
      %add3A_831 = arith.constant 1 : i32
      %add3A_832 = arith.addi %select_n3A_762, %add3A_831 : i32
      %while3A_833 = arith.subi %add3A_832, %select_n3A_738 : i32
      %while3A_834 = arith.addi %select_n3A_738, %while3A_833 : i32
      %while3A_835 = arith.constant 1 : i32
      %while3A_836 = arith.divsi %while3A_833, %while3A_835 : i32
      %while3A_837 = arith.muli %while3A_836, %while3A_835 : i32
      %while3A_838 = arith.addi %select_n3A_738, %while3A_837 : i32
      %while3A_839 = arith.constant 1 : i32
      %while3A_840:2 = scf.for %while3A_843 = %select_n3A_738 to %while3A_838 step %while3A_839 iter_args(%while3A_844 = %while3A_829, %while3A_845 = %while3A_830) -> (vector<16xf32>, vector<16xf32>)  : i32 {
        %mul3A_846 = arith.constant 128 : i32
        %mul3A_847 = arith.muli %while3A_828, %mul3A_846 : i32
        %mul3A_848 = arith.constant 16 : i32
        %mul3A_849 = arith.muli %while3A_843, %mul3A_848 : i32
        %add3A_850 = arith.addi %mul3A_847, %mul3A_849 : i32
        %get3A = arith.constant 3 : i32
        %get3A_851 = arith.index_cast %get3A : i32 to index
        %get3A_852 = arith.index_cast %add3A_850 : i32 to index
        %get3A_853 = tpu.vector_load %arg8[%get3A_851, %get3A_852] {strides = array<i32>} : memref<4x16384xf32, #tpu.memory_space<vmem>>, vector<16xf32>,
        %mul3A_854 = arith.constant 16 : i32
        %mul3A_855 = arith.muli %while3A_843, %mul3A_854 : i32
        %add3A_856 = vector.broadcast %mul3A_855 : i32 to vector<16xi32>
        %add3A_857 = arith.addi %iota3A, %add3A_856 : vector<16xi32>
        %ge3A = arith.cmpi sge, %add3A_857, %broadcast_in_dim3A_713 : vector<16xi32>
        %le3A = arith.cmpi sle, %add3A_857, %broadcast_in_dim3A_714 : vector<16xi32>
        %and3A_858 = arith.andi %ge3A, %le3A : vector<16xi1>
        %jit3A_859 = arith.constant -1.000000e+09 : f32
        %broadcast_in_dim3A_860 = vector.broadcast %jit3A_859 : f32 to vector<16xf32>
        %select_n3A_861 = arith.select %and3A_858, %get3A_853, %broadcast_in_dim3A_860 : vector<16xi1>, vector<16xf32>
        %max3A_862 = arith.maximumf %while3A_844, %select_n3A_861 : vector<16xf32>
        %mul3A_863 = arith.mulf %get3A_853, %get3A_853 : vector<16xf32>
        %jit3A_864 = arith.constant 0.000000e+00 : f32
        %broadcast_in_dim3A_865 = vector.broadcast %jit3A_864 : f32 to vector<16xf32>
        %select_n3A_866 = arith.select %and3A_858, %mul3A_863, %broadcast_in_dim3A_865 : vector<16xi1>, vector<16xf32>
        %add3A_867 = arith.addf %while3A_845, %select_n3A_866 : vector<16xf32>
        scf.yield %max3A_862, %add3A_867 : vector<16xf32>, vector<16xf32>
      }
      %while3A_841 = arith.constant 1 : i32
      %while3A_842:2 = scf.for %while3A_843 = %while3A_838 to %while3A_834 step %while3A_841 iter_args(%while3A_844 = %while3A_840#0, %while3A_845 = %while3A_840#1) -> (vector<16xf32>, vector<16xf32>)  : i32 {
        %mul3A_846 = arith.constant 128 : i32
        %mul3A_847 = arith.muli %while3A_828, %mul3A_846 : i32
        %mul3A_848 = arith.constant 16 : i32
        %mul3A_849 = arith.muli %while3A_843, %mul3A_848 : i32
        %add3A_850 = arith.addi %mul3A_847, %mul3A_849 : i32
        %get3A = arith.constant 3 : i32
        %get3A_851 = arith.index_cast %get3A : i32 to index
        %get3A_852 = arith.index_cast %add3A_850 : i32 to index
        %get3A_853 = tpu.vector_load %arg8[%get3A_851, %get3A_852] {strides = array<i32>} : memref<4x16384xf32, #tpu.memory_space<vmem>>, vector<16xf32>,
        %mul3A_854 = arith.constant 16 : i32
        %mul3A_855 = arith.muli %while3A_843, %mul3A_854 : i32
        %add3A_856 = vector.broadcast %mul3A_855 : i32 to vector<16xi32>
        %add3A_857 = arith.addi %iota3A, %add3A_856 : vector<16xi32>
        %ge3A = arith.cmpi sge, %add3A_857, %broadcast_in_dim3A_713 : vector<16xi32>
        %le3A = arith.cmpi sle, %add3A_857, %broadcast_in_dim3A_714 : vector<16xi32>
        %and3A_858 = arith.andi %ge3A, %le3A : vector<16xi1>
        %jit3A_859 = arith.constant -1.000000e+09 : f32
        %broadcast_in_dim3A_860 = vector.broadcast %jit3A_859 : f32 to vector<16xf32>
        %select_n3A_861 = arith.select %and3A_858, %get3A_853, %broadcast_in_dim3A_860 : vector<16xi1>, vector<16xf32>
        %max3A_862 = arith.maximumf %while3A_844, %select_n3A_861 : vector<16xf32>
        %mul3A_863 = arith.mulf %get3A_853, %get3A_853 : vector<16xf32>
        %jit3A_864 = arith.constant 0.000000e+00 : f32
        %broadcast_in_dim3A_865 = vector.broadcast %jit3A_864 : f32 to vector<16xf32>
        %select_n3A_866 = arith.select %and3A_858, %mul3A_863, %broadcast_in_dim3A_865 : vector<16xi1>, vector<16xf32>
        %add3A_867 = arith.addf %while3A_845, %select_n3A_866 : vector<16xf32>
        scf.yield %max3A_862, %add3A_867 : vector<16xf32>, vector<16xf32>
      }
      scf.yield %while3A_842#0, %while3A_842#1 : vector<16xf32>, vector<16xf32>
    }
    %while3A_777 = arith.constant 1 : i32
    %while3A_778:2 = scf.for %while3A_828 = %while3A_774 to %while3A_770 step %while3A_777 iter_args(%while3A_829 = %while3A_776#0, %while3A_830 = %while3A_776#1) -> (vector<16xf32>, vector<16xf32>)  : i32 {
      %add3A_831 = arith.constant 1 : i32
      %add3A_832 = arith.addi %select_n3A_762, %add3A_831 : i32
      %while3A_833 = arith.subi %add3A_832, %select_n3A_738 : i32
      %while3A_834 = arith.addi %select_n3A_738, %while3A_833 : i32
      %while3A_835 = arith.constant 1 : i32
      %while3A_836 = arith.divsi %while3A_833, %while3A_835 : i32
      %while3A_837 = arith.muli %while3A_836, %while3A_835 : i32
      %while3A_838 = arith.addi %select_n3A_738, %while3A_837 : i32
      %while3A_839 = arith.constant 1 : i32
      %while3A_840:2 = scf.for %while3A_843 = %select_n3A_738 to %while3A_838 step %while3A_839 iter_args(%while3A_844 = %while3A_829, %while3A_845 = %while3A_830) -> (vector<16xf32>, vector<16xf32>)  : i32 {
        %mul3A_846 = arith.constant 128 : i32
        %mul3A_847 = arith.muli %while3A_828, %mul3A_846 : i32
        %mul3A_848 = arith.constant 16 : i32
        %mul3A_849 = arith.muli %while3A_843, %mul3A_848 : i32
        %add3A_850 = arith.addi %mul3A_847, %mul3A_849 : i32
        %get3A = arith.constant 3 : i32
        %get3A_851 = arith.index_cast %get3A : i32 to index
        %get3A_852 = arith.index_cast %add3A_850 : i32 to index
        %get3A_853 = tpu.vector_load %arg8[%get3A_851, %get3A_852] {strides = array<i32>} : memref<4x16384xf32, #tpu.memory_space<vmem>>, vector<16xf32>,
        %mul3A_854 = arith.constant 16 : i32
        %mul3A_855 = arith.muli %while3A_843, %mul3A_854 : i32
        %add3A_856 = vector.broadcast %mul3A_855 : i32 to vector<16xi32>
        %add3A_857 = arith.addi %iota3A, %add3A_856 : vector<16xi32>
        %ge3A = arith.cmpi sge, %add3A_857, %broadcast_in_dim3A_713 : vector<16xi32>
        %le3A = arith.cmpi sle, %add3A_857, %broadcast_in_dim3A_714 : vector<16xi32>
        %and3A_858 = arith.andi %ge3A, %le3A : vector<16xi1>
        %jit3A_859 = arith.constant -1.000000e+09 : f32
        %broadcast_in_dim3A_860 = vector.broadcast %jit3A_859 : f32 to vector<16xf32>
        %select_n3A_861 = arith.select %and3A_858, %get3A_853, %broadcast_in_dim3A_860 : vector<16xi1>, vector<16xf32>
        %max3A_862 = arith.maximumf %while3A_844, %select_n3A_861 : vector<16xf32>
        %mul3A_863 = arith.mulf %get3A_853, %get3A_853 : vector<16xf32>
        %jit3A_864 = arith.constant 0.000000e+00 : f32
        %broadcast_in_dim3A_865 = vector.broadcast %jit3A_864 : f32 to vector<16xf32>
        %select_n3A_866 = arith.select %and3A_858, %mul3A_863, %broadcast_in_dim3A_865 : vector<16xi1>, vector<16xf32>
        %add3A_867 = arith.addf %while3A_845, %select_n3A_866 : vector<16xf32>
        scf.yield %max3A_862, %add3A_867 : vector<16xf32>, vector<16xf32>
      }
      %while3A_841 = arith.constant 1 : i32
      %while3A_842:2 = scf.for %while3A_843 = %while3A_838 to %while3A_834 step %while3A_841 iter_args(%while3A_844 = %while3A_840#0, %while3A_845 = %while3A_840#1) -> (vector<16xf32>, vector<16xf32>)  : i32 {
        %mul3A_846 = arith.constant 128 : i32
        %mul3A_847 = arith.muli %while3A_828, %mul3A_846 : i32
        %mul3A_848 = arith.constant 16 : i32
        %mul3A_849 = arith.muli %while3A_843, %mul3A_848 : i32
        %add3A_850 = arith.addi %mul3A_847, %mul3A_849 : i32
        %get3A = arith.constant 3 : i32
        %get3A_851 = arith.index_cast %get3A : i32 to index
        %get3A_852 = arith.index_cast %add3A_850 : i32 to index
        %get3A_853 = tpu.vector_load %arg8[%get3A_851, %get3A_852] {strides = array<i32>} : memref<4x16384xf32, #tpu.memory_space<vmem>>, vector<16xf32>,
        %mul3A_854 = arith.constant 16 : i32
        %mul3A_855 = arith.muli %while3A_843, %mul3A_854 : i32
        %add3A_856 = vector.broadcast %mul3A_855 : i32 to vector<16xi32>
        %add3A_857 = arith.addi %iota3A, %add3A_856 : vector<16xi32>
        %ge3A = arith.cmpi sge, %add3A_857, %broadcast_in_dim3A_713 : vector<16xi32>
        %le3A = arith.cmpi sle, %add3A_857, %broadcast_in_dim3A_714 : vector<16xi32>
        %and3A_858 = arith.andi %ge3A, %le3A : vector<16xi1>
        %jit3A_859 = arith.constant -1.000000e+09 : f32
        %broadcast_in_dim3A_860 = vector.broadcast %jit3A_859 : f32 to vector<16xf32>
        %select_n3A_861 = arith.select %and3A_858, %get3A_853, %broadcast_in_dim3A_860 : vector<16xi1>, vector<16xf32>
        %max3A_862 = arith.maximumf %while3A_844, %select_n3A_861 : vector<16xf32>
        %mul3A_863 = arith.mulf %get3A_853, %get3A_853 : vector<16xf32>
        %jit3A_864 = arith.constant 0.000000e+00 : f32
        %broadcast_in_dim3A_865 = vector.broadcast %jit3A_864 : f32 to vector<16xf32>
        %select_n3A_866 = arith.select %and3A_858, %mul3A_863, %broadcast_in_dim3A_865 : vector<16xi1>, vector<16xf32>
        %add3A_867 = arith.addf %while3A_845, %select_n3A_866 : vector<16xf32>
        scf.yield %max3A_862, %add3A_867 : vector<16xf32>, vector<16xf32>
      }
      scf.yield %while3A_842#0, %while3A_842#1 : vector<16xf32>, vector<16xf32>
    }
    %reduce_max3A_779 = arith.constant true
    %reduce_max3A_780 = vector.broadcast %reduce_max3A_779 : i1 to vector<16xi1>
    %reduce_max3A_781 = tpu.scan <max>, %while3A_778#0 masked %reduce_max3A_780 : vector<16xf32>, vector<16xi1> -> vector<16xf32>
    %reduce_max3A_782 = vector.extract %reduce_max3A_781[15] : f32 from vector<16xf32>
    %reduce_sum3A_783 = arith.constant true
    %reduce_sum3A_784 = vector.broadcast %reduce_sum3A_783 : i1 to vector<16xi1>
    %reduce_sum3A_785 = tpu.scan <sum>, %while3A_778#1 masked %reduce_sum3A_784 : vector<16xf32>, vector<16xi1> -> vector<16xf32>
    %reduce_sum3A_786 = vector.extract %reduce_sum3A_785[15] : f32 from vector<16xf32>
    %sub3A_787 = arith.subi %reduce_sum3A_686, %reduce_sum3A_679 : i32
    %add3A_788 = arith.constant 1 : i32
    %add3A_789 = arith.addi %sub3A_787, %add3A_788 : i32
    %sub3A_790 = arith.subi %reduce_sum3A_700, %reduce_sum3A_693 : i32
    %add3A_791 = arith.constant 1 : i32
    %add3A_792 = arith.addi %sub3A_790, %add3A_791 : i32
    %mul3A_793 = arith.muli %add3A_789, %add3A_792 : i32
    %convert_element_type3A_794 = arith.sitofp %mul3A_793 : i32 to f32
    %sub3A_795 = arith.constant 1.638400e+04 : f32
    %sub3A_796 = arith.subf %sub3A_795, %convert_element_type3A_794 : f32
    %sub3A_797 = arith.subf %reduce_sum3A_712, %reduce_sum3A_786 : f32
    %broadcast_in_dim3A_798 = vector.broadcast %sub3A_797 : f32 to vector<16xf32>
    %add3A_799 = arith.constant 1.000000e-07 : f32
    %add3A_800 = arith.addf %sub3A_796, %add3A_799 : f32
    %broadcast_in_dim3A_801 = vector.broadcast %add3A_800 : f32 to vector<16xf32>
    %sub3A_802 = arith.constant 3.000000e-01 : f32
    %sub3A_803 = arith.subf %sub3A_802, %reduce_max3A_782 : f32
    %max3A_804 = arith.constant 0.000000e+00 : f32
    %max3A_805 = arith.maximumf %sub3A_803, %max3A_804 : f32
    %broadcast_in_dim3A_806 = vector.broadcast %max3A_805 : f32 to vector<16xf32>
    %eq3A_807 = arith.constant 0 : i32
    %eq3A_808 = vector.broadcast %eq3A_807 : i32 to vector<16xi32>
    %eq3A_809 = arith.cmpi eq, %iota3A, %eq3A_808 : vector<16xi32>
    %div3A_810 = arith.divf %broadcast_in_dim3A_798, %broadcast_in_dim3A_801 : vector<16xf32>
    %add3A_811 = arith.addf %div3A_810, %broadcast_in_dim3A_806 : vector<16xf32>
    %mul3A_812 = arith.constant 1.562500e-02 : f32
    %mul3A_813 = vector.broadcast %mul3A_812 : f32 to vector<16xf32>
    %mul3A_814 = arith.mulf %add3A_811, %mul3A_813 : vector<16xf32>
    %jit3A_815 = arith.constant 0.000000e+00 : f32
    %broadcast_in_dim3A_816 = vector.broadcast %jit3A_815 : f32 to vector<16xf32>
    %select_n3A_817 = arith.select %eq3A_809, %mul3A_814, %broadcast_in_dim3A_816 : vector<16xi1>, vector<16xf32>
    %add3A_818 = arith.addf %add3A_669, %select_n3A_817 : vector<16xf32>
    %swap3A = arith.constant 0 : i32
    %swap3A_819 = arith.index_cast %swap3A : i32 to index
    %swap3A_820 = arith.constant 0 : index
    %swap3A_821 = tpu.vector_load %arg9[%swap3A_819, %swap3A_820] {strides = array<i32>} : memref<1x16xf32, #tpu.memory_space<vmem>>, vector<16xf32>,
    tpu.vector_store %arg9[%swap3A_819, %swap3A_820], %add3A_818 {strides = array<i32>} : memref<1x16xf32, #tpu.memory_space<vmem>>, vector<16xf32>,
    %barrier3A = arith.constant 0 : index
    tpu.barrier barrier_id(%barrier3A)
    "tpu.region"() ({
      %run_scoped3A = tpu.sem_alloc : memref<!tpu.dma_semaphore, #tpu.memory_space<semaphore_mem>>
      %dma_start3A_828 = arith.constant 0 : i32
      %dma_start3A_829 = arith.constant 0 : i32
      %dma_start3A_830 = tpu.memref_slice %arg12[%dma_start3A_828, %dma_start3A_829] : memref<1x16xf32, #tpu.memory_space<vmem_shared>> -> memref<1x16xf32, #tpu.memory_space<vmem_shared>>
      tpu.enqueue_indirect_dma source(%arg9 : memref<1x16xf32, #tpu.memory_space<vmem>>) target(%dma_start3A_830 : memref<1x16xf32, #tpu.memory_space<vmem_shared>>) offsets(%arg11 : memref<1xi32, #tpu.memory_space<vmem>>) semaphore(%run_scoped3A : memref<!tpu.dma_semaphore, #tpu.memory_space<semaphore_mem>>) {add = true}
      %dma_wait3A_831 = arith.constant 0 : i32
      %dma_wait3A_832 = arith.constant 0 : i32
      %dma_wait3A_833 = tpu.memref_slice %arg12[%dma_wait3A_831, %dma_wait3A_832] : memref<1x16xf32, #tpu.memory_space<vmem_shared>> -> memref<1x16xf32, #tpu.memory_space<vmem_shared>>
      tpu.wait_indirect_dma semaphore(%run_scoped3A : memref<!tpu.dma_semaphore, #tpu.memory_space<semaphore_mem>>) src(%arg9 : memref<1x16xf32, #tpu.memory_space<vmem>>) dst(%dma_wait3A_833 : memref<1x16xf32, #tpu.memory_space<vmem_shared>>)
      tpu.yield
    }) : () -> ()
    %barrier3A_822 = arith.constant 0 : index
    tpu.barrier barrier_id(%barrier3A_822)
    %eq3A_823 = arith.constant 0 : i32
    %eq3A_824 = arith.cmpi eq, %arg1, %eq3A_823 : i32
    %convert_element_type3A_825 = arith.extui %eq3A_824 : i1 to i32
    %cond3A_826 = arith.constant 0 : i32
    %cond3A_827 = arith.cmpi ne, %convert_element_type3A_825, %cond3A_826 : i32
    scf.if %cond3A_827 {
      "tpu.region"() ({
        %run_scoped3A = tpu.sem_alloc : memref<!tpu.dma_semaphore, #tpu.memory_space<semaphore_mem>>
        %dma_start3A_846 = arith.constant 0 : i32
        %dma_start3A_847 = arith.constant 0 : i32
        %dma_start3A_848 = tpu.memref_slice %arg10[%dma_start3A_846, %dma_start3A_847] : memref<1x16xf32, #tpu.memory_space<vmem>> -> memref<1x16xf32, #tpu.memory_space<vmem>>
        %dma_start3A_849 = arith.constant 0 : i32
        %dma_start3A_850 = arith.constant 0 : i32
        %dma_start3A_851 = tpu.memref_slice %arg10[%dma_start3A_849, %dma_start3A_850] : memref<1x16xf32, #tpu.memory_space<vmem>> -> memref<1x16xf32, #tpu.memory_space<vmem>>
        tpu.enqueue_dma source(%arg12 : memref<1x16xf32, #tpu.memory_space<vmem_shared>>) target(%dma_start3A_851 : memref<1x16xf32, #tpu.memory_space<vmem>>) target_semaphore(%run_scoped3A : memref<!tpu.dma_semaphore, #tpu.memory_space<semaphore_mem>>)
        %dma_wait3A_852 = arith.constant 0 : i32
        %dma_wait3A_853 = arith.constant 0 : i32
        %dma_wait3A_854 = tpu.memref_slice %arg10[%dma_wait3A_852, %dma_wait3A_853] : memref<1x16xf32, #tpu.memory_space<vmem>> -> memref<1x16xf32, #tpu.memory_space<vmem>>
        %dma_wait3A_855 = arith.constant 0 : i32
        %dma_wait3A_856 = arith.constant 0 : i32
        %dma_wait3A_857 = tpu.memref_slice %arg10[%dma_wait3A_855, %dma_wait3A_856] : memref<1x16xf32, #tpu.memory_space<vmem>> -> memref<1x16xf32, #tpu.memory_space<vmem>>
        tpu.wait_dma2 semaphore(%run_scoped3A : memref<!tpu.dma_semaphore, #tpu.memory_space<semaphore_mem>>) src(%arg12 : memref<1x16xf32, #tpu.memory_space<vmem_shared>>) dst(%dma_wait3A_857 : memref<1x16xf32, #tpu.memory_space<vmem>>)
        tpu.yield
      }) : () -> ()
      %get3A = arith.constant 0 : i32
      %get3A_828 = arith.index_cast %get3A : i32 to index
      %get3A_829 = arith.constant 0 : index
      %get3A_830 = tpu.vector_load %arg10[%get3A_828, %get3A_829] {strides = array<i32>} : memref<1x16xf32, #tpu.memory_space<vmem>>, vector<16xf32>,
      %reduce_sum3A_831 = arith.constant true
      %reduce_sum3A_832 = vector.broadcast %reduce_sum3A_831 : i1 to vector<16xi1>
      %reduce_sum3A_833 = tpu.scan <sum>, %get3A_830 masked %reduce_sum3A_832 : vector<16xf32>, vector<16xi1> -> vector<16xf32>
      %reduce_sum3A_834 = vector.extract %reduce_sum3A_833[15] : f32 from vector<16xf32>
      %eq3A_835 = arith.constant 0 : i32
      %eq3A_836 = vector.broadcast %eq3A_835 : i32 to vector<16xi32>
      %eq3A_837 = arith.cmpi eq, %iota3A, %eq3A_836 : vector<16xi32>
      %jit3A_838 = arith.constant 0.000000e+00 : f32
      %broadcast_in_dim3A_839 = vector.broadcast %reduce_sum3A_834 : f32 to vector<16xf32>
      %broadcast_in_dim3A_840 = vector.broadcast %jit3A_838 : f32 to vector<16xf32>
      %select_n3A_841 = arith.select %eq3A_837, %broadcast_in_dim3A_839, %broadcast_in_dim3A_840 : vector<16xi1>, vector<16xf32>
      %swap3A_842 = arith.constant 0 : i32
      %swap3A_843 = arith.index_cast %swap3A_842 : i32 to index
      %swap3A_844 = arith.constant 0 : index
      %swap3A_845 = tpu.vector_load %arg10[%swap3A_843, %swap3A_844] {strides = array<i32>} : memref<1x16xf32, #tpu.memory_space<vmem>>, vector<16xf32>,
      tpu.vector_store %arg10[%swap3A_843, %swap3A_844], %select_n3A_841 {strides = array<i32>} : memref<1x16xf32, #tpu.memory_space<vmem>>, vector<16xf32>,
      "tpu.region"() ({
        %run_scoped3A = tpu.sem_alloc : memref<!tpu.dma_semaphore, #tpu.memory_space<semaphore_mem>>
        %dma_start3A_846 = arith.constant 0 : i32
        %dma_start3A_847 = arith.constant 0 : i32
        %dma_start3A_848 = tpu.memref_slice %arg10[%dma_start3A_846, %dma_start3A_847] : memref<1x16xf32, #tpu.memory_space<vmem>> -> memref<1x16xf32, #tpu.memory_space<vmem>>
        %dma_start3A_849 = arith.constant 0 : i32
        %dma_start3A_850 = tpu.memref_slice %arg5[%arg0, %dma_start3A_849] : memref<2x16xf32, #tpu.memory_space<hbm>> -> memref<1x16xf32, #tpu.memory_space<hbm>>
        %dma_start3A_851 = arith.constant 0 : i32
        %dma_start3A_852 = tpu.memref_slice %arg5[%arg0, %dma_start3A_851] : memref<2x16xf32, #tpu.memory_space<hbm>> -> memref<1x16xf32, #tpu.memory_space<hbm>>
        %dma_start3A_853 = arith.constant 0 : i32
        %dma_start3A_854 = arith.constant 0 : i32
        %dma_start3A_855 = tpu.memref_slice %arg10[%dma_start3A_853, %dma_start3A_854] : memref<1x16xf32, #tpu.memory_space<vmem>> -> memref<1x16xf32, #tpu.memory_space<vmem>>
        tpu.enqueue_dma source(%dma_start3A_855 : memref<1x16xf32, #tpu.memory_space<vmem>>) target(%dma_start3A_852 : memref<1x16xf32, #tpu.memory_space<hbm>>) target_semaphore(%run_scoped3A : memref<!tpu.dma_semaphore, #tpu.memory_space<semaphore_mem>>)
        %dma_wait3A_856 = arith.constant 0 : i32
        %dma_wait3A_857 = arith.constant 0 : i32
        %dma_wait3A_858 = tpu.memref_slice %arg10[%dma_wait3A_856, %dma_wait3A_857] : memref<1x16xf32, #tpu.memory_space<vmem>> -> memref<1x16xf32, #tpu.memory_space<vmem>>
        %dma_wait3A_859 = arith.constant 0 : i32
        %dma_wait3A_860 = tpu.memref_slice %arg5[%arg0, %dma_wait3A_859] : memref<2x16xf32, #tpu.memory_space<hbm>> -> memref<1x16xf32, #tpu.memory_space<hbm>>
        %dma_wait3A_861 = arith.constant 0 : i32
        %dma_wait3A_862 = tpu.memref_slice %arg5[%arg0, %dma_wait3A_861] : memref<2x16xf32, #tpu.memory_space<hbm>> -> memref<1x16xf32, #tpu.memory_space<hbm>>
        %dma_wait3A_863 = arith.constant 0 : i32
        %dma_wait3A_864 = arith.constant 0 : i32
        %dma_wait3A_865 = tpu.memref_slice %arg10[%dma_wait3A_863, %dma_wait3A_864] : memref<1x16xf32, #tpu.memory_space<vmem>> -> memref<1x16xf32, #tpu.memory_space<vmem>>
        tpu.wait_dma2 semaphore(%run_scoped3A : memref<!tpu.dma_semaphore, #tpu.memory_space<semaphore_mem>>) src(%dma_wait3A_865 : memref<1x16xf32, #tpu.memory_space<vmem>>) dst(%dma_wait3A_862 : memref<1x16xf32, #tpu.memory_space<hbm>>)
        tpu.yield
      }) : () -> ()
    } else {
    }
    return
  }
}

module attributes {stable_mosaic.version = 14 : i64} {
  func.func @body(%arg0: i32, %arg1: memref<128xi32, #tpu.memory_space<smem>>, %arg2: memref<128xi32, #tpu.memory_space<smem>>, %arg3: memref<128xi32, #tpu.memory_space<smem>>, %arg4: memref<128xi32, #tpu.memory_space<smem>>, %arg5: memref<1x1x8x512xf32, #tpu.memory_space<vmem>>, %arg6: memref<1x1x4xf32, #tpu.memory_space<vmem>>, %arg7: memref<8x128xf32, #tpu.memory_space<vmem>>) attributes {dimension_semantics = [#tpu.dimension_semantics<arbitrary>], iteration_bounds = array<i64: 128>, scalar_prefetch = 4 : i64, scratch_operands = 0 : i64, tpu.core_type = #tpu.core_type<tc>, window_params = [{transform_indices = @transform_0, window_bounds = array<i64: 1, 1, 8, 512>}, {transform_indices = @transform_1, window_bounds = array<i64: 1, 1, 4>}, {pipeline_mode = #tpu.pipeline_mode<synchronous>, transform_indices = @transform_2, window_bounds = array<i64: 8, 128>}]} {
    %get3A = arith.constant 0 : index
    %get3A_0 = arith.constant 0 : index
    %get3A_1 = arith.constant 0 : index
    %get3A_2 = arith.constant 0 : index
    %get3A_3 = vector.load %arg5[%get3A, %get3A_0, %get3A_1, %get3A_2] : memref<1x1x8x512xf32, #tpu.memory_space<vmem>>, vector<1x1x8x512xf32>
    %get3A_4 = vector.shape_cast %get3A_3 : vector<1x1x8x512xf32> to vector<8x512xf32>
    %iota3A = tpu.iota {dimensions = array<i32: 0>} : vector<8x512xi32>
    %get3A_5 = arith.index_cast %arg0 : i32 to index
    %get3A_6 = memref.load %arg3[%get3A_5] : memref<128xi32, #tpu.memory_space<smem>>
    %jit3A = arith.constant 8 : i32
    %eq3A = arith.constant 0 : i32
    %eq3A_7 = arith.cmpi eq, %jit3A, %eq3A : i32
    %jit3A_8 = arith.constant 1 : i32
    %select_n3A = arith.select %eq3A_7, %jit3A_8, %jit3A : i32
    %rem3A = arith.remsi %get3A_6, %select_n3A : i32
    %ne3A = arith.constant 0 : i32
    %ne3A_9 = arith.cmpi ne, %rem3A, %ne3A : i32
    %lt3A = arith.constant 0 : i32
    %lt3A_10 = arith.cmpi slt, %rem3A, %lt3A : i32
    %lt3A_11 = arith.constant 0 : i32
    %lt3A_12 = arith.cmpi slt, %select_n3A, %lt3A_11 : i32
    %ne3A_13 = arith.xori %lt3A_10, %lt3A_12 : i1
    %and3A = arith.andi %ne3A_13, %ne3A_9 : i1
    %add3A = arith.addi %rem3A, %select_n3A : i32
    %select_n3A_14 = arith.select %and3A, %add3A, %rem3A : i32
    %eq3A_15 = vector.broadcast %select_n3A_14 : i32 to vector<8x512xi32>
    %eq3A_16 = arith.cmpi eq, %iota3A, %eq3A_15 : vector<8x512xi32>
    %iota3A_17 = tpu.iota {dimensions = array<i32: 1>} : vector<8x512xi32>
    %get3A_18 = arith.index_cast %arg0 : i32 to index
    %get3A_19 = memref.load %arg4[%get3A_18] : memref<128xi32, #tpu.memory_space<smem>>
    %mul3A = arith.constant 4 : i32
    %mul3A_20 = arith.muli %get3A_19, %mul3A : i32
    %add3A_21 = arith.constant 0 : i32
    %add3A_22 = arith.addi %mul3A_20, %add3A_21 : i32
    %eq3A_23 = vector.broadcast %add3A_22 : i32 to vector<8x512xi32>
    %eq3A_24 = arith.cmpi eq, %iota3A_17, %eq3A_23 : vector<8x512xi32>
    %and3A_25 = arith.andi %eq3A_16, %eq3A_24 : vector<8x512xi1>
    %jit3A_26 = arith.constant 0.000000e+00 : f32
    %broadcast_in_dim3A = vector.broadcast %jit3A_26 : f32 to vector<8x512xf32>
    %select_n3A_27 = arith.select %and3A_25, %get3A_4, %broadcast_in_dim3A : vector<8x512xi1>, vector<8x512xf32>
    %reduce_sum3A = vector.shape_cast %select_n3A_27 : vector<8x512xf32> to vector<1x8x512xf32>
    %reduce_sum3A_28 = arith.constant dense<0.000000e+00> : vector<1xf32>
    %reduce_sum3A_29 = vector.multi_reduction <add>, %reduce_sum3A, %reduce_sum3A_28 [1, 2] : vector<1x8x512xf32> to vector<1xf32>
    %reduce_sum3A_30 = vector.shape_cast %reduce_sum3A_29 : vector<1xf32> to vector<1x1x1xf32>
    %reduce_sum3A_31 = vector.extract %reduce_sum3A_30[0, 0, 0] : f32 from vector<1x1x1xf32>
    %get3A_32 = arith.index_cast %arg0 : i32 to index
    %get3A_33 = memref.load %arg4[%get3A_32] : memref<128xi32, #tpu.memory_space<smem>>
    %mul3A_34 = arith.constant 4 : i32
    %mul3A_35 = arith.muli %get3A_33, %mul3A_34 : i32
    %add3A_36 = arith.constant 1 : i32
    %add3A_37 = arith.addi %mul3A_35, %add3A_36 : i32
    %eq3A_38 = vector.broadcast %add3A_37 : i32 to vector<8x512xi32>
    %eq3A_39 = arith.cmpi eq, %iota3A_17, %eq3A_38 : vector<8x512xi32>
    %and3A_40 = arith.andi %eq3A_16, %eq3A_39 : vector<8x512xi1>
    %jit3A_41 = arith.constant 0.000000e+00 : f32
    %broadcast_in_dim3A_42 = vector.broadcast %jit3A_41 : f32 to vector<8x512xf32>
    %select_n3A_43 = arith.select %and3A_40, %get3A_4, %broadcast_in_dim3A_42 : vector<8x512xi1>, vector<8x512xf32>
    %reduce_sum3A_44 = vector.shape_cast %select_n3A_43 : vector<8x512xf32> to vector<1x8x512xf32>
    %reduce_sum3A_45 = arith.constant dense<0.000000e+00> : vector<1xf32>
    %reduce_sum3A_46 = vector.multi_reduction <add>, %reduce_sum3A_44, %reduce_sum3A_45 [1, 2] : vector<1x8x512xf32> to vector<1xf32>
    %reduce_sum3A_47 = vector.shape_cast %reduce_sum3A_46 : vector<1xf32> to vector<1x1x1xf32>
    %reduce_sum3A_48 = vector.extract %reduce_sum3A_47[0, 0, 0] : f32 from vector<1x1x1xf32>
    %get3A_49 = arith.index_cast %arg0 : i32 to index
    %get3A_50 = memref.load %arg4[%get3A_49] : memref<128xi32, #tpu.memory_space<smem>>
    %mul3A_51 = arith.constant 4 : i32
    %mul3A_52 = arith.muli %get3A_50, %mul3A_51 : i32
    %add3A_53 = arith.constant 2 : i32
    %add3A_54 = arith.addi %mul3A_52, %add3A_53 : i32
    %eq3A_55 = vector.broadcast %add3A_54 : i32 to vector<8x512xi32>
    %eq3A_56 = arith.cmpi eq, %iota3A_17, %eq3A_55 : vector<8x512xi32>
    %and3A_57 = arith.andi %eq3A_16, %eq3A_56 : vector<8x512xi1>
    %jit3A_58 = arith.constant 0.000000e+00 : f32
    %broadcast_in_dim3A_59 = vector.broadcast %jit3A_58 : f32 to vector<8x512xf32>
    %select_n3A_60 = arith.select %and3A_57, %get3A_4, %broadcast_in_dim3A_59 : vector<8x512xi1>, vector<8x512xf32>
    %reduce_sum3A_61 = vector.shape_cast %select_n3A_60 : vector<8x512xf32> to vector<1x8x512xf32>
    %reduce_sum3A_62 = arith.constant dense<0.000000e+00> : vector<1xf32>
    %reduce_sum3A_63 = vector.multi_reduction <add>, %reduce_sum3A_61, %reduce_sum3A_62 [1, 2] : vector<1x8x512xf32> to vector<1xf32>
    %reduce_sum3A_64 = vector.shape_cast %reduce_sum3A_63 : vector<1xf32> to vector<1x1x1xf32>
    %reduce_sum3A_65 = vector.extract %reduce_sum3A_64[0, 0, 0] : f32 from vector<1x1x1xf32>
    %get3A_66 = arith.index_cast %arg0 : i32 to index
    %get3A_67 = memref.load %arg4[%get3A_66] : memref<128xi32, #tpu.memory_space<smem>>
    %mul3A_68 = arith.constant 4 : i32
    %mul3A_69 = arith.muli %get3A_67, %mul3A_68 : i32
    %add3A_70 = arith.constant 3 : i32
    %add3A_71 = arith.addi %mul3A_69, %add3A_70 : i32
    %eq3A_72 = vector.broadcast %add3A_71 : i32 to vector<8x512xi32>
    %eq3A_73 = arith.cmpi eq, %iota3A_17, %eq3A_72 : vector<8x512xi32>
    %and3A_74 = arith.andi %eq3A_16, %eq3A_73 : vector<8x512xi1>
    %jit3A_75 = arith.constant 0.000000e+00 : f32
    %broadcast_in_dim3A_76 = vector.broadcast %jit3A_75 : f32 to vector<8x512xf32>
    %select_n3A_77 = arith.select %and3A_74, %get3A_4, %broadcast_in_dim3A_76 : vector<8x512xi1>, vector<8x512xf32>
    %reduce_sum3A_78 = vector.shape_cast %select_n3A_77 : vector<8x512xf32> to vector<1x8x512xf32>
    %reduce_sum3A_79 = arith.constant dense<0.000000e+00> : vector<1xf32>
    %reduce_sum3A_80 = vector.multi_reduction <add>, %reduce_sum3A_78, %reduce_sum3A_79 [1, 2] : vector<1x8x512xf32> to vector<1xf32>
    %reduce_sum3A_81 = vector.shape_cast %reduce_sum3A_80 : vector<1xf32> to vector<1x1x1xf32>
    %reduce_sum3A_82 = vector.extract %reduce_sum3A_81[0, 0, 0] : f32 from vector<1x1x1xf32>
    %get3A_83 = arith.constant 0 : index
    %get3A_84 = arith.constant 0 : index
    %get3A_85 = arith.constant 0 : index
    %get3A_86 = vector.load %arg6[%get3A_83, %get3A_84, %get3A_85] : memref<1x1x4xf32, #tpu.memory_space<vmem>>, vector<1x1x1xf32>
    %get3A_87 = vector.extract %get3A_86[0, 0, 0] : f32 from vector<1x1x1xf32>
    %get3A_88 = arith.constant 0 : index
    %get3A_89 = arith.constant 0 : index
    %get3A_90 = arith.constant 1 : index
    %get3A_91 = vector.load %arg6[%get3A_88, %get3A_89, %get3A_90] : memref<1x1x4xf32, #tpu.memory_space<vmem>>, vector<1x1x1xf32>
    %get3A_92 = vector.extract %get3A_91[0, 0, 0] : f32 from vector<1x1x1xf32>
    %get3A_93 = arith.constant 0 : index
    %get3A_94 = arith.constant 0 : index
    %get3A_95 = arith.constant 2 : index
    %get3A_96 = vector.load %arg6[%get3A_93, %get3A_94, %get3A_95] : memref<1x1x4xf32, #tpu.memory_space<vmem>>, vector<1x1x1xf32>
    %get3A_97 = vector.extract %get3A_96[0, 0, 0] : f32 from vector<1x1x1xf32>
    %get3A_98 = arith.constant 0 : index
    %get3A_99 = arith.constant 0 : index
    %get3A_100 = arith.constant 3 : index
    %get3A_101 = vector.load %arg6[%get3A_98, %get3A_99, %get3A_100] : memref<1x1x4xf32, #tpu.memory_space<vmem>>, vector<1x1x1xf32>
    %get3A_102 = vector.extract %get3A_101[0, 0, 0] : f32 from vector<1x1x1xf32>
    %sub3A = arith.subf %reduce_sum3A_31, %get3A_87 : f32
    %abs3A = math.absf %sub3A : f32
    %sub3A_103 = arith.subf %reduce_sum3A_48, %get3A_92 : f32
    %abs3A_104 = math.absf %sub3A_103 : f32
    %add3A_105 = arith.addf %abs3A, %abs3A_104 : f32
    %sub3A_106 = arith.subf %reduce_sum3A_65, %get3A_97 : f32
    %abs3A_107 = math.absf %sub3A_106 : f32
    %add3A_108 = arith.addf %add3A_105, %abs3A_107 : f32
    %sub3A_109 = arith.subf %reduce_sum3A_82, %get3A_102 : f32
    %abs3A_110 = math.absf %sub3A_109 : f32
    %add3A_111 = arith.addf %add3A_108, %abs3A_110 : f32
    %min3A = arith.minimumf %reduce_sum3A_65, %get3A_97 : f32
    %max3A = arith.maximumf %reduce_sum3A_31, %get3A_87 : f32
    %sub3A_112 = arith.subf %min3A, %max3A : f32
    %max3A_113 = arith.constant 0.000000e+00 : f32
    %max3A_114 = arith.maximumf %sub3A_112, %max3A_113 : f32
    %min3A_115 = arith.minimumf %reduce_sum3A_82, %get3A_102 : f32
    %max3A_116 = arith.maximumf %reduce_sum3A_48, %get3A_92 : f32
    %sub3A_117 = arith.subf %min3A_115, %max3A_116 : f32
    %max3A_118 = arith.constant 0.000000e+00 : f32
    %max3A_119 = arith.maximumf %sub3A_117, %max3A_118 : f32
    %mul3A_120 = arith.mulf %max3A_114, %max3A_119 : f32
    %sub3A_121 = arith.subf %reduce_sum3A_65, %reduce_sum3A_31 : f32
    %sub3A_122 = arith.subf %reduce_sum3A_82, %reduce_sum3A_48 : f32
    %mul3A_123 = arith.mulf %sub3A_121, %sub3A_122 : f32
    %sub3A_124 = arith.subf %get3A_97, %get3A_87 : f32
    %sub3A_125 = arith.subf %get3A_102, %get3A_92 : f32
    %mul3A_126 = arith.mulf %sub3A_124, %sub3A_125 : f32
    %add3A_127 = arith.addf %mul3A_123, %mul3A_126 : f32
    %sub3A_128 = arith.subf %add3A_127, %mul3A_120 : f32
    %add3A_129 = arith.constant 1.000000e-07 : f32
    %add3A_130 = arith.addf %sub3A_128, %add3A_129 : f32
    %div3A = arith.divf %mul3A_120, %add3A_130 : f32
    %max3A_131 = arith.maximumf %reduce_sum3A_65, %get3A_97 : f32
    %min3A_132 = arith.minimumf %reduce_sum3A_31, %get3A_87 : f32
    %sub3A_133 = arith.subf %max3A_131, %min3A_132 : f32
    %max3A_134 = arith.maximumf %reduce_sum3A_82, %get3A_102 : f32
    %min3A_135 = arith.minimumf %reduce_sum3A_48, %get3A_92 : f32
    %sub3A_136 = arith.subf %max3A_134, %min3A_135 : f32
    %mul3A_137 = arith.mulf %sub3A_133, %sub3A_136 : f32
    %sub3A_138 = arith.subf %mul3A_137, %sub3A_128 : f32
    %add3A_139 = arith.constant 1.000000e-07 : f32
    %add3A_140 = arith.addf %mul3A_137, %add3A_139 : f32
    %div3A_141 = arith.divf %sub3A_138, %add3A_140 : f32
    %sub3A_142 = arith.subf %div3A, %div3A_141 : f32
    %mul3A_143 = arith.constant 0.001953125 : f32
    %mul3A_144 = arith.mulf %add3A_111, %mul3A_143 : f32
    %sub3A_145 = arith.constant 1.000000e+00 : f32
    %sub3A_146 = arith.subf %sub3A_145, %sub3A_142 : f32
    %mul3A_147 = arith.constant 7.812500e-03 : f32
    %mul3A_148 = arith.mulf %sub3A_146, %mul3A_147 : f32
    %add3A_149 = arith.addf %mul3A_144, %mul3A_148 : f32
    %eq3A_150 = arith.constant 0 : i32
    %eq3A_151 = arith.cmpi eq, %arg0, %eq3A_150 : i32
    %convert_element_type3A = arith.extui %eq3A_151 : i1 to i32
    %cond3A = arith.constant 0 : i32
    %cond3A_152 = arith.cmpi ne, %convert_element_type3A, %cond3A : i32
    scf.if %cond3A_152 {
      %broadcast_in_dim3A_160 = arith.constant 0.000000e+00 : f32
      %broadcast_in_dim3A_161 = vector.broadcast %broadcast_in_dim3A_160 : f32 to vector<8x128xf32>
      %swap3A_162 = arith.constant 0 : index
      %swap3A_163 = arith.constant 0 : index
      %swap3A_164 = vector.load %arg7[%swap3A_162, %swap3A_163] : memref<8x128xf32, #tpu.memory_space<vmem>>, vector<8x128xf32>
      tpu.vector_store %arg7[%swap3A_162, %swap3A_163], %broadcast_in_dim3A_161 {strides = array<i32>} : memref<8x128xf32, #tpu.memory_space<vmem>>, vector<8x128xf32>,
    } else {
    }
    %get3A_153 = arith.constant 0 : index
    %get3A_154 = arith.constant 0 : index
    %get3A_155 = vector.load %arg7[%get3A_153, %get3A_154] : memref<8x128xf32, #tpu.memory_space<vmem>>, vector<8x128xf32>
    %broadcast_in_dim3A_156 = vector.broadcast %add3A_149 : f32 to vector<8x128xf32>
    %add3A_157 = arith.addf %get3A_155, %broadcast_in_dim3A_156 : vector<8x128xf32>
    %swap3A = arith.constant 0 : index
    %swap3A_158 = arith.constant 0 : index
    %swap3A_159 = vector.load %arg7[%swap3A, %swap3A_158] : memref<8x128xf32, #tpu.memory_space<vmem>>, vector<8x128xf32>
    tpu.vector_store %arg7[%swap3A, %swap3A_158], %add3A_157 {strides = array<i32>} : memref<8x128xf32, #tpu.memory_space<vmem>>, vector<8x128xf32>,
    return
  }
  func.func @transform_0(%arg0: i32, %arg1: memref<128xi32, #tpu.memory_space<smem>>, %arg2: memref<128xi32, #tpu.memory_space<smem>>, %arg3: memref<128xi32, #tpu.memory_space<smem>>, %arg4: memref<128xi32, #tpu.memory_space<smem>>) -> (i32, i32, i32, i32) {
    %get3A = arith.index_cast %arg0 : i32 to index
    %get3A_0 = memref.load %arg1[%get3A] : memref<128xi32, #tpu.memory_space<smem>>
    %get3A_1 = arith.index_cast %arg0 : i32 to index
    %get3A_2 = memref.load %arg2[%get3A_1] : memref<128xi32, #tpu.memory_space<smem>>
    %get3A_3 = arith.index_cast %arg0 : i32 to index
    %get3A_4 = memref.load %arg3[%get3A_3] : memref<128xi32, #tpu.memory_space<smem>>
    %jit3A = arith.constant 8 : i32
    %div3A = arith.divsi %get3A_4, %jit3A : i32
    %sign3A = arith.constant 0 : i32
    %sign3A_5 = arith.cmpi sgt, %get3A_4, %sign3A : i32
    %sign3A_6 = arith.extui %sign3A_5 : i1 to i32
    %sign3A_7 = arith.constant 0 : i32
    %sign3A_8 = arith.cmpi slt, %get3A_4, %sign3A_7 : i32
    %sign3A_9 = arith.extui %sign3A_8 : i1 to i32
    %sign3A_10 = arith.subi %sign3A_6, %sign3A_9 : i32
    %sign3A_11 = arith.constant 0 : i32
    %sign3A_12 = arith.cmpi sgt, %jit3A, %sign3A_11 : i32
    %sign3A_13 = arith.extui %sign3A_12 : i1 to i32
    %sign3A_14 = arith.constant 0 : i32
    %sign3A_15 = arith.cmpi slt, %jit3A, %sign3A_14 : i32
    %sign3A_16 = arith.extui %sign3A_15 : i1 to i32
    %sign3A_17 = arith.subi %sign3A_13, %sign3A_16 : i32
    %ne3A = arith.cmpi ne, %sign3A_10, %sign3A_17 : i32
    %rem3A = arith.remsi %get3A_4, %jit3A : i32
    %ne3A_18 = arith.constant 0 : i32
    %ne3A_19 = arith.cmpi ne, %rem3A, %ne3A_18 : i32
    %and3A = arith.andi %ne3A, %ne3A_19 : i1
    %sub3A = arith.constant 1 : i32
    %sub3A_20 = arith.subi %div3A, %sub3A : i32
    %select_n3A = arith.select %and3A, %sub3A_20, %div3A : i32
    %c0_i32 = arith.constant 0 : i32
    %c0_i32_21 = arith.constant 0 : i32
    return %get3A_0, %get3A_2, %select_n3A, %c0_i32 : i32, i32, i32, i32
  }
  func.func @transform_1(%arg0: i32, %arg1: memref<128xi32, #tpu.memory_space<smem>>, %arg2: memref<128xi32, #tpu.memory_space<smem>>, %arg3: memref<128xi32, #tpu.memory_space<smem>>, %arg4: memref<128xi32, #tpu.memory_space<smem>>) -> (i32, i32, i32) {
    %c0_i32 = arith.constant 0 : i32
    %c0_i32_0 = arith.constant 0 : i32
    %c0_i32_1 = arith.constant 0 : i32
    return %arg0, %c0_i32, %c0_i32_0 : i32, i32, i32
  }
  func.func @transform_2(%arg0: i32, %arg1: memref<128xi32, #tpu.memory_space<smem>>, %arg2: memref<128xi32, #tpu.memory_space<smem>>, %arg3: memref<128xi32, #tpu.memory_space<smem>>, %arg4: memref<128xi32, #tpu.memory_space<smem>>) -> (i32, i32) {
    %c0_i32 = arith.constant 0 : i32
    %c0_i32_0 = arith.constant 0 : i32
    %c0_i32_1 = arith.constant 0 : i32
    return %c0_i32, %c0_i32_0 : i32, i32
  }
}

</mosaic_0001>

<sc_bundles>
// kernel: kernel.4.cloned.1.call-start
scs
__scs_entry_jumppad:
0x0: {  	(pc) =	sbr.rel $0x88, $3  }
0x1: {  	(tag) =	ssettag $0x0;
	lr =	simm.s32 $0x1  }
0x2: {  	[smem:$0x3F9D] =	sst lr;
	_ =	strace $0xD0000000  }
0x3: {  	_ = 	snop  }
0x4: {  	_ = 	snop  }
0x5: {  	_ = 	snop  }
0x6: {  	_ = 	snop  }
0x7: {  	_ = 	snop  }
__scs_overlays_trampoline_lowered:
0x8: {  	[smem:$0x3FAC] =	sst s0  }
0x9: {  	[smem:$0x3FAD] =	sst s1  }
0xa: {  	[smem:$0x3FAE] =	sst s2  }
0xb: {  	[smem:$0x3FAF] =	sst s3  }
0xc: {  	[smem:$0x3FB0] =	sst s4  }
0xd: {  	[smem:$0x3FB1] =	sst s5  }
0xe: {  	[smem:$0x3FB2] =	sst s6  }
0xf: {  	[smem:$0x3FB3] =	sst s7  }
0x10: {  	[smem:$0x3FB4] =	sst s8  }
0x11: {  	[smem:$0x3FB5] =	sst s9;
	s0 =	simm.s32 @!p0 $0x0  }
0x12: {  	s1 =	sld [smem:$0x3F9B];
	s0 =	simm.s32 @p0 $0x1  }
0x13: {  	[smem:$0x3FB6] =	sst s0;
	s0 =	simm.s32 @!p1 $0x0  }
0x14: {  	s2 =	sld [smem:$0x3F9A];
	s0 =	simm.s32 @p1 $0x1  }
0x15: {  	[smem:$0x3FB7] =	sst s0;
	s0 =	simm.s32 @!p2 $0x0  }
0x16: {  	s3 =	sld [smem:$0x3FDB];
	s0 =	simm.s32 @p2 $0x1  }
0x17: {  	s4 =	simm.s32 $0x1BF5;
	[smem:$0x3FB9] =	sst s0  }
0x18: {  	s0 =	sld [smem:$0x3F9C];
	_ =	swait.ge [sflag:s4], $0x0  }
0x19: {  	s7 =	sld [smem:$0x3F9D]  }
0x1a: {  	s8 =	sadd.s32 $0xFFFFE003, lr  }
0x1b: {  	s9 =	sadd.s32 $0xFFFFFEF7, lr;
	s5 =	simm.s32 $0xFFFFFFFF;
	p2 =	slt.u32 s8, $0xFFFFF086  }
0x1c: {  	p1 =	slt.u32 s9, $0xF7A;
	s5 =	simm.s32 @!p2 $0x0  }
0x1d: {  	s5 =	simm.s32 @p1 $0x1;
	p0 =	seq.s32 s7, s2  }
0x1e: {  	s7 =	smul.u32 @!p0 $0xF7A, s2;
	p2 =	seq.s32 @!p0 s5, $0x0  }
0x1f: {  	s9 =	smul.u32 $0xF7A, s1;
	s8 =	simm.s32 @!p0 $0x1BF5;
	p2 =	por !p2, p0  }
0x20: {  	[sflag:s8] =	ssyncset.s32 @!p0 $0xFFFFF086;
	s6 =	sadd.s32 @!p0 s3, s7;
	s7 =	simm.s32 @!p0 $0x108  }
0x21: {  	s3 =	sadd.s32 s3, s9;
	s6 =	sadd.s32 @!p0 $0x88, s6;
	s7 =	simm.s32 @p2 $0x1082  }
0x22: {  	[simem:s7], [sflag:s8] =	dma.local @!p0 [hbm:s6], $0xF7A  }
0x23: {  	s9 =	sor.u32 $0xD0000000, s2;
	s6 =	simm.s32 $0x108;
	_ =	swait.ge @!p0 [sflag:s8], $0x0  }
0x24: {  	s3 =	sadd.s32 $0x88, s3;
	s6 =	simm.s32 @!p1 $0x1082;
	[sflag:s4] =	ssyncset.s32 $0xFFFFF086  }
0x25: {  	[simem:s6], [sflag:s4] =	dma.local [hbm:s3], $0xF7A  }
0x26: {  	[smem:$0x3F9D] =	sst s1;
	(tag) =	ssettag s2;
	_ =	strace s9  }
0x27: {  	s1 =	sld [smem:$0x3FAD]  }
0x28: {  	s2 =	sld [smem:$0x3FAE]  }
0x29: {  	s4 =	sld [smem:$0x3FB0]  }
0x2a: {  	p0 =	seq.s32 s5, $0x0;
	s5 =	sld [smem:$0x3FB1]  }
0x2b: {  	s6 =	sld [smem:$0x3FB2]  }
0x2c: {  	s7 =	sld [smem:$0x3FB3]  }
0x2d: {  	s3 =	simm.s32 $0x108;
	s8 =	sld [smem:$0x3FB4]  }
0x2e: {  	s3 =	simm.s32 @!p0 $0x1082;
	s9 =	sld [smem:$0x3FB5]  }
0x2f: {  	lr =	sadd.s32 s0, s3;
	s0 =	sld [smem:$0x3FAC]  }
0x30: {  	s3 =	sld [smem:$0x3FAF]  }
0x31: {  	[smem:$0x3FB8] =	sst s10  }
0x32: {  	s10 =	sld [smem:$0x3FB6];
	_ =	sdelay $0x3  }
0x33: {  	p0 =	seq.s32 s10, $0x1;
	s10 =	sld [smem:$0x3FB8];
	_ =	sdelay $0x3  }
0x34: {  	[smem:$0x3FB8] =	sst s10  }
0x35: {  	s10 =	sld [smem:$0x3FB7];
	_ =	sdelay $0x3  }
0x36: {  	p1 =	seq.s32 s10, $0x1;
	s10 =	sld [smem:$0x3FB8];
	_ =	sdelay $0x3  }
0x37: {  	[smem:$0x3FB8] =	sst s10  }
0x38: {  	s10 =	sld [smem:$0x3FB9]  }
0x39: {  	_ = 	snop;
	(pc) =	sbr.ind lr, $3  }
0x3a: {  	_ = 	snop  }
0x3b: {  	_ = 	snop  }
0x3c: {  	p2 =	seq.s32 s10, $0x1;
	s10 =	sld [smem:$0x3FB8]  }
0x3d: {  	_ =	shalt  }
0x3e: {  	_ =	shalt  }
0x3f: {  	_ =	shalt  }
0x40: {  	_ =	shalt  }
0x41: {  	_ =	shalt  }
0x42: {  	_ =	shalt  }
0x43: {  	_ =	shalt  }
0x44: {  	_ =	shalt  }
0x45: {  	_ =	shalt  }
0x46: {  	_ =	shalt  }
0x47: {  	_ =	shalt  }
0x48: {  	_ =	shalt  }
0x49: {  	_ =	shalt  }
0x4a: {  	_ =	shalt  }
0x4b: {  	_ =	shalt  }
0x4c: {  	_ =	shalt  }
0x4d: {  	_ =	shalt  }
0x4e: {  	_ =	shalt  }
0x4f: {  	_ =	shalt  }
0x50: {  	_ =	shalt  }
0x51: {  	_ =	shalt  }
0x52: {  	_ =	shalt  }
0x53: {  	_ =	shalt  }
0x54: {  	_ =	shalt  }
0x55: {  	_ =	shalt  }
0x56: {  	_ =	shalt  }
0x57: {  	_ =	shalt  }
0x58: {  	_ =	shalt  }
0x59: {  	_ =	shalt  }
0x5a: {  	_ =	shalt  }
0x5b: {  	_ =	shalt  }
0x5c: {  	_ =	shalt  }
0x5d: {  	_ =	shalt  }
0x5e: {  	_ =	shalt  }
0x5f: {  	_ =	shalt  }
0x60: {  	_ =	shalt  }
0x61: {  	_ =	shalt  }
0x62: {  	_ =	shalt  }
0x63: {  	_ =	shalt  }
0x64: {  	_ =	shalt  }
0x65: {  	_ =	shalt  }
0x66: {  	_ =	shalt  }
0x67: {  	_ =	shalt  }
0x68: {  	_ =	shalt  }
0x69: {  	_ =	shalt  }
0x6a: {  	_ =	shalt  }
0x6b: {  	_ =	shalt  }
0x6c: {  	_ =	shalt  }
0x6d: {  	_ =	shalt  }
0x6e: {  	_ =	shalt  }
0x6f: {  	_ =	shalt  }
0x70: {  	_ =	shalt  }
0x71: {  	_ =	shalt  }
0x72: {  	_ =	shalt  }
0x73: {  	_ =	shalt  }
0x74: {  	_ =	shalt  }
0x75: {  	_ =	shalt  }
0x76: {  	_ =	shalt  }
0x77: {  	_ =	shalt  }
0x78: {  	_ =	shalt  }
0x79: {  	_ =	shalt  }
0x7a: {  	_ =	shalt  }
0x7b: {  	_ =	shalt  }
0x7c: {  	_ =	shalt  }
0x7d: {  	_ =	shalt  }
0x7e: {  	_ =	shalt  }
0x7f: {  	_ =	shalt  }
0x80: {  	_ =	shalt  }
0x81: {  	_ =	shalt  }
0x82: {  	_ =	shalt  }
0x83: {  	_ =	shalt  }
0x84: {  	_ =	shalt  }
0x85: {  	_ =	shalt  }
0x86: {  	_ =	shalt  }
0x87: {  	_ =	shalt  }
.Lfunc_end0:
.L_simem_size_0:
called_computation_lowered:
.L_overlay_start_0:
0x88: {  	s2 =	sld [smem:$0x3FD9]  }
0x89: {  	s3 =	sld [smem:$0x3FFE];
	_ =	sdelay $0x1  }
0x8a: {  	s1 =	srdreg.scid  }
0x8b: {  	s0 =	sand.u32 $0x1, s1  }
0x8c: {  	s17 =	sshll.u32 s0, $0xA;
	s2 =	sadd.s32 s3, s2  }
0x8d: {  	s2 =	sadd.s32 s2, s17  }
0x8e: {  	[smem:$0x3FC4] =	sst s2  }
0x8f: {  	_ = 	snop  }
0x90: {  	s2 =	sld [smem:$0x3FC9]  }
0x91: {  	s18 =	sld [smem:$0x3FD0];
	(tm) =	ssettm $0x1  }
0x92: {  	s4 =	sld [smem:$0x3FFB];
	_ =	sdelay $0x3  }
0x93: {  	_ =	strace s4  }
0x94: {  	s4 =	sld [smem:$0x3FFC];
	_ =	sdelay $0x3  }
0x95: {  	_ =	strace s4  }
0x96: {  	s4 =	sld [smem:$0x3FFD];
	_ =	sdelay $0x3  }
0x97: {  	_ =	strace s4  }
0x98: {  	_ =	strace $0x8FFFFFFF  }
0x99: {  	s19 =	sld [smem:$0x3FDB];
	_ =	sdelay $0x1  }
0x9a: {  	s5 =	simm.s32 $_scs_section_size  }
0x9b: {  	s6 =	simm.s32 $_size__tile_overlayer_lowered;
	s7 =	simm.s32 $_tile_overlayer_lowered  }
0x9c: {  	s22 =	simm.s32 $0x1BFF;
	s21 =	sshll.u32 s7, $0x1;
	s4 =	sadd.s32 s5, s19  }
0x9d: {  	s8 =	simm.s32 $0x0;
	s20 =	sshll.u32 s6, $0x1;
	s6 =	sadd.s32 s21, s4  }
0x9e: {  	[timem:s8], [sflag:s22] =	dma.local [hbm:s6], s20  }
0x9f: {  	_ =	swait.ge [sflag:s22], s20  }
0xa0: {  	s5 =	ssub.s32 $0x0, s20;
	[sflag:s22] =	ssyncset.done $0x0  }
0xa1: {  	[sflag:s22] =	ssyncadd.s32 s5;
	_ =	sdelay $0x1  }
0xa2: {  	s23 =	simm.s32 $0x1B8B  }
0xa3: {  	_ =	swait.ge [sflag:s23], $0x1  }
0xa4: {  	[sflag:s23] =	ssyncset.done $0x0  }
0xa5: {  	s25 =	simm.s32 $0x1B8E;
	s24 =	sld [smem:$0x3FFE];
	[sflag:s23] =	ssyncadd.s32 $0xFFFFFFFF  }
0xa6: {  	s26 =	simm.s32 $execute0_lowered;
	[smem:$0x3FD2] =	sst s25  }
0xa7: {  	s6 =	sshll.u32 s26, $0x1;
	_ =	strace $0x80000046;
	[dreg:$0x1] =	wrdreg $0xFFFFFFFF  }
0xa8: {  	s28 =	simm.s32 $_size_execute0_lowered;
	s4 =	sadd.s32 s4, s6;
	[dreg:$0x0] =	wrdreg $0x0  }
0xa9: {  	s6 =	sshll.u32 s28, $0x1;
	[dreg:$0x2] =	wrdreg s4  }
0xaa: {  	[dreg:$0x3] =	wrdreg s6  }
0xab: {  	[dreg:$0x4] =	wrdreg $0xC0  }
0xac: {  	_ =	task [dreg:s8], $0x5FFFF  }
0xad: {  	[dreg:$0x1] =	wrdreg $0xFFFFFFFF  }
0xae: {  	[dreg:$0x0] =	wrdreg $0x60  }
0xaf: {  	[dreg:$0x2] =	wrdreg s2  }
0xb0: {  	[dreg:$0x3] =	wrdreg s24  }
0xb1: {  	[dreg:$0x4] =	wrdreg s18  }
0xb2: {  	[dreg:$0x5] =	wrdreg $0x104000  }
0xb3: {  	[dreg:$0x6] =	wrdreg $0x9  }
0xb4: {  	_ =	task.clear_ibuf [dreg:s8], $0x7FFFF;
	_ =	strace $0x90000046  }
0xb5: {  	s29 =	simm.s32 $0x9;
	_ =	strace $0x80000048  }
0xb6: {  	_ =	swait.ge [sflag:s29], $0x1  }
0xb7: {  	[sflag:s29] =	ssyncadd.s32 $0xFFFFFFFF  }
0xb8: {  	_ =	strace $0x90000048  }
0xb9: {  	_ =	sfence  }
0xba: {  	s30 =	sld [smem:$0x0];
	_ =	sdelay $0x2  }
0xbb: {  	s31 =	sshll.u32 s1, $0xD;
	s1 =	sshrl.u32 s1, $0x2  }
0xbc: {  	s3 =	sand.u32 $0x4000, s31;
	s1 =	sadd.s32 s1, s30  }
0xbd: {  	s0 =	sor.u32 s3, s0;
	s1 =	sshll.u32 s1, $0x11  }
0xbe: {  	s0 =	sor.u32 s1, s0  }
0xbf: {  	s0 =	sadd.s32 $0x8F2B, s0  }
0xc0: {  	[sflag:s0] =	ssyncadd.remote.s32 $0x1  }
0xc1: {  	_ =	sfence.sel $0xFFFF  }
0xc2: {  	[dreg:$0x0] =	wrdreg $0xFFFFFFFF;
	(pc) =	sbr.abs _section_cstart, $3  }
0xc3: {  	[dreg:$0x1] =	wrdreg $0xFFFFFFFF  }
0xc4: {  	_ =	task.clear_ibuf [dreg:s8], $0x2FFFF;
	_ =	strace $0x9FFFFFFF  }
0xc5: {  	(tm) =	ssettm $0x7FFFFFFF  }
tec
execute0_lowered:
.L_overlay_start_1:
0x0: {  	(tag) =	ssettag $0x1  }
0x1: {  	s1 =	srdreg.scid;
	v0 =	vimm.s32 $0x3020100  }
0x2: {  	s0 =	rddreg [dreg:$0x0];
	s8 =	stileid.u32;
	s5 =	sand.u32 $0x1, s1;
	v0 =	vunpack.c.0.s8.s32 v0  }
0x3: {  	s6 =	rddreg [dreg:$0x1];
	vm0 =	vcmask $0xF00;
	s3 =	sshll.u32 s8, $0x2;
	s1 =	sshll.u32 s5, $0x6  }
0x4: {  	s2 =	rddreg [dreg:$0x2];
	s7 =	sor.u32 s3, s1;
	v1 =	vnsel vm0, $0x3, v0  }
0x5: {  	s4 =	simm.s32 $0x0;
	vm2 =	vcmask $0x70C;
	s11 =	simm.s32 $0x1;
	s12 =	simm.s32 $0x10280;
	v0 =	vor.u32 s7, v1  }
0x6: {  	vm3 =	vcmask $0xB10;
	s13 =	simm.s32 $0x0;
	[smem:$0x7FF] =	sst s4;
	p0 =	sne.s32 s8, $0x0;
	v4 =	vmov s7;
	v2 =	vand.u32 $0x1F, v0  }
.Ltmp0:
0x7: {  	s8 =	simm.s32 $0x2;
	s31 =	ssub.s32 $0x2, s5;
	vm0 =	veq.s32 v4, v1;
	v1 =	vshll.u32 v0, $0x2;
	vm1 =	vne.s32 v2, $0x0;
	(pc) =	sbr.rel .LBB2_1-.Ltmp0, $4  }
0x8: {  	s9 =	sshll.u32 s5, $0x4;
	s5 =	sadd.s32 $0xA00, s6;
	s3 =	rddreg [dreg:$0x3];
	v6 =	vshrl.u32 v4, $0x5;
	v2 =	vimm.s32 $0x0;
	vm0 =	vmand vm0, vm1  }
0x9: {  	s1 =	rddreg [dreg:$0x4];
	_ =	strace $0x80000047;
	s10 =	sshrl.u32 s31, $0x1;
	v3 =	vor.u32 $0x1, v1;
	v4 =	vor.u32 $0x2, v1;
	v7 =	vsel vm0, $0xFFFFFFFF, v2  }
0xa: {  	s6 =	sadd.s32 s9, s6;
	s9 =	simm.s32 $0x200;
	s7 =	ssub.s32 s31, s10;
	v5 =	vor.u32 $0x3, v1;
	vm1 =	vcmask $0x308;
	v6 =	vadd.s32 v7, v6  }
0xb: {  	s6 =	sadd.s32 $0xC00, s6;
	s10 =	simm.s32 $0x10380;
	s7 =	smax.u32 s7, $0x1;
	vm0 =	vmmov $0x1;
	v7 =	vlaneseq.u32;
	v6 =	vmul.u32 $0x50, v6  }
.LBB2_51:
0xc: {  	v13 =	vimm.f32 $0.0e+00;
	v11 =	vimm.f32 $-1.000000000e+09  }
.LBB2_62:
0xd: {  	(xrf2) =	vadd.scan.msk.f32 $0xffff, v13;
	_ =	sdelay $0x2  }
0xe: {  	(xrf0) =	vmax.scan.msk.f32 $0xffff, v11;
	_ =	sdelay $0x4  }
0xf: {  	s18 =	ssub.s32 s19, s18;
	s25 =	ssub.s32 s21, s20  }
0x10: {  	s18 =	sadd.s32 $0x1, s18;
	s19 =	sadd.s32 $0x1, s25;
	v9, _, _ =	vpop (xrf0)  }
0x11: {  	s18 =	smul.u32 s19, s18;
	(v2sf) =	vpush v9, $0xF;
	v62, _, _ =	vpop (xrf2)  }
0x12: {  	(v2sf) =	vpush v62, $0xF  }
0x13: {  	s18 =	scvt.s32.f32 s18;
	_ =	sdelay $0x1  }
0x14: {  	s18 =	ssub.f32 $1.638400000e+04, s18;
	_ =	sdelay $0x1  }
0x15: {  	s18 =	sadd.f32 $1.000000010e-07, s18;
	_ =	sdelay $0x1  }
0x16: {  	v63 =	vmov s18  }
0x17: {  	(erf) = vrcp.f32 v63;
	_ =	sdelay $0x5  }
0x18: {  	s14 =	ssub.f32 s14, s16;
	s26 =	spop (v2sf)  }
0x19: {  	s15 =	ssub.f32 $3.000000120e-01, s15;
	s28 =	spop (v2sf)  }
0x1a: {  	v8 =	vmul.f32 s14, v8;
	s29 =	ssub.f32 s17, s28  }
0x1b: {  	s15 =	smax.f32 s15, $0.0e+00;
	v9 =	vpop (erf);
	s30 =	ssub.f32 $3.000000120e-01, s26  }
0x1c: {  	v8 =	vadd.f32 s15, v8;
	v9 =	vmul.f32 s29, v9  }
0x1d: {  	s31 =	smax.f32 s30, $0.0e+00  }
0x1e: {  	v8 =	vmul.f32 $1.562500000e-02, v8;
	v9 =	vadd.f32 s31, v9;
	_ =	sdelay $0x1  }
0x1f: {  	v8 =	vnsel vm0, $0x0, v8;
	v9 =	vmul.f32 $1.562500000e-02, v9  }
0x20: {  	v8 =	vadd.f32 v8, v12  }
0x21: {  	v9 =	vnsel vm0, $0x0, v9  }
0x22: {  	v8 =	vadd.f32 v9, v8;
	_ =	sdelay $0x1  }
0x23: {  	[tilespmem:$0x10280] =	vst v8  }
0x24: {  	[bflag:$0x0] =	sbarrier.arrive $0xFFFF  }
0x25: {  	[spmem:s3] =	stream.indirect.scatter.add.f32 [tilespmem:s12], [sflag:$0x2], $0x10, s10, s11, $0xb8;
	[tilespmem:$0x10408] =	vst v63  }
0x26: {  	_ =	swait.ge [sflag:s8], $0x10  }
0x27: {  	[sflag:s8] =	ssyncset.done $0x0  }
0x28: {  	[sflag:s8] =	ssyncadd.s32 $0xFFFFFFF0  }
0x29: {  	s14 =	simm.s32 @!p0 $0x10300;
	s15 =	simm.s32 @!p0 $0x2;
	[bflag:$0x0] =	sbarrier.arrive $0xFFFF  }
0x2a: {  	[tilespmem:s14], [sflag:$0x2] =	stream.linear.gather @!p0 [spmem:s3], $0x80, $0x38;
	[tilespmem:$0x10408] =	vst v63  }
0x2b: {  	_ =	swait.ge @!p0 [sflag:s15], $0x80  }
0x2c: {  	[sflag:s15] =	ssyncset.done @!p0 $0x0  }
0x2d: {  	[sflag:s15] =	ssyncadd.s32 @!p0 $0xFFFFFF80  }
0x2e: {  	v8 =	vld @!p0 [tilespmem:$0x10300];
	_ =	sdelay $0x4  }
0x2f: {  	(xrf2) =	vadd.scan.msk.f32 @!p0 $0xffff, v8;
	_ =	sdelay $0x9  }
0x30: {  	v8, _, _ =	vpop @!p0 (xrf2)  }
0x31: {  	v8 =	vbroadcast @!p0 v8, $0xF  }
0x32: {  	vm4 =	vmmov @!p0 $0x1;
	s13 =	sadd.s32 $0x1, s13  }
0x33: {  	p1 =	sne.s32 s13, s7;
	v8 =	vnsel @!p0 vm4, $0x0, v8  }
.Ltmp1:
0x34: {  	s16 =	simm.s32 @!p0 $0x0;
	[tilespmem:$0x10300] =	vst @!p0 v8;
	(pc) =	sbr.rel @!p1 .LBB2_63-.Ltmp1, $4  }
0x35: {  	[hbm4b:s6+s16] =	stream.linear.scatter @!p0 [tilespmem:s14], [sflag:$0x2], $0x80, $0x38;
	[tilespmem:$0x10408] =	vst v63  }
0x36: {  	_ =	swait.ge @!p0 [sflag:s15], $0x80  }
0x37: {  	[sflag:s15] =	ssyncset.done @!p0 $0x0  }
0x38: {  	[sflag:s15] =	ssyncadd.s32 @!p0 $0xFFFFFF80  }
.LBB2_1:
0x39: {  	[tilespmem:s4], [sflag:$0x2] =	stream.linear.gather [hbm4b:s5+s4], $0x200, $0x38;
	[tilespmem:$0x10408] =	vst v63  }
0x3a: {  	_ =	swait.ge [sflag:s8], $0x200  }
0x3b: {  	[sflag:s8] =	ssyncset.done $0x0  }
0x3c: {  	[sflag:s8] =	ssyncadd.s32 $0xFFFFFE00  }
0x3d: {  	[tilespmem:s9], [sflag:$0x2] =	stream.linear.gather [hbm4b:s2+s4], $0x80, $0x38;
	[tilespmem:$0x10408] =	vst v63  }
0x3e: {  	_ =	swait.ge [sflag:s8], $0x80  }
0x3f: {  	[sflag:s8] =	ssyncset.done $0x0  }
0x40: {  	[sflag:s8] =	ssyncadd.s32 $0xFFFFFF80  }
0x41: {  	v8 =	vimm.f32 @!p0 $0.0e+00;
	[tilespmem:v7+s10+$0x0] =	vst.idx.msk $0x1, v2  }
0x42: {  	s14 =	simm.s32 @!p0 $0x10300;
	[tilespmem:$0x10300] =	vst @!p0 v8  }
0x43: {  	[spmem:s3] =	stream.linear.scatter @!p0 [tilespmem:s14], [sflag:$0x2], $0x80, $0x38;
	[tilespmem:$0x10408] =	vst v63  }
0x44: {  	s14 =	simm.s32 @!p0 $0x2  }
0x45: {  	_ =	swait.ge @!p0 [sflag:s14], $0x80  }
0x46: {  	[sflag:s14] =	ssyncset.done @!p0 $0x0  }
0x47: {  	[sflag:s14] =	ssyncadd.s32 @!p0 $0xFFFFFF80  }
0x48: {  	v8 =	vld.idx.msk [tilespmem:v0+s9+$0x0], $0xffff;
	_ =	sdelay $0x4  }
0x49: {  	v8 =	vadd.s32 v6, v8  }
0x4a: {  	v12 =	vshll.u32 v8, $0xE  }
0x4b: {  	v8 =	vnsel vm0, $0x0, v12  }
0x4c: {  	(xrf0) =	vadd.scan.msk.s32 $0xffff, v8;
	_ =	sdelay $0x5  }
0x4d: {  	v8, _, _ =	vpop (xrf0)  }
0x4e: {  	(v2sf) =	vpush v8, $0xF;
	_ =	sdelay $0xe  }
0x4f: {  	s31 =	spop (v2sf)  }
0x50: {  	v10 =	vld.idx.msk [tilespmem:v3+s4+$0x0], $0xffff;
	s14 =	sshrl.u32 s31, $0x3  }
0x51: {  	v9 =	vld.idx.msk [tilespmem:v4+s4+$0x0], $0xffff;
	s14 =	sand.u32 $0x1FFFFFF0, s14  }
0x52: {  	s16 =	simm.s32 $0x10;
	v11 =	vld.idx.msk [tilespmem:v5+s4+$0x0], $0xffff;
	s15 =	sadd.s32 s0, s14  }
0x53: {  	s17 =	simm.s32 $0x480;
	v8 =	vld.idx.msk [tilespmem:v1+s4+$0x0], $0xffff;
	s14 =	simm.s32 $0x280;
	s18 =	sadd.s32 $0x0, s15  }
.LBB2_2:
0x54: {  	[tilespmem:s14], [sflag:$0x1] =	stream.linear.gather [hbm4b:s18+s4], $0x80, $0x38;
	[tilespmem:$0x10408] =	vst v63  }
0x55: {  	s18 =	smov.u32 s16;
	s14 =	smov.u32 s17;
	p1 =	sne.s32 s16, $0x7F0  }
.Ltmp2:
0x56: {  	s16 =	sadd.s32 $0x10, s16;
	(pc) =	sbr.rel @p1 .LBB2_2-.Ltmp2, $2  }
0x57: {  	_ =	sdelay $0x2  }
0x58: {  	s17 =	sadd.s32 $0x200, s17;
	s18 =	sadd.s32 s18, s15  }
0x59: {  	v13 =	vsel vm1, $0x0, v12  }
0x5a: {  	(xrf0) =	vadd.scan.msk.s32 $0xffff, v13;
	_ =	sdelay $0x5  }
0x5b: {  	v13, _, _ =	vpop (xrf0)  }
0x5c: {  	(v2sf) =	vpush v13, $0xF;
	_ =	sdelay $0xd  }
0x5d: {  	[tilespmem:s14], [sflag:$0x1] =	stream.linear.gather [hbm4b:s18+s4], $0x80, $0x38;
	[tilespmem:$0x10408] =	vst v63  }
0x5e: {  	s31 =	spop (v2sf)  }
0x5f: {  	s14 =	sshrl.u32 s31, $0x3  }
0x60: {  	s14 =	sand.u32 $0x1FFFFFF0, s14  }
0x61: {  	s16 =	simm.s32 $0x10;
	s15 =	sadd.s32 s0, s14  }
0x62: {  	s17 =	simm.s32 $0x500;
	s14 =	simm.s32 $0x300;
	s18 =	sadd.s32 $0x0, s15  }
.LBB2_4:
0x63: {  	[tilespmem:s14], [sflag:$0x1] =	stream.linear.gather [hbm4b:s18+s4], $0x80, $0x38;
	[tilespmem:$0x10408] =	vst v63  }
0x64: {  	s18 =	smov.u32 s16;
	s14 =	smov.u32 s17;
	p1 =	sne.s32 s16, $0x7F0  }
.Ltmp3:
0x65: {  	s16 =	sadd.s32 $0x10, s16;
	(pc) =	sbr.rel @p1 .LBB2_4-.Ltmp3, $2  }
0x66: {  	_ =	sdelay $0x2  }
0x67: {  	s17 =	sadd.s32 $0x200, s17;
	s18 =	sadd.s32 s18, s15  }
0x68: {  	v13 =	vsel vm2, $0x0, v12  }
0x69: {  	(xrf0) =	vadd.scan.msk.s32 $0xffff, v13;
	_ =	sdelay $0x5  }
0x6a: {  	v13, _, _ =	vpop (xrf0)  }
0x6b: {  	(v2sf) =	vpush v13, $0xF;
	_ =	sdelay $0xd  }
0x6c: {  	[tilespmem:s14], [sflag:$0x1] =	stream.linear.gather [hbm4b:s18+s4], $0x80, $0x38;
	[tilespmem:$0x10408] =	vst v63  }
0x6d: {  	s31 =	spop (v2sf)  }
0x6e: {  	s14 =	sshrl.u32 s31, $0x3  }
0x6f: {  	s14 =	sand.u32 $0x1FFFFFF0, s14  }
0x70: {  	s16 =	simm.s32 $0x10;
	s15 =	sadd.s32 s0, s14  }
0x71: {  	s17 =	simm.s32 $0x580;
	s14 =	simm.s32 $0x380;
	s18 =	sadd.s32 $0x0, s15  }
.LBB2_6:
0x72: {  	[tilespmem:s14], [sflag:$0x1] =	stream.linear.gather [hbm4b:s18+s4], $0x80, $0x38;
	[tilespmem:$0x10408] =	vst v63  }
0x73: {  	s18 =	smov.u32 s16;
	s14 =	smov.u32 s17;
	p1 =	sne.s32 s16, $0x7F0  }
.Ltmp4:
0x74: {  	s16 =	sadd.s32 $0x10, s16;
	(pc) =	sbr.rel @p1 .LBB2_6-.Ltmp4, $2  }
0x75: {  	_ =	sdelay $0x2  }
0x76: {  	s17 =	sadd.s32 $0x200, s17;
	s18 =	sadd.s32 s18, s15  }
0x77: {  	v12 =	vsel vm3, $0x0, v12  }
0x78: {  	(xrf0) =	vadd.scan.msk.s32 $0xffff, v12;
	_ =	sdelay $0x5  }
0x79: {  	v12, _, _ =	vpop (xrf0)  }
0x7a: {  	(v2sf) =	vpush v12, $0xF;
	_ =	sdelay $0xd  }
0x7b: {  	[tilespmem:s14], [sflag:$0x1] =	stream.linear.gather [hbm4b:s18+s4], $0x80, $0x38;
	[tilespmem:$0x10408] =	vst v63  }
0x7c: {  	s31 =	spop (v2sf)  }
0x7d: {  	s14 =	sshrl.u32 s31, $0x3  }
0x7e: {  	s14 =	sand.u32 $0x1FFFFFF0, s14  }
0x7f: {  	s15 =	simm.s32 $0x400;
	s14 =	sadd.s32 s0, s14  }
0x80: {  	s16 =	simm.s32 $0x10;
	s17 =	simm.s32 $0x600;
	s18 =	sadd.s32 $0x0, s14  }
.LBB2_8:
0x81: {  	[tilespmem:s15], [sflag:$0x1] =	stream.linear.gather [hbm4b:s18+s4], $0x80, $0x38;
	[tilespmem:$0x10408] =	vst v63  }
0x82: {  	s18 =	smov.u32 s16;
	s15 =	smov.u32 s17;
	p1 =	sne.s32 s16, $0x7F0  }
.Ltmp5:
0x83: {  	s16 =	sadd.s32 $0x10, s16;
	(pc) =	sbr.rel @p1 .LBB2_8-.Ltmp5, $2  }
0x84: {  	_ =	sdelay $0x2  }
0x85: {  	s17 =	sadd.s32 $0x200, s17;
	s18 =	sadd.s32 s18, s14  }
0x86: {  	[tilespmem:s15], [sflag:$0x1] =	stream.linear.gather [hbm4b:s18+s4], $0x80, $0x38;
	[tilespmem:$0x10408] =	vst v63  }
0x87: {  	_ =	swait.ge [sflag:s11], $0x4000  }
0x88: {  	[sflag:s11] =	ssyncset.done $0x0  }
0x89: {  	[sflag:s11] =	ssyncadd.s32 $0xFFFFC000  }
0x8a: {  	_ =	swait.ge [sflag:s11], $0x4000  }
0x8b: {  	[sflag:s11] =	ssyncset.done $0x0  }
0x8c: {  	[sflag:s11] =	ssyncadd.s32 $0xFFFFC000  }
0x8d: {  	_ =	swait.ge [sflag:s11], $0x4000  }
0x8e: {  	[sflag:s11] =	ssyncset.done $0x0  }
0x8f: {  	[sflag:s11] =	ssyncadd.s32 $0xFFFFC000  }
0x90: {  	_ =	swait.ge [sflag:s11], $0x4000  }
0x91: {  	[sflag:s11] =	ssyncset.done $0x0  }
0x92: {  	s14 =	simm.s32 $0x0;
	[sflag:s11] =	ssyncadd.s32 $0xFFFFC000  }
0x93: {  	v12 =	vld [tilespmem:s14+$0x280];
	_ =	sdelay $0x1  }
0x94: {  	v13 =	vld [tilespmem:s14+$0x290];
	_ =	sdelay $0x1  }
0x95: {  	v14 =	vld [tilespmem:s14+$0x2A0]  }
0x96: {  	v12 =	vmul.f32 v12, v12  }
0x97: {  	v15 =	vimm.f32 $0.0e+00;
	v16 =	vld [tilespmem:s14+$0x2B0]  }
0x98: {  	v13 =	vmul.f32 v13, v13;
	v12 =	vadd.f32 v12, v15;
	_ =	sdelay $0x1  }
0x99: {  	v15 =	vld [tilespmem:s14+$0x2C0];
	v12 =	vadd.f32 v13, v12;
	v13 =	vmul.f32 v14, v14;
	_ =	sdelay $0x1  }
0x9a: {  	v17 =	vld [tilespmem:s14+$0x2D0];
	v12 =	vadd.f32 v13, v12;
	v13 =	vmul.f32 v16, v16;
	_ =	sdelay $0x1  }
0x9b: {  	v14 =	vadd.f32 v13, v12;
	v13 =	vld [tilespmem:s14+$0x2E0]  }
0x9c: {  	v15 =	vmul.f32 v15, v15  }
0x9d: {  	v12 =	vld [tilespmem:s14+$0x2F0]  }
0x9e: {  	s15 =	simm.s32 $0x1000;
	s14 =	simm.s32 $0x200;
	v14 =	vadd.f32 v15, v14;
	v15 =	vmul.f32 v17, v17  }
.LBB2_10:
0x9f: {  	p1 =	sne.s32 s15, $0x3F800;
	v16 =	vld [tilespmem:s14+$0x280]  }
0xa0: {  	v14 =	vadd.f32 v15, v14;
	v13 =	vmul.f32 v13, v13  }
0xa1: {  	v15 =	vld [tilespmem:s14+$0x290]  }
0xa2: {  	v13 =	vadd.f32 v13, v14;
	v12 =	vmul.f32 v12, v12  }
0xa3: {  	v14 =	vld [tilespmem:s14+$0x2A0]  }
0xa4: {  	v16 =	vmul.f32 v16, v16;
	v12 =	vadd.f32 v12, v13  }
0xa5: {  	v13 =	vld [tilespmem:s14+$0x2B0]  }
0xa6: {  	v12 =	vadd.f32 v16, v12;
	v15 =	vmul.f32 v15, v15  }
0xa7: {  	v16 =	vld [tilespmem:s14+$0x2C0]  }
0xa8: {  	v12 =	vadd.f32 v15, v12;
	v14 =	vmul.f32 v14, v14  }
0xa9: {  	v15 =	vld [tilespmem:s14+$0x2D0]  }
.Ltmp6:
0xaa: {  	v12 =	vadd.f32 v14, v12;
	v14 =	vmul.f32 v13, v13;
	(pc) =	sbr.rel @p1 .LBB2_10-.Ltmp6, $4  }
0xab: {  	v13 =	vld [tilespmem:s14+$0x2E0]  }
0xac: {  	v14 =	vadd.f32 v14, v12;
	v16 =	vmul.f32 v16, v16  }
0xad: {  	v12 =	vld [tilespmem:s14+$0x2F0]  }
0xae: {  	s14 =	sshra.s32 s15, $0x2;
	s15 =	sadd.s32 $0x800, s15;
	v14 =	vadd.f32 v16, v14;
	v15 =	vmul.f32 v15, v15  }
0xaf: {  	v16 =	vld [tilespmem:s14+$0x280]  }
0xb0: {  	v14 =	vadd.f32 v15, v14;
	v13 =	vmul.f32 v13, v13  }
0xb1: {  	v15 =	vld [tilespmem:s14+$0x290]  }
0xb2: {  	v13 =	vadd.f32 v13, v14;
	v12 =	vmul.f32 v12, v12  }
0xb3: {  	v14 =	vld [tilespmem:s14+$0x2A0]  }
0xb4: {  	v16 =	vmul.f32 v16, v16;
	v12 =	vadd.f32 v12, v13  }
0xb5: {  	v13 =	vld [tilespmem:s14+$0x2B0]  }
0xb6: {  	v15 =	vmul.f32 v15, v15;
	v12 =	vadd.f32 v16, v12  }
0xb7: {  	v10 =	vmul.f32 $1.280000000e+02, v10;
	v11 =	vmul.f32 $1.280000000e+02, v11;
	v16 =	vld [tilespmem:s14+$0x2C0]  }
0xb8: {  	v14 =	vmul.f32 v14, v14;
	v12 =	vadd.f32 v15, v12  }
0xb9: {  	v10 =	vtrunc.f32 v10;
	v11 =	vtrunc.f32 v11;
	v15 =	vld [tilespmem:s14+$0x2D0]  }
0xba: {  	v10 =	vcvt.f32.s32 v10;
	v13 =	vmul.f32 v13, v13;
	v12 =	vadd.f32 v14, v12  }
0xbb: {  	v11 =	vcvt.f32.s32 v11;
	v14 =	vld [tilespmem:s14+$0x2E0]  }
0xbc: {  	vm4 =	vgt.s32 v10, $0x0;
	v12 =	vadd.f32 v13, v12;
	v13 =	vmul.f32 v16, v16  }
0xbd: {  	v8 =	vmul.f32 $1.280000000e+02, v8;
	v9 =	vmul.f32 $1.280000000e+02, v9;
	v10 =	vnsel vm4, $0x0, v10;
	v16 =	vld [tilespmem:s14+$0x2F0]  }
0xbe: {  	vm4 =	vgt.s32 v11, $0x0;
	v12 =	vadd.f32 v13, v12;
	v13 =	vmul.f32 v15, v15  }
0xbf: {  	v8 =	vtrunc.f32 v8;
	v9 =	vtrunc.f32 v9;
	v11 =	vnsel vm4, $0x0, v11  }
0xc0: {  	v15 =	vcvt.f32.s32 v9;
	v12 =	vadd.f32 v13, v12;
	v13 =	vmul.f32 v14, v14  }
0xc1: {  	v9 =	vmin.u32 v11, $0x7F;
	v14 =	vcvt.f32.s32 v8;
	v8 =	vmin.u32 v10, $0x7F  }
0xc2: {  	vm5 =	vgt.s32 v15, $0x0;
	v12 =	vadd.f32 v13, v12;
	v13 =	vmul.f32 v16, v16  }
0xc3: {  	v10 =	vnsel vm0, $0x0, v8;
	v9 =	vmax.u32 v9, v8;
	vm4 =	vgt.s32 v14, $0x0  }
0xc4: {  	v11 =	vnsel vm4, $0x0, v14;
	v12 =	vadd.f32 v13, v12;
	v13 =	vnsel vm5, $0x0, v15  }
0xc5: {  	(xrf0) =	vadd.scan.msk.s32 $0xffff, v10;
	v10 =	vmin.u32 v11, $0x7F;
	v11 =	vmin.u32 v13, $0x7F;
	v13 =	vnsel vm0, $0x0, v9  }
0xc6: {  	(xrf0) =	vadd.scan.msk.s32 $0xffff, v13  }
0xc7: {  	(xrf2) =	vadd.scan.msk.f32 $0xffff, v12;
	v11 =	vmax.u32 v11, v10;
	v12 =	vnsel vm0, $0x0, v10  }
0xc8: {  	(xrf0) =	vadd.scan.msk.s32 $0xffff, v12;
	v12 =	vnsel vm0, $0x0, v11;
	_ =	sdelay $0x2  }
0xc9: {  	(xrf0) =	vadd.scan.msk.s32 $0xffff, v12;
	v12, _, _ =	vpop (xrf0)  }
0xca: {  	(v2sf) =	vpush v12, $0xF;
	v13, _, _ =	vpop (xrf0)  }
0xcb: {  	(v2sf) =	vpush v13, $0xF;
	_ =	sdelay $0x3  }
0xcc: {  	v15, _, _ =	vpop (xrf0)  }
0xcd: {  	(v2sf) =	vpush v15, $0xF;
	v16, _, _ =	vpop (xrf0)  }
0xce: {  	(v2sf) =	vpush v16, $0xF;
	v12, _, _ =	vpop (xrf2)  }
0xcf: {  	(v2sf) =	vpush v12, $0xF;
	_ =	sdelay $0x6  }
0xd0: {  	s15 =	spop (v2sf)  }
0xd1: {  	s16 =	spop (v2sf)  }
0xd2: {  	s31 =	sadd.s32 $0x1, s16  }
0xd3: {  	p1 =	sge.s32 s15, s31  }
.Ltmp7:
0xd4: {  	_ = 	snop;
	(pc) =	sbr.rel @p1 .LBB2_22-.Ltmp7, $4  }
0xd5: {  	_ = 	snop  }
0xd6: {  	s17 =	spop (v2sf)  }
0xd7: {  	s18 =	spop (v2sf)  }
0xd8: {  	v14 =	vimm.f32 $0.0e+00;
	v13 =	vimm.f32 $0.0e+00;
	v12 =	vimm.f32 $-1.000000000e+09;
	s14 =	spop (v2sf)  }
0xd9: {  	s19 =	sshra.s32 s17, $0x1F  }
0xda: {  	s20 =	sand.u32 $0xF, s17;
	p1 =	slt.s32 s17, $0x1;
	s30 =	sand.u32 $0xF, s18  }
0xdb: {  	p6 =	slt.s32 s18, $0x1;
	s31 =	sshra.s32 s18, $0x1F;
	s21 =	simm.s32 $0x1  }
0xdc: {  	s22 =	simm.s32 $0x1;
	s19 =	sshrl.u32 s19, $0x1C;
	p2 =	sne.s32 s20, $0x0  }
0xdd: {  	p3 =	sne.s32 s30, $0x0;
	s20 =	sshrl.u32 s31, $0x1C;
	s19 =	sadd.s32 s19, s17  }
0xde: {  	p1 =	por !p1, !p2;
	p2 =	por !p6, !p3;
	s20 =	sadd.s32 s20, s18  }
0xdf: {  	s19 =	sshra.s32 s19, $0x4;
	p3 =	por !p1, !p1;
	p1 =	por !p2, !p2  }
0xe0: {  	s20 =	sshra.s32 s20, $0x4;
	s21 =	simm.s32 @!p3 $0x0;
	s22 =	simm.s32 @!p1 $0x0  }
0xe1: {  	s21 =	ssub.s32 s19, s21;
	s20 =	ssub.s32 s20, s22  }
.Ltmp8:
0xe2: {  	p1 =	sgt.s32 s21, s20;
	(pc) =	sbr.rel .LBB2_13-.Ltmp8, $4  }
0xe3: {  	s22 =	simm.s32 $0xFFFFFFFF;
	s20 =	smov.u32 @p1 s21  }
0xe4: {  	s22 =	simm.s32 @!p3 $0x0;
	s19 =	ssub.s32 s20, s19  }
0xe5: {  	v15 =	vbroadcast v15, $0xF;
	s19 =	ssub.s32 s19, s22  }
0xe6: {  	v16 =	vbroadcast v16, $0xF;
	v12 =	vimm.f32 $-1.000000000e+09;
	v13 =	vimm.f32 $0.0e+00;
	s20 =	sshll.u32 s21, $0x4;
	s21 =	smov.u32 s15;
	s19 =	sadd.s32 $0x1, s19  }
.LBB2_15:
0xe7: {  	v18 =	vmov v12;
	v19 =	vmov v13;
	s22 =	smov.u32 s20  }
.LBB2_20:
0xe8: {  	v20 =	vnsel @p2 vm4, $0xCE6E6B28, v22  }
0xe9: {  	v21 =	vnsel @p2 vm4, $0x0, v21;
	v62 =	vor.u32 s22, v7;
	v63 =	vmul.f32 v17, v17  }
0xea: {  	v19 =	vadd.f32 @p2 v21, v19;
	vm4 =	vge.s32 v62, v15;
	vm5 =	vle.s32 v62, v16  }
0xeb: {  	v18 =	vmax.f32 @p2 v18, v20;
	vm4 =	vmand vm4, vm5  }
0xec: {  	v12 =	vpsel p2, v18, v12;
	v13 =	vpsel p2, v19, v13;
	v18 =	vnsel vm4, $0x0, v63  }
0xed: {  	v17 =	vnsel vm4, $0xCE6E6B28, v17;
	v13 =	vadd.f32 v18, v13  }
0xee: {  	v12 =	vmax.f32 v12, v17  }
.LBB2_21:
0xef: {  	p2 =	sne.s32 s21, s16  }
.Ltmp9:
0xf0: {  	_ = 	snop;
	(pc) =	sbr.rel @!p2 .LBB2_22-.Ltmp9, $3  }
0xf1: {  	_ =	sdelay $0x1  }
0xf2: {  	s22 =	sadd.s32 $0x1, s21  }
0xf3: {  	s21 =	smov.u32 s22  }
.LBB2_13:
.Ltmp10:
0xf4: {  	(pc) =	sbr.rel @p1 .LBB2_21-.Ltmp10, $1  }
0xf5: {  	_ =	sdelay $0x3  }
0xf6: {  	s22 =	sshrl.u32 s20, $0x7  }
0xf7: {  	s22 =	sadd.s32 s21, s22  }
0xf8: {  	s22 =	sshll.u32 s22, $0xB  }
0xf9: {  	s23 =	sand.u32 $0x70, s20;
	s22 =	sshra.s32 s22, $0x2  }
0xfa: {  	p3 =	sne.s32 s19, $0x1;
	s22 =	sor.u32 s23, s22  }
.Ltmp11:
0xfb: {  	v17 =	vld [tilespmem:s22+$0x280];
	(pc) =	sbr.rel @!p3 .LBB2_15-.Ltmp11, $2  }
0xfc: {  	_ =	sdelay $0x2  }
0xfd: {  	p2 =	por $0x0, $0x0;
	s23 =	sadd.s32 $0xFFFFFFFF, s19;
	s22 =	sadd.s32 $0x10, s20  }
0xfe: {  	s24 =	sshrl.u32 s22, $0x7;
	p3 =	sne.s32 s23, $0x1  }
.Ltmp12:
0xff: {  	s24 =	sadd.s32 s21, s24;
	(pc) =	sbr.rel @!p3 .LBB2_17-.Ltmp12, $4  }
0x100: {  	v18 =	vor.u32 s20, v7;
	s24 =	sshll.u32 s24, $0xB  }
0x101: {  	s25 =	sand.u32 $0x70, s22;
	s24 =	sshra.s32 s24, $0x2  }
0x102: {  	v21 =	vmul.f32 v17, v17;
	vm4 =	vge.s32 v18, v15;
	vm5 =	vle.s32 v18, v16;
	s24 =	sor.u32 s25, s24  }
0x103: {  	s23 =	sadd.s32 $0xFFFFFFFF, s23;
	p2 =	por $0x1, $0x1;
	v19 =	vmov v13;
	vm4 =	vmand vm4, vm5;
	v18 =	vmov v12;
	v20 =	vld [tilespmem:s24+$0x280];
	s24 =	sadd.s32 $0x10, s22  }
.LBB2_18:
0x104: {  	s25 =	sshrl.u32 s24, $0x7;
	p3 =	sne.s32 s23, $0x1;
	s23 =	sadd.s32 $0xFFFFFFFF, s23;
	v17 =	vnsel vm4, $0xCE6E6B28, v17;
	v21 =	vnsel vm4, $0x0, v21  }
.Ltmp13:
0x105: {  	s25 =	sadd.s32 s21, s25;
	v18 =	vmax.f32 v18, v17;
	v19 =	vadd.f32 v21, v19;
	(pc) =	sbr.rel @p3 .LBB2_18-.Ltmp13, $4  }
0x106: {  	s25 =	sshll.u32 s25, $0xB  }
0x107: {  	s26 =	sand.u32 $0x70, s24;
	v22 =	vor.u32 s22, v7;
	s22 =	smov.u32 s24;
	s25 =	sshra.s32 s25, $0x2  }
0x108: {  	vm4 =	vge.s32 v22, v15;
	vm5 =	vle.s32 v22, v16;
	s25 =	sor.u32 s26, s25;
	v21 =	vmul.f32 v20, v20;
	v17 =	vmovc v20  }
0x109: {  	s24 =	sadd.s32 $0x10, s24;
	vm4 =	vmand vm4, vm5;
	v20 =	vld [tilespmem:s25+$0x280]  }
.Ltmp14:
0x10a: {  	_ = 	snop;
	(pc) =	sbr.rel .LBB2_20-.Ltmp14, $2  }
0x10b: {  	_ =	sdelay $0x2  }
0x10c: {  	v22 =	vmov v17;
	v17 =	vmov v20  }
.LBB2_17:
.Ltmp15:
0x10d: {  	_ = 	snop;
	(pc) =	sbr.rel .LBB2_20-.Ltmp15, $2  }
0x10e: {  	_ =	sdelay $0x2  }
0x10f: {  	v22 =	vmovc v17;
	v18 =	vmov v12;
	v19 =	vmov v13;
	v17 =	vmov v20  }
.LBB2_22:
0x110: {  	s19 =	simm.s32 $0x0  }
0x111: {  	v15 =	vld [tilespmem:s19+$0x300];
	_ =	sdelay $0x1  }
0x112: {  	v16 =	vld [tilespmem:s19+$0x310];
	_ =	sdelay $0x1  }
0x113: {  	v17 =	vld [tilespmem:s19+$0x320]  }
0x114: {  	v15 =	vmul.f32 v15, v15  }
0x115: {  	v18 =	vld [tilespmem:s19+$0x330]  }
0x116: {  	v14 =	vadd.f32 v15, v14;
	v15 =	vmul.f32 v16, v16;
	_ =	sdelay $0x1  }
0x117: {  	v16 =	vld [tilespmem:s19+$0x340];
	v14 =	vadd.f32 v15, v14;
	v15 =	vmul.f32 v17, v17;
	_ =	sdelay $0x1  }
0x118: {  	v17 =	vld [tilespmem:s19+$0x350];
	v14 =	vadd.f32 v15, v14;
	v15 =	vmul.f32 v18, v18;
	_ =	sdelay $0x1  }
0x119: {  	v18 =	vadd.f32 v15, v14;
	v15 =	vld [tilespmem:s19+$0x360]  }
0x11a: {  	v16 =	vmul.f32 v16, v16  }
0x11b: {  	v14 =	vld [tilespmem:s19+$0x370]  }
0x11c: {  	s20 =	simm.s32 $0x1000;
	s19 =	simm.s32 $0x200;
	v17 =	vmul.f32 v17, v17;
	v16 =	vadd.f32 v16, v18  }
.LBB2_23:
0x11d: {  	p1 =	sne.s32 s20, $0x3F800;
	v18 =	vld [tilespmem:s19+$0x300]  }
0x11e: {  	v16 =	vadd.f32 v17, v16;
	v15 =	vmul.f32 v15, v15  }
0x11f: {  	v17 =	vld [tilespmem:s19+$0x310]  }
0x120: {  	v15 =	vadd.f32 v15, v16;
	v14 =	vmul.f32 v14, v14  }
0x121: {  	v16 =	vld [tilespmem:s19+$0x320]  }
0x122: {  	v18 =	vmul.f32 v18, v18;
	v14 =	vadd.f32 v14, v15  }
0x123: {  	v15 =	vld [tilespmem:s19+$0x330]  }
0x124: {  	v14 =	vadd.f32 v18, v14;
	v17 =	vmul.f32 v17, v17  }
0x125: {  	v18 =	vld [tilespmem:s19+$0x340]  }
0x126: {  	v14 =	vadd.f32 v17, v14;
	v16 =	vmul.f32 v16, v16  }
0x127: {  	v17 =	vld [tilespmem:s19+$0x350]  }
.Ltmp16:
0x128: {  	v14 =	vadd.f32 v16, v14;
	v16 =	vmul.f32 v15, v15;
	(pc) =	sbr.rel @p1 .LBB2_23-.Ltmp16, $4  }
0x129: {  	v15 =	vld [tilespmem:s19+$0x360]  }
0x12a: {  	v16 =	vadd.f32 v16, v14;
	v18 =	vmul.f32 v18, v18  }
0x12b: {  	v14 =	vld [tilespmem:s19+$0x370]  }
0x12c: {  	s19 =	sshra.s32 s20, $0x2;
	s20 =	sadd.s32 $0x800, s20;
	v16 =	vadd.f32 v18, v16;
	v17 =	vmul.f32 v17, v17  }
0x12d: {  	v18 =	vld [tilespmem:s19+$0x300]  }
0x12e: {  	v16 =	vadd.f32 v17, v16;
	v15 =	vmul.f32 v15, v15  }
0x12f: {  	v17 =	vld [tilespmem:s19+$0x310]  }
0x130: {  	v15 =	vadd.f32 v15, v16;
	v14 =	vmul.f32 v14, v14  }
0x131: {  	v16 =	vld [tilespmem:s19+$0x320]  }
0x132: {  	v18 =	vmul.f32 v18, v18;
	v14 =	vadd.f32 v14, v15  }
0x133: {  	v15 =	vld [tilespmem:s19+$0x330]  }
0x134: {  	v17 =	vmul.f32 v17, v17;
	v14 =	vadd.f32 v18, v14  }
0x135: {  	v18 =	vld [tilespmem:s19+$0x340]  }
0x136: {  	v16 =	vmul.f32 v16, v16;
	v14 =	vadd.f32 v17, v14  }
0x137: {  	v17 =	vld [tilespmem:s19+$0x350]  }
0x138: {  	v15 =	vmul.f32 v15, v15;
	v14 =	vadd.f32 v16, v14  }
0x139: {  	v16 =	vld [tilespmem:s19+$0x360]  }
0x13a: {  	v14 =	vadd.f32 v15, v14;
	v15 =	vmul.f32 v18, v18  }
0x13b: {  	v18 =	vld [tilespmem:s19+$0x370]  }
0x13c: {  	(xrf2) =	vadd.scan.msk.f32 $0xffff, v13;
	v14 =	vadd.f32 v15, v14;
	v15 =	vmul.f32 v17, v17;
	_ =	sdelay $0x1  }
0x13d: {  	v14 =	vadd.f32 v15, v14;
	v15 =	vmul.f32 v16, v16  }
0x13e: {  	(xrf0) =	vmax.scan.msk.f32 $0xffff, v12;
	v12 =	vsel vm1, $0x0, v8  }
0x13f: {  	(xrf0) =	vadd.scan.msk.s32 $0xffff, v12;
	v12 =	vsel vm1, $0x0, v9;
	v13 =	vadd.f32 v15, v14;
	v14 =	vmul.f32 v18, v18  }
0x140: {  	(xrf0) =	vadd.scan.msk.s32 $0xffff, v12;
	v12 =	vsel vm1, $0x0, v10  }
0x141: {  	(xrf0) =	vadd.scan.msk.s32 $0xffff, v12;
	v12 =	vsel vm1, $0x0, v11;
	v13 =	vadd.f32 v14, v13;
	_ =	sdelay $0x1  }
0x142: {  	(xrf0) =	vadd.scan.msk.s32 $0xffff, v12  }
0x143: {  	v12, _, _ =	vpop (xrf0);
	(xrf2) =	vadd.scan.msk.f32 $0xffff, v13  }
0x144: {  	(v2sf) =	vpush v12, $0xF;
	v13, _, _ =	vpop (xrf2)  }
0x145: {  	v12, _, _ =	vpop (xrf0);
	(v2sf) =	vpush v13, $0xF  }
0x146: {  	v13, _, _ =	vpop (xrf0);
	(v2sf) =	vpush v12, $0xF  }
0x147: {  	(v2sf) =	vpush v13, $0xF;
	_ =	sdelay $0x1  }
0x148: {  	s15 =	ssub.s32 s16, s15;
	s30 =	ssub.s32 s18, s17  }
0x149: {  	s15 =	sadd.s32 $0x1, s15;
	s16 =	sadd.s32 $0x1, s30  }
0x14a: {  	s15 =	smul.u32 s16, s15;
	v16, _, _ =	vpop (xrf0)  }
0x14b: {  	v17, _, _ =	vpop (xrf0);
	(v2sf) =	vpush v16, $0xF  }
0x14c: {  	s15 =	scvt.s32.f32 s15;
	(v2sf) =	vpush v17, $0xF;
	v12, _, _ =	vpop (xrf2)  }
0x14d: {  	(v2sf) =	vpush v12, $0xF  }
0x14e: {  	s15 =	ssub.f32 $1.638400000e+04, s15;
	_ =	sdelay $0x1  }
0x14f: {  	s15 =	sadd.f32 $1.000000010e-07, s15;
	_ =	sdelay $0x1  }
0x150: {  	s20 =	spop (v2sf);
	v12 =	vmov s15  }
0x151: {  	(erf) = vrcp.f32 v12;
	s21 =	spop (v2sf)  }
0x152: {  	s16 =	spop (v2sf)  }
0x153: {  	s17 =	spop (v2sf)  }
0x154: {  	s31 =	sadd.s32 $0x1, s17  }
0x155: {  	p1 =	sge.s32 s16, s31  }
.Ltmp17:
0x156: {  	_ = 	snop;
	(pc) =	sbr.rel @p1 .LBB2_35-.Ltmp17, $4  }
0x157: {  	_ = 	snop  }
0x158: {  	s18 =	spop (v2sf)  }
0x159: {  	s19 =	spop (v2sf)  }
0x15a: {  	v15 =	vimm.f32 $0.0e+00;
	v14 =	vimm.f32 $0.0e+00;
	v13 =	vimm.f32 $-1.000000000e+09;
	v12 =	vpop (erf);
	s15 =	spop (v2sf)  }
0x15b: {  	s22 =	sshra.s32 s18, $0x1F  }
0x15c: {  	s23 =	sand.u32 $0xF, s18;
	p1 =	slt.s32 s18, $0x1;
	s30 =	sand.u32 $0xF, s19  }
0x15d: {  	p6 =	slt.s32 s19, $0x1;
	s31 =	sshra.s32 s19, $0x1F;
	s24 =	simm.s32 $0x1  }
0x15e: {  	s25 =	simm.s32 $0x1;
	s22 =	sshrl.u32 s22, $0x1C;
	p2 =	sne.s32 s23, $0x0  }
0x15f: {  	p3 =	sne.s32 s30, $0x0;
	s23 =	sshrl.u32 s31, $0x1C;
	s22 =	sadd.s32 s22, s18  }
0x160: {  	p1 =	por !p1, !p2;
	p2 =	por !p6, !p3;
	s23 =	sadd.s32 s23, s19  }
0x161: {  	s22 =	sshra.s32 s22, $0x4;
	p3 =	por !p1, !p1;
	p1 =	por !p2, !p2  }
0x162: {  	s23 =	sshra.s32 s23, $0x4;
	s24 =	simm.s32 @!p3 $0x0;
	s25 =	simm.s32 @!p1 $0x0  }
0x163: {  	s24 =	ssub.s32 s22, s24;
	s23 =	ssub.s32 s23, s25  }
.Ltmp18:
0x164: {  	p1 =	sgt.s32 s24, s23;
	(pc) =	sbr.rel .LBB2_26-.Ltmp18, $4  }
0x165: {  	s25 =	simm.s32 $0xFFFFFFFF;
	s23 =	smov.u32 @p1 s24  }
0x166: {  	s25 =	simm.s32 @!p3 $0x0;
	s22 =	ssub.s32 s23, s22  }
0x167: {  	v16 =	vbroadcast v16, $0xF;
	s22 =	ssub.s32 s22, s25  }
0x168: {  	v17 =	vbroadcast v17, $0xF;
	v13 =	vimm.f32 $-1.000000000e+09;
	v14 =	vimm.f32 $0.0e+00;
	s23 =	sshll.u32 s24, $0x4;
	s24 =	smov.u32 s16;
	s22 =	sadd.s32 $0x1, s22  }
.LBB2_28:
0x169: {  	v19 =	vmov v13;
	v20 =	vmov v14;
	s25 =	smov.u32 s23  }
.LBB2_33:
0x16a: {  	v21 =	vnsel @p2 vm4, $0xCE6E6B28, v23  }
0x16b: {  	v22 =	vnsel @p2 vm4, $0x0, v22;
	v62 =	vor.u32 s25, v7;
	v63 =	vmul.f32 v18, v18  }
0x16c: {  	v20 =	vadd.f32 @p2 v22, v20;
	vm4 =	vge.s32 v62, v16;
	vm5 =	vle.s32 v62, v17  }
0x16d: {  	v19 =	vmax.f32 @p2 v19, v21;
	vm4 =	vmand vm4, vm5  }
0x16e: {  	v13 =	vpsel p2, v19, v13;
	v14 =	vpsel p2, v20, v14;
	v19 =	vnsel vm4, $0x0, v63  }
0x16f: {  	v18 =	vnsel vm4, $0xCE6E6B28, v18;
	v14 =	vadd.f32 v19, v14  }
0x170: {  	v13 =	vmax.f32 v13, v18  }
.LBB2_34:
0x171: {  	p2 =	sne.s32 s24, s17  }
.Ltmp19:
0x172: {  	_ = 	snop;
	(pc) =	sbr.rel @!p2 .LBB2_35-.Ltmp19, $3  }
0x173: {  	_ =	sdelay $0x1  }
0x174: {  	s25 =	sadd.s32 $0x1, s24  }
0x175: {  	s24 =	smov.u32 s25  }
.LBB2_26:
.Ltmp20:
0x176: {  	(pc) =	sbr.rel @p1 .LBB2_34-.Ltmp20, $1  }
0x177: {  	_ =	sdelay $0x3  }
0x178: {  	s25 =	sshrl.u32 s23, $0x7  }
0x179: {  	s25 =	sadd.s32 s24, s25  }
0x17a: {  	s25 =	sshll.u32 s25, $0xB  }
0x17b: {  	s26 =	sand.u32 $0x70, s23;
	s25 =	sshra.s32 s25, $0x2  }
0x17c: {  	p3 =	sne.s32 s22, $0x1;
	s25 =	sor.u32 s26, s25  }
.Ltmp21:
0x17d: {  	v18 =	vld [tilespmem:s25+$0x300];
	(pc) =	sbr.rel @!p3 .LBB2_28-.Ltmp21, $2  }
0x17e: {  	_ =	sdelay $0x2  }
0x17f: {  	p2 =	por $0x0, $0x0;
	s26 =	sadd.s32 $0xFFFFFFFF, s22;
	s25 =	sadd.s32 $0x10, s23  }
0x180: {  	s28 =	sshrl.u32 s25, $0x7;
	p3 =	sne.s32 s26, $0x1  }
.Ltmp22:
0x181: {  	s28 =	sadd.s32 s24, s28;
	(pc) =	sbr.rel @!p3 .LBB2_30-.Ltmp22, $4  }
0x182: {  	v19 =	vor.u32 s23, v7;
	s28 =	sshll.u32 s28, $0xB  }
0x183: {  	s29 =	sand.u32 $0x70, s25;
	s28 =	sshra.s32 s28, $0x2  }
0x184: {  	v22 =	vmul.f32 v18, v18;
	vm4 =	vge.s32 v19, v16;
	vm5 =	vle.s32 v19, v17;
	s28 =	sor.u32 s29, s28  }
0x185: {  	s26 =	sadd.s32 $0xFFFFFFFF, s26;
	p2 =	por $0x1, $0x1;
	v20 =	vmov v14;
	vm4 =	vmand vm4, vm5;
	v19 =	vmov v13;
	v21 =	vld [tilespmem:s28+$0x300];
	s28 =	sadd.s32 $0x10, s25  }
.LBB2_31:
0x186: {  	s29 =	sshrl.u32 s28, $0x7;
	p3 =	sne.s32 s26, $0x1;
	s26 =	sadd.s32 $0xFFFFFFFF, s26;
	v18 =	vnsel vm4, $0xCE6E6B28, v18;
	v22 =	vnsel vm4, $0x0, v22  }
.Ltmp23:
0x187: {  	s29 =	sadd.s32 s24, s29;
	v19 =	vmax.f32 v19, v18;
	v20 =	vadd.f32 v22, v20;
	(pc) =	sbr.rel @p3 .LBB2_31-.Ltmp23, $4  }
0x188: {  	s29 =	sshll.u32 s29, $0xB  }
0x189: {  	s30 =	sand.u32 $0x70, s28;
	v23 =	vor.u32 s25, v7;
	s25 =	smov.u32 s28;
	s29 =	sshra.s32 s29, $0x2  }
0x18a: {  	vm4 =	vge.s32 v23, v16;
	vm5 =	vle.s32 v23, v17;
	s29 =	sor.u32 s30, s29;
	v22 =	vmul.f32 v21, v21;
	v18 =	vmovc v21  }
0x18b: {  	s28 =	sadd.s32 $0x10, s28;
	vm4 =	vmand vm4, vm5;
	v21 =	vld [tilespmem:s29+$0x300]  }
.Ltmp24:
0x18c: {  	_ = 	snop;
	(pc) =	sbr.rel .LBB2_33-.Ltmp24, $2  }
0x18d: {  	_ =	sdelay $0x2  }
0x18e: {  	v23 =	vmov v18;
	v18 =	vmov v21  }
.LBB2_30:
.Ltmp25:
0x18f: {  	_ = 	snop;
	(pc) =	sbr.rel .LBB2_33-.Ltmp25, $2  }
0x190: {  	_ =	sdelay $0x2  }
0x191: {  	v23 =	vmovc v18;
	v19 =	vmov v13;
	v20 =	vmov v14;
	v18 =	vmov v21  }
.LBB2_35:
0x192: {  	s22 =	simm.s32 $0x0  }
0x193: {  	v16 =	vld [tilespmem:s22+$0x380];
	_ =	sdelay $0x1  }
0x194: {  	v17 =	vld [tilespmem:s22+$0x390];
	_ =	sdelay $0x1  }
0x195: {  	v18 =	vld [tilespmem:s22+$0x3A0]  }
0x196: {  	v16 =	vmul.f32 v16, v16  }
0x197: {  	v19 =	vld [tilespmem:s22+$0x3B0]  }
0x198: {  	s14 =	ssub.f32 s14, s21;
	v15 =	vadd.f32 v16, v15;
	v16 =	vmul.f32 v17, v17  }
0x199: {  	s20 =	ssub.f32 $3.000000120e-01, s20  }
0x19a: {  	v12 =	vmul.f32 s14, v12;
	v17 =	vld [tilespmem:s22+$0x3C0];
	v15 =	vadd.f32 v16, v15;
	v16 =	vmul.f32 v18, v18  }
0x19b: {  	s31 =	smax.f32 s20, $0.0e+00  }
0x19c: {  	v12 =	vadd.f32 s31, v12;
	v18 =	vld [tilespmem:s22+$0x3D0];
	v15 =	vadd.f32 v16, v15;
	v16 =	vmul.f32 v19, v19;
	_ =	sdelay $0x1  }
0x19d: {  	v12 =	vmul.f32 $1.562500000e-02, v12;
	v19 =	vadd.f32 v16, v15;
	v16 =	vld [tilespmem:s22+$0x3E0]  }
0x19e: {  	v17 =	vmul.f32 v17, v17  }
0x19f: {  	v12 =	vnsel vm0, $0x0, v12;
	v15 =	vld [tilespmem:s22+$0x3F0]  }
0x1a0: {  	s14 =	simm.s32 $0x200;
	s20 =	simm.s32 $0x1000;
	v12 =	vadd.f32 $0.0e+00, v12;
	v18 =	vmul.f32 v18, v18;
	v17 =	vadd.f32 v17, v19  }
.LBB2_36:
0x1a1: {  	p1 =	sne.s32 s20, $0x3F800;
	v19 =	vld [tilespmem:s14+$0x380]  }
0x1a2: {  	v17 =	vadd.f32 v18, v17;
	v16 =	vmul.f32 v16, v16  }
0x1a3: {  	v18 =	vld [tilespmem:s14+$0x390]  }
0x1a4: {  	v16 =	vadd.f32 v16, v17;
	v15 =	vmul.f32 v15, v15  }
0x1a5: {  	v17 =	vld [tilespmem:s14+$0x3A0]  }
0x1a6: {  	v19 =	vmul.f32 v19, v19;
	v15 =	vadd.f32 v15, v16  }
0x1a7: {  	v16 =	vld [tilespmem:s14+$0x3B0]  }
0x1a8: {  	v15 =	vadd.f32 v19, v15;
	v18 =	vmul.f32 v18, v18  }
0x1a9: {  	v19 =	vld [tilespmem:s14+$0x3C0]  }
0x1aa: {  	v15 =	vadd.f32 v18, v15;
	v17 =	vmul.f32 v17, v17  }
0x1ab: {  	v18 =	vld [tilespmem:s14+$0x3D0]  }
.Ltmp26:
0x1ac: {  	v15 =	vadd.f32 v17, v15;
	v17 =	vmul.f32 v16, v16;
	(pc) =	sbr.rel @p1 .LBB2_36-.Ltmp26, $4  }
0x1ad: {  	v16 =	vld [tilespmem:s14+$0x3E0]  }
0x1ae: {  	v17 =	vadd.f32 v17, v15;
	v19 =	vmul.f32 v19, v19  }
0x1af: {  	v15 =	vld [tilespmem:s14+$0x3F0]  }
0x1b0: {  	s14 =	sshra.s32 s20, $0x2;
	s20 =	sadd.s32 $0x800, s20;
	v17 =	vadd.f32 v19, v17;
	v18 =	vmul.f32 v18, v18  }
0x1b1: {  	v19 =	vld [tilespmem:s14+$0x380]  }
0x1b2: {  	v17 =	vadd.f32 v18, v17;
	v16 =	vmul.f32 v16, v16  }
0x1b3: {  	v18 =	vld [tilespmem:s14+$0x390]  }
0x1b4: {  	v16 =	vadd.f32 v16, v17;
	v15 =	vmul.f32 v15, v15  }
0x1b5: {  	v17 =	vld [tilespmem:s14+$0x3A0]  }
0x1b6: {  	v19 =	vmul.f32 v19, v19;
	v15 =	vadd.f32 v15, v16  }
0x1b7: {  	v16 =	vld [tilespmem:s14+$0x3B0]  }
0x1b8: {  	v18 =	vmul.f32 v18, v18;
	v15 =	vadd.f32 v19, v15  }
0x1b9: {  	v19 =	vld [tilespmem:s14+$0x3C0]  }
0x1ba: {  	v17 =	vmul.f32 v17, v17;
	v15 =	vadd.f32 v18, v15  }
0x1bb: {  	v18 =	vld [tilespmem:s14+$0x3D0]  }
0x1bc: {  	v16 =	vmul.f32 v16, v16;
	v15 =	vadd.f32 v17, v15  }
0x1bd: {  	v17 =	vld [tilespmem:s14+$0x3E0]  }
0x1be: {  	v15 =	vadd.f32 v16, v15;
	v16 =	vmul.f32 v19, v19  }
0x1bf: {  	v19 =	vld [tilespmem:s14+$0x3F0]  }
0x1c0: {  	(xrf2) =	vadd.scan.msk.f32 $0xffff, v14;
	v15 =	vadd.f32 v16, v15;
	v16 =	vmul.f32 v18, v18;
	_ =	sdelay $0x1  }
0x1c1: {  	v15 =	vadd.f32 v16, v15;
	v16 =	vmul.f32 v17, v17  }
0x1c2: {  	(xrf0) =	vmax.scan.msk.f32 $0xffff, v13;
	v13 =	vsel vm2, $0x0, v8  }
0x1c3: {  	(xrf0) =	vadd.scan.msk.s32 $0xffff, v13;
	v13 =	vsel vm2, $0x0, v9;
	v14 =	vadd.f32 v16, v15;
	v15 =	vmul.f32 v19, v19  }
0x1c4: {  	(xrf0) =	vadd.scan.msk.s32 $0xffff, v13;
	v13 =	vsel vm2, $0x0, v10  }
0x1c5: {  	(xrf0) =	vadd.scan.msk.s32 $0xffff, v13;
	v13 =	vsel vm2, $0x0, v11;
	v14 =	vadd.f32 v15, v14;
	_ =	sdelay $0x1  }
0x1c6: {  	(xrf0) =	vadd.scan.msk.s32 $0xffff, v13  }
0x1c7: {  	v13, _, _ =	vpop (xrf0);
	(xrf2) =	vadd.scan.msk.f32 $0xffff, v14  }
0x1c8: {  	(v2sf) =	vpush v13, $0xF;
	v14, _, _ =	vpop (xrf2)  }
0x1c9: {  	v13, _, _ =	vpop (xrf0);
	(v2sf) =	vpush v14, $0xF  }
0x1ca: {  	v14, _, _ =	vpop (xrf0);
	(v2sf) =	vpush v13, $0xF  }
0x1cb: {  	(v2sf) =	vpush v14, $0xF;
	_ =	sdelay $0x1  }
0x1cc: {  	s29 =	ssub.s32 s17, s16;
	s30 =	ssub.s32 s19, s18  }
0x1cd: {  	s16 =	sadd.s32 $0x1, s30;
	s14 =	sadd.s32 $0x1, s29  }
0x1ce: {  	s14 =	smul.u32 s16, s14;
	v17, _, _ =	vpop (xrf0)  }
0x1cf: {  	v18, _, _ =	vpop (xrf0);
	(v2sf) =	vpush v17, $0xF  }
0x1d0: {  	s14 =	scvt.s32.f32 s14;
	(v2sf) =	vpush v18, $0xF;
	v13, _, _ =	vpop (xrf2)  }
0x1d1: {  	(v2sf) =	vpush v13, $0xF  }
0x1d2: {  	s14 =	ssub.f32 $1.638400000e+04, s14;
	_ =	sdelay $0x1  }
0x1d3: {  	s14 =	sadd.f32 $1.000000010e-07, s14;
	_ =	sdelay $0x1  }
0x1d4: {  	s20 =	spop (v2sf);
	v13 =	vmov s14  }
0x1d5: {  	(erf) = vrcp.f32 v13;
	s21 =	spop (v2sf)  }
0x1d6: {  	s16 =	spop (v2sf)  }
0x1d7: {  	s17 =	spop (v2sf)  }
0x1d8: {  	s31 =	sadd.s32 $0x1, s17  }
0x1d9: {  	p1 =	sge.s32 s16, s31  }
.Ltmp27:
0x1da: {  	_ = 	snop;
	(pc) =	sbr.rel @p1 .LBB2_48-.Ltmp27, $4  }
0x1db: {  	_ = 	snop  }
0x1dc: {  	s18 =	spop (v2sf)  }
0x1dd: {  	s19 =	spop (v2sf)  }
0x1de: {  	v16 =	vimm.f32 $0.0e+00;
	v14 =	vimm.f32 $0.0e+00;
	v13 =	vimm.f32 $-1.000000000e+09;
	v15 =	vpop (erf);
	s14 =	spop (v2sf)  }
0x1df: {  	s22 =	sshra.s32 s18, $0x1F  }
0x1e0: {  	s23 =	sand.u32 $0xF, s18;
	p1 =	slt.s32 s18, $0x1;
	s30 =	sand.u32 $0xF, s19  }
0x1e1: {  	p6 =	slt.s32 s19, $0x1;
	s31 =	sshra.s32 s19, $0x1F;
	s24 =	simm.s32 $0x1  }
0x1e2: {  	s25 =	simm.s32 $0x1;
	s22 =	sshrl.u32 s22, $0x1C;
	p2 =	sne.s32 s23, $0x0  }
0x1e3: {  	p3 =	sne.s32 s30, $0x0;
	s23 =	sshrl.u32 s31, $0x1C;
	s22 =	sadd.s32 s22, s18  }
0x1e4: {  	p1 =	por !p1, !p2;
	p2 =	por !p6, !p3;
	s23 =	sadd.s32 s23, s19  }
0x1e5: {  	s22 =	sshra.s32 s22, $0x4;
	p3 =	por !p1, !p1;
	p1 =	por !p2, !p2  }
0x1e6: {  	s23 =	sshra.s32 s23, $0x4;
	s24 =	simm.s32 @!p3 $0x0;
	s25 =	simm.s32 @!p1 $0x0  }
0x1e7: {  	s24 =	ssub.s32 s22, s24;
	s23 =	ssub.s32 s23, s25  }
.Ltmp28:
0x1e8: {  	p1 =	sgt.s32 s24, s23;
	(pc) =	sbr.rel .LBB2_39-.Ltmp28, $4  }
0x1e9: {  	s25 =	simm.s32 $0xFFFFFFFF;
	s23 =	smov.u32 @p1 s24  }
0x1ea: {  	s25 =	simm.s32 @!p3 $0x0;
	s22 =	ssub.s32 s23, s22  }
0x1eb: {  	v17 =	vbroadcast v17, $0xF;
	s22 =	ssub.s32 s22, s25  }
0x1ec: {  	v18 =	vbroadcast v18, $0xF;
	v13 =	vimm.f32 $-1.000000000e+09;
	v14 =	vimm.f32 $0.0e+00;
	s23 =	sshll.u32 s24, $0x4;
	s24 =	smov.u32 s16;
	s22 =	sadd.s32 $0x1, s22  }
.LBB2_41:
0x1ed: {  	v20 =	vmov v13;
	v21 =	vmov v14;
	s25 =	smov.u32 s23  }
.LBB2_46:
0x1ee: {  	v22 =	vnsel @p2 vm4, $0xCE6E6B28, v24  }
0x1ef: {  	v23 =	vnsel @p2 vm4, $0x0, v23;
	v62 =	vor.u32 s25, v7;
	v63 =	vmul.f32 v19, v19  }
0x1f0: {  	v21 =	vadd.f32 @p2 v23, v21;
	vm4 =	vge.s32 v62, v17;
	vm5 =	vle.s32 v62, v18  }
0x1f1: {  	v20 =	vmax.f32 @p2 v20, v22;
	vm4 =	vmand vm4, vm5  }
0x1f2: {  	v13 =	vpsel p2, v20, v13;
	v14 =	vpsel p2, v21, v14;
	v20 =	vnsel vm4, $0x0, v63  }
0x1f3: {  	v19 =	vnsel vm4, $0xCE6E6B28, v19;
	v14 =	vadd.f32 v20, v14  }
0x1f4: {  	v13 =	vmax.f32 v13, v19  }
.LBB2_47:
0x1f5: {  	p2 =	sne.s32 s24, s17  }
.Ltmp29:
0x1f6: {  	_ = 	snop;
	(pc) =	sbr.rel @!p2 .LBB2_48-.Ltmp29, $3  }
0x1f7: {  	_ =	sdelay $0x1  }
0x1f8: {  	s25 =	sadd.s32 $0x1, s24  }
0x1f9: {  	s24 =	smov.u32 s25  }
.LBB2_39:
.Ltmp30:
0x1fa: {  	(pc) =	sbr.rel @p1 .LBB2_47-.Ltmp30, $1  }
0x1fb: {  	_ =	sdelay $0x3  }
0x1fc: {  	s25 =	sshrl.u32 s23, $0x7  }
0x1fd: {  	s25 =	sadd.s32 s24, s25  }
0x1fe: {  	s25 =	sshll.u32 s25, $0xB  }
0x1ff: {  	s26 =	sand.u32 $0x70, s23;
	s25 =	sshra.s32 s25, $0x2  }
0x200: {  	p3 =	sne.s32 s22, $0x1;
	s25 =	sor.u32 s26, s25  }
.Ltmp31:
0x201: {  	v19 =	vld [tilespmem:s25+$0x380];
	(pc) =	sbr.rel @!p3 .LBB2_41-.Ltmp31, $2  }
0x202: {  	_ =	sdelay $0x2  }
0x203: {  	p2 =	por $0x0, $0x0;
	s26 =	sadd.s32 $0xFFFFFFFF, s22;
	s25 =	sadd.s32 $0x10, s23  }
0x204: {  	s28 =	sshrl.u32 s25, $0x7;
	p3 =	sne.s32 s26, $0x1  }
.Ltmp32:
0x205: {  	s28 =	sadd.s32 s24, s28;
	(pc) =	sbr.rel @!p3 .LBB2_43-.Ltmp32, $4  }
0x206: {  	v20 =	vor.u32 s23, v7;
	s28 =	sshll.u32 s28, $0xB  }
0x207: {  	s29 =	sand.u32 $0x70, s25;
	s28 =	sshra.s32 s28, $0x2  }
0x208: {  	v23 =	vmul.f32 v19, v19;
	vm4 =	vge.s32 v20, v17;
	vm5 =	vle.s32 v20, v18;
	s28 =	sor.u32 s29, s28  }
0x209: {  	s26 =	sadd.s32 $0xFFFFFFFF, s26;
	p2 =	por $0x1, $0x1;
	v21 =	vmov v14;
	vm4 =	vmand vm4, vm5;
	v20 =	vmov v13;
	v22 =	vld [tilespmem:s28+$0x380];
	s28 =	sadd.s32 $0x10, s25  }
.LBB2_44:
0x20a: {  	s29 =	sshrl.u32 s28, $0x7;
	p3 =	sne.s32 s26, $0x1;
	s26 =	sadd.s32 $0xFFFFFFFF, s26;
	v19 =	vnsel vm4, $0xCE6E6B28, v19;
	v23 =	vnsel vm4, $0x0, v23  }
.Ltmp33:
0x20b: {  	s29 =	sadd.s32 s24, s29;
	v20 =	vmax.f32 v20, v19;
	v21 =	vadd.f32 v23, v21;
	(pc) =	sbr.rel @p3 .LBB2_44-.Ltmp33, $4  }
0x20c: {  	s29 =	sshll.u32 s29, $0xB  }
0x20d: {  	s30 =	sand.u32 $0x70, s28;
	v24 =	vor.u32 s25, v7;
	s25 =	smov.u32 s28;
	s29 =	sshra.s32 s29, $0x2  }
0x20e: {  	vm4 =	vge.s32 v24, v17;
	vm5 =	vle.s32 v24, v18;
	s29 =	sor.u32 s30, s29;
	v23 =	vmul.f32 v22, v22;
	v19 =	vmovc v22  }
0x20f: {  	s28 =	sadd.s32 $0x10, s28;
	vm4 =	vmand vm4, vm5;
	v22 =	vld [tilespmem:s29+$0x380]  }
.Ltmp34:
0x210: {  	_ = 	snop;
	(pc) =	sbr.rel .LBB2_46-.Ltmp34, $2  }
0x211: {  	_ =	sdelay $0x2  }
0x212: {  	v24 =	vmov v19;
	v19 =	vmov v22  }
.LBB2_43:
.Ltmp35:
0x213: {  	_ = 	snop;
	(pc) =	sbr.rel .LBB2_46-.Ltmp35, $2  }
0x214: {  	_ =	sdelay $0x2  }
0x215: {  	v24 =	vmovc v19;
	v20 =	vmov v13;
	v21 =	vmov v14;
	v19 =	vmov v22  }
.LBB2_48:
0x216: {  	s22 =	simm.s32 $0x0  }
0x217: {  	v17 =	vld [tilespmem:s22+$0x400];
	_ =	sdelay $0x1  }
0x218: {  	v18 =	vld [tilespmem:s22+$0x410];
	_ =	sdelay $0x1  }
0x219: {  	v19 =	vld [tilespmem:s22+$0x420]  }
0x21a: {  	v17 =	vmul.f32 v17, v17  }
0x21b: {  	s15 =	ssub.f32 s15, s21;
	v20 =	vld [tilespmem:s22+$0x430]  }
0x21c: {  	s20 =	ssub.f32 $3.000000120e-01, s20;
	v16 =	vadd.f32 v17, v16;
	v17 =	vmul.f32 v18, v18  }
0x21d: {  	v15 =	vmul.f32 s15, v15  }
0x21e: {  	s31 =	smax.f32 s20, $0.0e+00;
	v18 =	vld [tilespmem:s22+$0x440];
	v16 =	vadd.f32 v17, v16;
	v17 =	vmul.f32 v19, v19  }
0x21f: {  	v15 =	vadd.f32 s31, v15  }
0x220: {  	v19 =	vld [tilespmem:s22+$0x450];
	v16 =	vadd.f32 v17, v16;
	v17 =	vmul.f32 v20, v20  }
0x221: {  	v15 =	vmul.f32 $1.562500000e-02, v15  }
0x222: {  	v17 =	vadd.f32 v17, v16;
	v16 =	vld [tilespmem:s22+$0x460]  }
0x223: {  	v15 =	vnsel vm0, $0x0, v15;
	v18 =	vmul.f32 v18, v18  }
0x224: {  	v12 =	vadd.f32 v15, v12;
	v15 =	vld [tilespmem:s22+$0x470]  }
0x225: {  	s15 =	simm.s32 $0x200;
	s20 =	simm.s32 $0x1000;
	v17 =	vadd.f32 v18, v17;
	v18 =	vmul.f32 v19, v19  }
.LBB2_49:
0x226: {  	p1 =	sne.s32 s20, $0x3F800;
	v19 =	vld [tilespmem:s15+$0x400]  }
0x227: {  	v17 =	vadd.f32 v18, v17;
	v16 =	vmul.f32 v16, v16  }
0x228: {  	v18 =	vld [tilespmem:s15+$0x410]  }
0x229: {  	v16 =	vadd.f32 v16, v17;
	v15 =	vmul.f32 v15, v15  }
0x22a: {  	v17 =	vld [tilespmem:s15+$0x420]  }
0x22b: {  	v19 =	vmul.f32 v19, v19;
	v15 =	vadd.f32 v15, v16  }
0x22c: {  	v16 =	vld [tilespmem:s15+$0x430]  }
0x22d: {  	v15 =	vadd.f32 v19, v15;
	v18 =	vmul.f32 v18, v18  }
0x22e: {  	v19 =	vld [tilespmem:s15+$0x440]  }
0x22f: {  	v15 =	vadd.f32 v18, v15;
	v17 =	vmul.f32 v17, v17  }
0x230: {  	v18 =	vld [tilespmem:s15+$0x450]  }
.Ltmp36:
0x231: {  	v15 =	vadd.f32 v17, v15;
	v17 =	vmul.f32 v16, v16;
	(pc) =	sbr.rel @p1 .LBB2_49-.Ltmp36, $4  }
0x232: {  	v16 =	vld [tilespmem:s15+$0x460]  }
0x233: {  	v17 =	vadd.f32 v17, v15;
	v19 =	vmul.f32 v19, v19  }
0x234: {  	v15 =	vld [tilespmem:s15+$0x470]  }
0x235: {  	s15 =	sshra.s32 s20, $0x2;
	s20 =	sadd.s32 $0x800, s20;
	v17 =	vadd.f32 v19, v17;
	v18 =	vmul.f32 v18, v18  }
0x236: {  	v19 =	vld [tilespmem:s15+$0x400]  }
0x237: {  	v17 =	vadd.f32 v18, v17;
	v16 =	vmul.f32 v16, v16  }
0x238: {  	v54 =	vld [tilespmem:s15+$0x410]  }
0x239: {  	v16 =	vadd.f32 v16, v17;
	v15 =	vmul.f32 v15, v15  }
0x23a: {  	v55 =	vld [tilespmem:s15+$0x420]  }
0x23b: {  	v19 =	vmul.f32 v19, v19;
	v15 =	vadd.f32 v15, v16  }
0x23c: {  	v56 =	vld [tilespmem:s15+$0x430]  }
0x23d: {  	v18 =	vmul.f32 v54, v54;
	v15 =	vadd.f32 v19, v15  }
0x23e: {  	v57 =	vld [tilespmem:s15+$0x440]  }
0x23f: {  	v17 =	vmul.f32 v55, v55;
	v15 =	vadd.f32 v18, v15  }
0x240: {  	v58 =	vld [tilespmem:s15+$0x450]  }
0x241: {  	v16 =	vmul.f32 v56, v56;
	v15 =	vadd.f32 v17, v15  }
0x242: {  	v59 =	vld [tilespmem:s15+$0x460]  }
0x243: {  	v60 =	vmul.f32 v57, v57;
	v15 =	vadd.f32 v16, v15  }
0x244: {  	v61 =	vld [tilespmem:s15+$0x470];
	(xrf2) =	vadd.scan.msk.f32 $0xffff, v14  }
0x245: {  	v62 =	vmul.f32 v58, v58;
	v15 =	vadd.f32 v60, v15;
	_ =	sdelay $0x1  }
0x246: {  	(xrf0) =	vmax.scan.msk.f32 $0xffff, v13;
	v8 =	vsel vm3, $0x0, v8;
	v63 =	vmul.f32 v59, v59;
	v15 =	vadd.f32 v62, v15  }
0x247: {  	(xrf0) =	vadd.scan.msk.s32 $0xffff, v8;
	v8 =	vsel vm3, $0x0, v9  }
0x248: {  	(xrf0) =	vadd.scan.msk.s32 $0xffff, v8;
	v8 =	vsel vm3, $0x0, v10;
	v14 =	vadd.f32 v63, v15;
	v15 =	vmul.f32 v61, v61  }
0x249: {  	(xrf0) =	vadd.scan.msk.s32 $0xffff, v8;
	v8 =	vsel vm3, $0x0, v11  }
0x24a: {  	v14 =	vadd.f32 v15, v14  }
0x24b: {  	(xrf0) =	vadd.scan.msk.s32 $0xffff, v8  }
0x24c: {  	v8, _, _ =	vpop (xrf0);
	(xrf2) =	vadd.scan.msk.f32 $0xffff, v14  }
0x24d: {  	(v2sf) =	vpush v8, $0xF;
	v9, _, _ =	vpop (xrf2)  }
0x24e: {  	v8, _, _ =	vpop (xrf0);
	(v2sf) =	vpush v9, $0xF  }
0x24f: {  	v10, _, _ =	vpop (xrf0);
	(v2sf) =	vpush v8, $0xF  }
0x250: {  	(v2sf) =	vpush v10, $0xF;
	_ =	sdelay $0x1  }
0x251: {  	s29 =	ssub.s32 s17, s16;
	s30 =	ssub.s32 s19, s18  }
0x252: {  	s15 =	sadd.s32 $0x1, s29;
	s16 =	sadd.s32 $0x1, s30  }
0x253: {  	s15 =	smul.u32 s16, s15;
	v9, _, _ =	vpop (xrf0)  }
0x254: {  	v10, _, _ =	vpop (xrf0);
	(v2sf) =	vpush v9, $0xF  }
0x255: {  	s15 =	scvt.s32.f32 s15;
	(v2sf) =	vpush v10, $0xF;
	v8, _, _ =	vpop (xrf2)  }
0x256: {  	(v2sf) =	vpush v8, $0xF  }
0x257: {  	s15 =	ssub.f32 $1.638400000e+04, s15;
	_ =	sdelay $0x1  }
0x258: {  	s15 =	sadd.f32 $1.000000010e-07, s15;
	_ =	sdelay $0x1  }
0x259: {  	v8 =	vmov s15;
	s15 =	spop (v2sf)  }
0x25a: {  	(erf) = vrcp.f32 v8;
	s16 =	spop (v2sf)  }
0x25b: {  	s18 =	spop (v2sf)  }
0x25c: {  	s19 =	spop (v2sf)  }
0x25d: {  	s31 =	sadd.s32 $0x1, s19  }
0x25e: {  	p1 =	sge.s32 s18, s31  }
.Ltmp37:
0x25f: {  	_ = 	snop;
	(pc) =	sbr.rel @p1 .LBB2_51-.Ltmp37, $4  }
0x260: {  	_ = 	snop  }
0x261: {  	s20 =	spop (v2sf)  }
0x262: {  	s21 =	spop (v2sf)  }
0x263: {  	v8 =	vpop (erf);
	s17 =	spop (v2sf)  }
0x264: {  	s22 =	sshra.s32 s20, $0x1F  }
0x265: {  	s23 =	sand.u32 $0xF, s20;
	p1 =	slt.s32 s20, $0x1;
	s30 =	sand.u32 $0xF, s21  }
0x266: {  	p6 =	slt.s32 s21, $0x1;
	s31 =	sshra.s32 s21, $0x1F;
	s24 =	simm.s32 $0x1  }
0x267: {  	s25 =	simm.s32 $0x1;
	s22 =	sshrl.u32 s22, $0x1C;
	p2 =	sne.s32 s23, $0x0  }
0x268: {  	p3 =	sne.s32 s30, $0x0;
	s23 =	sshrl.u32 s31, $0x1C;
	s22 =	sadd.s32 s22, s20  }
0x269: {  	p1 =	por !p1, !p2;
	p2 =	por !p6, !p3;
	s23 =	sadd.s32 s23, s21  }
0x26a: {  	s22 =	sshra.s32 s22, $0x4;
	p3 =	por !p1, !p1;
	p1 =	por !p2, !p2  }
0x26b: {  	s23 =	sshra.s32 s23, $0x4;
	s24 =	simm.s32 @!p3 $0x0;
	s25 =	simm.s32 @!p1 $0x0  }
0x26c: {  	s24 =	ssub.s32 s22, s24;
	s23 =	ssub.s32 s23, s25  }
.Ltmp38:
0x26d: {  	p1 =	sgt.s32 s24, s23;
	(pc) =	sbr.rel .LBB2_53-.Ltmp38, $4  }
0x26e: {  	s25 =	simm.s32 $0xFFFFFFFF;
	s23 =	smov.u32 @p1 s24  }
0x26f: {  	s25 =	simm.s32 @!p3 $0x0;
	s22 =	ssub.s32 s23, s22  }
0x270: {  	v9 =	vbroadcast v9, $0xF;
	s22 =	ssub.s32 s22, s25  }
0x271: {  	v10 =	vbroadcast v10, $0xF;
	v11 =	vimm.f32 $-1.000000000e+09;
	v13 =	vimm.f32 $0.0e+00;
	s23 =	sshll.u32 s24, $0x4;
	s24 =	smov.u32 s18;
	s22 =	sadd.s32 $0x1, s22  }
.LBB2_55:
0x272: {  	v15 =	vmov v11;
	v16 =	vmov v13;
	s25 =	smov.u32 s23  }
.LBB2_60:
0x273: {  	v17 =	vnsel @p2 vm4, $0xCE6E6B28, v19  }
0x274: {  	v18 =	vnsel @p2 vm4, $0x0, v18;
	v62 =	vor.u32 s25, v7;
	v63 =	vmul.f32 v14, v14  }
0x275: {  	v16 =	vadd.f32 @p2 v18, v16;
	vm4 =	vge.s32 v62, v9;
	vm5 =	vle.s32 v62, v10  }
0x276: {  	v15 =	vmax.f32 @p2 v15, v17;
	vm4 =	vmand vm4, vm5  }
0x277: {  	v11 =	vpsel p2, v15, v11;
	v13 =	vpsel p2, v16, v13;
	v15 =	vnsel vm4, $0x0, v63  }
0x278: {  	v14 =	vnsel vm4, $0xCE6E6B28, v14;
	v13 =	vadd.f32 v15, v13  }
0x279: {  	v11 =	vmax.f32 v11, v14  }
.LBB2_61:
0x27a: {  	p2 =	sne.s32 s24, s19  }
.Ltmp39:
0x27b: {  	_ = 	snop;
	(pc) =	sbr.rel @!p2 .LBB2_62-.Ltmp39, $3  }
0x27c: {  	_ =	sdelay $0x1  }
0x27d: {  	s25 =	sadd.s32 $0x1, s24  }
0x27e: {  	s24 =	smov.u32 s25  }
.LBB2_53:
.Ltmp40:
0x27f: {  	(pc) =	sbr.rel @p1 .LBB2_61-.Ltmp40, $1  }
0x280: {  	_ =	sdelay $0x3  }
0x281: {  	s25 =	sshrl.u32 s23, $0x7  }
0x282: {  	s25 =	sadd.s32 s24, s25  }
0x283: {  	s25 =	sshll.u32 s25, $0xB  }
0x284: {  	s26 =	sand.u32 $0x70, s23;
	s25 =	sshra.s32 s25, $0x2  }
0x285: {  	p3 =	sne.s32 s22, $0x1;
	s25 =	sor.u32 s26, s25  }
.Ltmp41:
0x286: {  	v14 =	vld [tilespmem:s25+$0x400];
	(pc) =	sbr.rel @!p3 .LBB2_55-.Ltmp41, $2  }
0x287: {  	_ =	sdelay $0x2  }
0x288: {  	p2 =	por $0x0, $0x0;
	s26 =	sadd.s32 $0xFFFFFFFF, s22;
	s25 =	sadd.s32 $0x10, s23  }
0x289: {  	s28 =	sshrl.u32 s25, $0x7;
	p3 =	sne.s32 s26, $0x1  }
.Ltmp42:
0x28a: {  	s28 =	sadd.s32 s24, s28;
	(pc) =	sbr.rel @!p3 .LBB2_57-.Ltmp42, $4  }
0x28b: {  	v15 =	vor.u32 s23, v7;
	s28 =	sshll.u32 s28, $0xB  }
0x28c: {  	s29 =	sand.u32 $0x70, s25;
	s28 =	sshra.s32 s28, $0x2  }
0x28d: {  	v18 =	vmul.f32 v14, v14;
	vm4 =	vge.s32 v15, v9;
	vm5 =	vle.s32 v15, v10;
	s28 =	sor.u32 s29, s28  }
0x28e: {  	s26 =	sadd.s32 $0xFFFFFFFF, s26;
	p2 =	por $0x1, $0x1;
	v16 =	vmov v13;
	vm4 =	vmand vm4, vm5;
	v15 =	vmov v11;
	v17 =	vld [tilespmem:s28+$0x400];
	s28 =	sadd.s32 $0x10, s25  }
.LBB2_58:
0x28f: {  	s29 =	sshrl.u32 s28, $0x7;
	p3 =	sne.s32 s26, $0x1;
	s26 =	sadd.s32 $0xFFFFFFFF, s26;
	v14 =	vnsel vm4, $0xCE6E6B28, v14;
	v18 =	vnsel vm4, $0x0, v18  }
.Ltmp43:
0x290: {  	s29 =	sadd.s32 s24, s29;
	v15 =	vmax.f32 v15, v14;
	v16 =	vadd.f32 v18, v16;
	(pc) =	sbr.rel @p3 .LBB2_58-.Ltmp43, $4  }
0x291: {  	s29 =	sshll.u32 s29, $0xB  }
0x292: {  	s30 =	sand.u32 $0x70, s28;
	v19 =	vor.u32 s25, v7;
	s25 =	smov.u32 s28;
	s29 =	sshra.s32 s29, $0x2  }
0x293: {  	vm4 =	vge.s32 v19, v9;
	vm5 =	vle.s32 v19, v10;
	s29 =	sor.u32 s30, s29;
	v18 =	vmul.f32 v17, v17;
	v14 =	vmovc v17  }
0x294: {  	s28 =	sadd.s32 $0x10, s28;
	vm4 =	vmand vm4, vm5;
	v17 =	vld [tilespmem:s29+$0x400]  }
.Ltmp44:
0x295: {  	_ = 	snop;
	(pc) =	sbr.rel .LBB2_60-.Ltmp44, $2  }
0x296: {  	_ =	sdelay $0x2  }
0x297: {  	v19 =	vmov v14;
	v14 =	vmov v17  }
.LBB2_57:
.Ltmp45:
0x298: {  	_ = 	snop;
	(pc) =	sbr.rel .LBB2_60-.Ltmp45, $2  }
0x299: {  	_ =	sdelay $0x2  }
0x29a: {  	v19 =	vmovc v14;
	v15 =	vmov v11;
	v16 =	vmov v13;
	v14 =	vmov v17  }
.LBB2_63:
0x29b: {  	_ =	sfence.sel $0x180000  }
0x29c: {  	[bflag:$0x0] =	sbarrier.arrive $0xFFFF  }
0x29d: {  	_ =	strace $0x90000047  }
0x29e: {  	s0 =	sadd.s32 @!p0 $0x100000, s1;
	[bflag:$0x2] =	sbarrier.arrive $0xFFFF  }
0x29f: {  	[sflag:s0] =	ssyncadd.tile.s32 @!p0 $0x1;
	_ =	shalt  }
.Lfunc_end2:
_tile_overlayer_lowered:
.L_overlay_start_2:
0x2a0: {  	(tag) =	ssettag $0x2  }
0x2a1: {  	s0 =	rddreg [dreg:$0x0];
	s2 =	stileid.u32  }
0x2a2: {  	s1 =	rddreg [dreg:$0x1];
	p0 =	sne.s32 s2, $0x0  }
0x2a3: {  	s3 =	rddreg [dreg:$0x2];
	[bflag:$0x3] =	sbarrier.arrive $0xFFFF;
	s2 =	simm.s32 @!p0 $0x1C02  }
0x2a4: {  	[timem:s3], [sflag:s2] =	dma.local @!p0 [hbm:s0], s1  }
0x2a5: {  	s0 =	simm.s32 @!p0 $0x2  }
0x2a6: {  	_ =	swait.ge @!p0 [sflag:s0], s1  }
0x2a7: {  	s1 =	ssub.s32 @!p0 $0x0, s1;
	[sflag:s0] =	ssyncset.done @!p0 $0x0  }
0x2a8: {  	[sflag:s0] =	ssyncadd.s32 @!p0 s1  }
0x2a9: {  	[bflag:$0x3] =	sbarrier.arrive $0xFFFF  }
0x2aa: {  	_ =	shalt  }

</sc_bundles>
